<compile_context>
chip_gen: v7x
topology: tpu7x:2x2x1
jax: 0.10.2.dev20260603
libtpu: 0.0.44.dev20260713+nightly
codegen_flags: <defaults>
</compile_context>

<pallas_src>
import functools
import jax
import jax.numpy as jnp
from jax import lax
from jax.experimental import pallas as pl
from jax.experimental.pallas import tpu as pltpu
from jax.experimental.pallas import tpu_sc as plsc

TIME_STEP = 0.001
T = 1000
B = 256
C = 256
NC = 2
NS = 16
L = 16
NW = NC * NS
ROWS_PER_W = B // NW
T_CHUNK = 200
N_CHUNK = T // T_CHUNK
CHUNKS = ROWS_PER_W * N_CHUNK


@functools.partial(
    pl.kernel,
    out_type=jax.ShapeDtypeStruct((B, T, C), jnp.float32),
    mesh=plsc.VectorSubcoreMesh(core_axis_name="c", subcore_axis_name="s"),
    scratch_types=[
        pltpu.VMEM((ROWS_PER_W, C), jnp.float32),
        pltpu.VMEM((T_CHUNK, C), jnp.float32),
        pltpu.VMEM((T_CHUNK, C), jnp.float32),
        pltpu.SemaphoreType.DMA,
        pltpu.SemaphoreType.DMA,
    ],
    compiler_params=pltpu.CompilerParams(needs_layout_passes=False),
)
def _sc_one_hot(x_hbm, out_hbm, xrows_v, buf_a, buf_b, sem_a, sem_b):
    wid = lax.axis_index("s") * NC + lax.axis_index("c")
    row0 = wid * ROWS_PER_W
    xload = pltpu.make_async_copy(
        x_hbm.at[pl.ds(row0, ROWS_PER_W)], xrows_v, sem_a
    )
    xload.start()

    ones16 = jnp.ones((L,), jnp.float32)
    zeros16 = jnp.zeros((L,), jnp.float32)
    col_iota = lax.iota(jnp.int32, L)

    def zero(buf):
        def body(i, carry):
            for j in range(C // L):
                buf[i, pl.ds(j * L, L)] = jnp.zeros((L,), jnp.float32)
            return carry

        lax.fori_loop(0, T_CHUNK, body, 0)

    def put(c, buf, val):
        r = c // N_CHUNK
        t0 = (c % N_CHUNK) * T_CHUNK
        for j in range(C // L):
            xv = xrows_v[r, pl.ds(j * L, L)]
            rr = (xv / TIME_STEP).astype(jnp.int32) - t0
            m = (rr >= 0) & (rr < T_CHUNK)
            cols = col_iota + (j * L)
            plsc.store_scatter(buf, [rr, cols], val, mask=m)

    def copy(c, buf, sem):
        r = c // N_CHUNK
        t0 = pl.multiple_of((c % N_CHUNK) * T_CHUNK, T_CHUNK)
        return pltpu.make_async_copy(
            buf, out_hbm.at[row0 + r, pl.ds(t0, T_CHUNK)], sem
        )

    zero(buf_a)
    xload.wait()
    put(0, buf_a, ones16)
    copy(0, buf_a, sem_a).start()
    zero(buf_b)
    put(1, buf_b, ones16)
    copy(1, buf_b, sem_b).start()

    def pair(p, carry):
        c0 = 2 * p
        copy(c0 - 2, buf_a, sem_a).wait()
        put(c0 - 2, buf_a, zeros16)
        put(c0, buf_a, ones16)
        copy(c0, buf_a, sem_a).start()
        copy(c0 - 1, buf_b, sem_b).wait()
        put(c0 - 1, buf_b, zeros16)
        put(c0 + 1, buf_b, ones16)
        copy(c0 + 1, buf_b, sem_b).start()
        return carry

    lax.fori_loop(1, CHUNKS // 2, pair, 0)

    copy(CHUNKS - 2, buf_a, sem_a).wait()
    copy(CHUNKS - 1, buf_b, sem_b).wait()


def kernel(x):
    return _sc_one_hot(x)

# --- scband reference (transcript-rebuilt; emitter-appended) ---
"""Pipeline reference for scband-spike-times-to-dense-20486994002374 (READ-ONLY COPY).

The authoritative reference and input builder live on the scoring server;
editing this copy changes nothing except your own understanding.
"""

import jax, jax.numpy as jnp
import numpy as np

TIME_STEP = 0.001
SIZE = 1000

def setup_inputs(seed: int = 0) -> dict:
    key = jax.random.key(seed)
    # spike times uniform in [0, 1) seconds -> bins in [0, 999], all < SIZE
    x = jax.random.uniform(key, (256, 256), dtype=jnp.float32)
    return {"x": x}

def reference(x):
    bins = (x / TIME_STEP).astype(jnp.int32)
    # size is not None branch of the torch module
    n_time_steps = SIZE
    n_time_steps_tmp = SIZE
    dense = jnp.zeros((x.shape[0], n_time_steps_tmp) + tuple(x.shape[1:]), dtype=jnp.float32)
    mesh = jnp.meshgrid(*[jnp.arange(s) for s in x.shape], indexing='ij')
    slc = (mesh[0], bins) + tuple(mesh[1:])
    dense = dense.at[slc].set(1.0)
    return dense[:, :n_time_steps]

if __name__ == "__main__":
    import jax
    _d = setup_inputs()
    print(jax.jit(kernel)(*tuple(_d.values())))

</pallas_src>

<mosaic_0001>
#map = affine_map<(d0, d1) -> (0, 0)>
#map1 = affine_map<(d0, d1) -> (0, 0, 0)>
module attributes {stable_mosaic.version = 14 : i64} {
  func.func @_sc_one_hot(%arg0: i32, %arg1: i32, %arg2: memref<256x256xf32, #tpu.memory_space<hbm>>, %arg3: memref<256x1000x256xf32, #tpu.memory_space<hbm>>, %arg4: memref<8x256xf32, #tpu.memory_space<vmem>>, %arg5: memref<200x256xf32, #tpu.memory_space<vmem>>, %arg6: memref<200x256xf32, #tpu.memory_space<vmem>>, %arg7: memref<!tpu.dma_semaphore, #tpu.memory_space<semaphore_mem>>, %arg8: memref<!tpu.dma_semaphore, #tpu.memory_space<semaphore_mem>>) attributes {dimension_semantics = [#tpu.dimension_semantics<core_parallel>, #tpu.dimension_semantics<subcore_parallel>], iteration_bounds = array<i64: 2, 16>, scalar_prefetch = 0 : i64, scratch_operands = 5 : i64, tpu.core_type = #tpu.core_type<sc_vector_subcore>, window_params = [{transform_indices = #map}, {transform_indices = #map1}]} {
    %mul3A = arith.constant 2 : i32
    %mul3A_0 = arith.muli %arg1, %mul3A : i32
    %add3A = arith.addi %mul3A_0, %arg0 : i32
    %mul3A_1 = arith.constant 8 : i32
    %mul3A_2 = arith.muli %add3A, %mul3A_1 : i32
    %dma_start3A = arith.constant 0 : i32
    %dma_start3A_3 = tpu.memref_slice %arg2[%mul3A_2, %dma_start3A] : memref<256x256xf32, #tpu.memory_space<hbm>> -> memref<8x256xf32, #tpu.memory_space<hbm>>
    %dma_start3A_4 = arith.constant 0 : i32
    %dma_start3A_5 = tpu.memref_slice %arg2[%mul3A_2, %dma_start3A_4] : memref<256x256xf32, #tpu.memory_space<hbm>> -> memref<8x256xf32, #tpu.memory_space<hbm>>
    tpu.enqueue_dma source(%dma_start3A_5 : memref<8x256xf32, #tpu.memory_space<hbm>>) target(%arg4 : memref<8x256xf32, #tpu.memory_space<vmem>>) target_semaphore(%arg7 : memref<!tpu.dma_semaphore, #tpu.memory_space<semaphore_mem>>)
    %broadcast_in_dim3A = arith.constant 1.000000e+00 : f32
    %broadcast_in_dim3A_6 = vector.broadcast %broadcast_in_dim3A : f32 to vector<16xf32>
    %broadcast_in_dim3A_7 = arith.constant 0.000000e+00 : f32
    %broadcast_in_dim3A_8 = vector.broadcast %broadcast_in_dim3A_7 : f32 to vector<16xf32>
    %iota3A = tpu.iota {dimensions = array<i32: 0>} : vector<16xi32>
    %scan3A = arith.constant 0 : i32
    %scan3A_9 = arith.constant 0 : i32
    %scan3A_10 = arith.constant 200 : i32
    %scan3A_11 = arith.addi %scan3A_9, %scan3A_10 : i32
    %scan3A_12 = arith.constant 1 : i32
    scf.for %scan3A_733 = %scan3A_9 to %scan3A_11 step %scan3A_12  : i32 {
      %broadcast_in_dim3A_734 = arith.constant 0.000000e+00 : f32
      %broadcast_in_dim3A_735 = vector.broadcast %broadcast_in_dim3A_734 : f32 to vector<16xf32>
      %swap3A = arith.index_cast %scan3A_733 : i32 to index
      %swap3A_736 = arith.constant 0 : index
      %swap3A_737 = tpu.vector_load %arg5[%swap3A, %swap3A_736] {strides = array<i32>} : memref<200x256xf32, #tpu.memory_space<vmem>>, vector<16xf32>,
      tpu.vector_store %arg5[%swap3A, %swap3A_736], %broadcast_in_dim3A_735 {strides = array<i32>} : memref<200x256xf32, #tpu.memory_space<vmem>>, vector<16xf32>,
      %broadcast_in_dim3A_738 = arith.constant 0.000000e+00 : f32
      %broadcast_in_dim3A_739 = vector.broadcast %broadcast_in_dim3A_738 : f32 to vector<16xf32>
      %swap3A_740 = arith.index_cast %scan3A_733 : i32 to index
      %swap3A_741 = arith.constant 16 : index
      %swap3A_742 = tpu.vector_load %arg5[%swap3A_740, %swap3A_741] {strides = array<i32>} : memref<200x256xf32, #tpu.memory_space<vmem>>, vector<16xf32>,
      tpu.vector_store %arg5[%swap3A_740, %swap3A_741], %broadcast_in_dim3A_739 {strides = array<i32>} : memref<200x256xf32, #tpu.memory_space<vmem>>, vector<16xf32>,
      %broadcast_in_dim3A_743 = arith.constant 0.000000e+00 : f32
      %broadcast_in_dim3A_744 = vector.broadcast %broadcast_in_dim3A_743 : f32 to vector<16xf32>
      %swap3A_745 = arith.index_cast %scan3A_733 : i32 to index
      %swap3A_746 = arith.constant 32 : index
      %swap3A_747 = tpu.vector_load %arg5[%swap3A_745, %swap3A_746] {strides = array<i32>} : memref<200x256xf32, #tpu.memory_space<vmem>>, vector<16xf32>,
      tpu.vector_store %arg5[%swap3A_745, %swap3A_746], %broadcast_in_dim3A_744 {strides = array<i32>} : memref<200x256xf32, #tpu.memory_space<vmem>>, vector<16xf32>,
      %broadcast_in_dim3A_748 = arith.constant 0.000000e+00 : f32
      %broadcast_in_dim3A_749 = vector.broadcast %broadcast_in_dim3A_748 : f32 to vector<16xf32>
      %swap3A_750 = arith.index_cast %scan3A_733 : i32 to index
      %swap3A_751 = arith.constant 48 : index
      %swap3A_752 = tpu.vector_load %arg5[%swap3A_750, %swap3A_751] {strides = array<i32>} : memref<200x256xf32, #tpu.memory_space<vmem>>, vector<16xf32>,
      tpu.vector_store %arg5[%swap3A_750, %swap3A_751], %broadcast_in_dim3A_749 {strides = array<i32>} : memref<200x256xf32, #tpu.memory_space<vmem>>, vector<16xf32>,
      %broadcast_in_dim3A_753 = arith.constant 0.000000e+00 : f32
      %broadcast_in_dim3A_754 = vector.broadcast %broadcast_in_dim3A_753 : f32 to vector<16xf32>
      %swap3A_755 = arith.index_cast %scan3A_733 : i32 to index
      %swap3A_756 = arith.constant 64 : index
      %swap3A_757 = tpu.vector_load %arg5[%swap3A_755, %swap3A_756] {strides = array<i32>} : memref<200x256xf32, #tpu.memory_space<vmem>>, vector<16xf32>,
      tpu.vector_store %arg5[%swap3A_755, %swap3A_756], %broadcast_in_dim3A_754 {strides = array<i32>} : memref<200x256xf32, #tpu.memory_space<vmem>>, vector<16xf32>,
      %broadcast_in_dim3A_758 = arith.constant 0.000000e+00 : f32
      %broadcast_in_dim3A_759 = vector.broadcast %broadcast_in_dim3A_758 : f32 to vector<16xf32>
      %swap3A_760 = arith.index_cast %scan3A_733 : i32 to index
      %swap3A_761 = arith.constant 80 : index
      %swap3A_762 = tpu.vector_load %arg5[%swap3A_760, %swap3A_761] {strides = array<i32>} : memref<200x256xf32, #tpu.memory_space<vmem>>, vector<16xf32>,
      tpu.vector_store %arg5[%swap3A_760, %swap3A_761], %broadcast_in_dim3A_759 {strides = array<i32>} : memref<200x256xf32, #tpu.memory_space<vmem>>, vector<16xf32>,
      %broadcast_in_dim3A_763 = arith.constant 0.000000e+00 : f32
      %broadcast_in_dim3A_764 = vector.broadcast %broadcast_in_dim3A_763 : f32 to vector<16xf32>
      %swap3A_765 = arith.index_cast %scan3A_733 : i32 to index
      %swap3A_766 = arith.constant 96 : index
      %swap3A_767 = tpu.vector_load %arg5[%swap3A_765, %swap3A_766] {strides = array<i32>} : memref<200x256xf32, #tpu.memory_space<vmem>>, vector<16xf32>,
      tpu.vector_store %arg5[%swap3A_765, %swap3A_766], %broadcast_in_dim3A_764 {strides = array<i32>} : memref<200x256xf32, #tpu.memory_space<vmem>>, vector<16xf32>,
      %broadcast_in_dim3A_768 = arith.constant 0.000000e+00 : f32
      %broadcast_in_dim3A_769 = vector.broadcast %broadcast_in_dim3A_768 : f32 to vector<16xf32>
      %swap3A_770 = arith.index_cast %scan3A_733 : i32 to index
      %swap3A_771 = arith.constant 112 : index
      %swap3A_772 = tpu.vector_load %arg5[%swap3A_770, %swap3A_771] {strides = array<i32>} : memref<200x256xf32, #tpu.memory_space<vmem>>, vector<16xf32>,
      tpu.vector_store %arg5[%swap3A_770, %swap3A_771], %broadcast_in_dim3A_769 {strides = array<i32>} : memref<200x256xf32, #tpu.memory_space<vmem>>, vector<16xf32>,
      %broadcast_in_dim3A_773 = arith.constant 0.000000e+00 : f32
      %broadcast_in_dim3A_774 = vector.broadcast %broadcast_in_dim3A_773 : f32 to vector<16xf32>
      %swap3A_775 = arith.index_cast %scan3A_733 : i32 to index
      %swap3A_776 = arith.constant 128 : index
      %swap3A_777 = tpu.vector_load %arg5[%swap3A_775, %swap3A_776] {strides = array<i32>} : memref<200x256xf32, #tpu.memory_space<vmem>>, vector<16xf32>,
      tpu.vector_store %arg5[%swap3A_775, %swap3A_776], %broadcast_in_dim3A_774 {strides = array<i32>} : memref<200x256xf32, #tpu.memory_space<vmem>>, vector<16xf32>,
      %broadcast_in_dim3A_778 = arith.constant 0.000000e+00 : f32
      %broadcast_in_dim3A_779 = vector.broadcast %broadcast_in_dim3A_778 : f32 to vector<16xf32>
      %swap3A_780 = arith.index_cast %scan3A_733 : i32 to index
      %swap3A_781 = arith.constant 144 : index
      %swap3A_782 = tpu.vector_load %arg5[%swap3A_780, %swap3A_781] {strides = array<i32>} : memref<200x256xf32, #tpu.memory_space<vmem>>, vector<16xf32>,
      tpu.vector_store %arg5[%swap3A_780, %swap3A_781], %broadcast_in_dim3A_779 {strides = array<i32>} : memref<200x256xf32, #tpu.memory_space<vmem>>, vector<16xf32>,
      %broadcast_in_dim3A_783 = arith.constant 0.000000e+00 : f32
      %broadcast_in_dim3A_784 = vector.broadcast %broadcast_in_dim3A_783 : f32 to vector<16xf32>
      %swap3A_785 = arith.index_cast %scan3A_733 : i32 to index
      %swap3A_786 = arith.constant 160 : index
      %swap3A_787 = tpu.vector_load %arg5[%swap3A_785, %swap3A_786] {strides = array<i32>} : memref<200x256xf32, #tpu.memory_space<vmem>>, vector<16xf32>,
      tpu.vector_store %arg5[%swap3A_785, %swap3A_786], %broadcast_in_dim3A_784 {strides = array<i32>} : memref<200x256xf32, #tpu.memory_space<vmem>>, vector<16xf32>,
      %broadcast_in_dim3A_788 = arith.constant 0.000000e+00 : f32
      %broadcast_in_dim3A_789 = vector.broadcast %broadcast_in_dim3A_788 : f32 to vector<16xf32>
      %swap3A_790 = arith.index_cast %scan3A_733 : i32 to index
      %swap3A_791 = arith.constant 176 : index
      %swap3A_792 = tpu.vector_load %arg5[%swap3A_790, %swap3A_791] {strides = array<i32>} : memref<200x256xf32, #tpu.memory_space<vmem>>, vector<16xf32>,
      tpu.vector_store %arg5[%swap3A_790, %swap3A_791], %broadcast_in_dim3A_789 {strides = array<i32>} : memref<200x256xf32, #tpu.memory_space<vmem>>, vector<16xf32>,
      %broadcast_in_dim3A_793 = arith.constant 0.000000e+00 : f32
      %broadcast_in_dim3A_794 = vector.broadcast %broadcast_in_dim3A_793 : f32 to vector<16xf32>
      %swap3A_795 = arith.index_cast %scan3A_733 : i32 to index
      %swap3A_796 = arith.constant 192 : index
      %swap3A_797 = tpu.vector_load %arg5[%swap3A_795, %swap3A_796] {strides = array<i32>} : memref<200x256xf32, #tpu.memory_space<vmem>>, vector<16xf32>,
      tpu.vector_store %arg5[%swap3A_795, %swap3A_796], %broadcast_in_dim3A_794 {strides = array<i32>} : memref<200x256xf32, #tpu.memory_space<vmem>>, vector<16xf32>,
      %broadcast_in_dim3A_798 = arith.constant 0.000000e+00 : f32
      %broadcast_in_dim3A_799 = vector.broadcast %broadcast_in_dim3A_798 : f32 to vector<16xf32>
      %swap3A_800 = arith.index_cast %scan3A_733 : i32 to index
      %swap3A_801 = arith.constant 208 : index
      %swap3A_802 = tpu.vector_load %arg5[%swap3A_800, %swap3A_801] {strides = array<i32>} : memref<200x256xf32, #tpu.memory_space<vmem>>, vector<16xf32>,
      tpu.vector_store %arg5[%swap3A_800, %swap3A_801], %broadcast_in_dim3A_799 {strides = array<i32>} : memref<200x256xf32, #tpu.memory_space<vmem>>, vector<16xf32>,
      %broadcast_in_dim3A_803 = arith.constant 0.000000e+00 : f32
      %broadcast_in_dim3A_804 = vector.broadcast %broadcast_in_dim3A_803 : f32 to vector<16xf32>
      %swap3A_805 = arith.index_cast %scan3A_733 : i32 to index
      %swap3A_806 = arith.constant 224 : index
      %swap3A_807 = tpu.vector_load %arg5[%swap3A_805, %swap3A_806] {strides = array<i32>} : memref<200x256xf32, #tpu.memory_space<vmem>>, vector<16xf32>,
      tpu.vector_store %arg5[%swap3A_805, %swap3A_806], %broadcast_in_dim3A_804 {strides = array<i32>} : memref<200x256xf32, #tpu.memory_space<vmem>>, vector<16xf32>,
      %broadcast_in_dim3A_808 = arith.constant 0.000000e+00 : f32
      %broadcast_in_dim3A_809 = vector.broadcast %broadcast_in_dim3A_808 : f32 to vector<16xf32>
      %swap3A_810 = arith.index_cast %scan3A_733 : i32 to index
      %swap3A_811 = arith.constant 240 : index
      %swap3A_812 = tpu.vector_load %arg5[%swap3A_810, %swap3A_811] {strides = array<i32>} : memref<200x256xf32, #tpu.memory_space<vmem>>, vector<16xf32>,
      tpu.vector_store %arg5[%swap3A_810, %swap3A_811], %broadcast_in_dim3A_809 {strides = array<i32>} : memref<200x256xf32, #tpu.memory_space<vmem>>, vector<16xf32>,
    }
    %scan3A_13 = arith.constant 200 : i32
    %dma_wait3A = arith.constant 0 : i32
    %dma_wait3A_14 = tpu.memref_slice %arg2[%mul3A_2, %dma_wait3A] : memref<256x256xf32, #tpu.memory_space<hbm>> -> memref<8x256xf32, #tpu.memory_space<hbm>>
    %dma_wait3A_15 = arith.constant 0 : i32
    %dma_wait3A_16 = tpu.memref_slice %arg2[%mul3A_2, %dma_wait3A_15] : memref<256x256xf32, #tpu.memory_space<hbm>> -> memref<8x256xf32, #tpu.memory_space<hbm>>
    tpu.wait_dma2 semaphore(%arg7 : memref<!tpu.dma_semaphore, #tpu.memory_space<semaphore_mem>>) src(%dma_wait3A_16 : memref<8x256xf32, #tpu.memory_space<hbm>>) dst(%arg4 : memref<8x256xf32, #tpu.memory_space<vmem>>)
    %get3A = arith.constant 0 : i32
    %get3A_17 = arith.index_cast %get3A : i32 to index
    %get3A_18 = arith.constant 0 : index
    %get3A_19 = tpu.vector_load %arg4[%get3A_17, %get3A_18] {strides = array<i32>} : memref<8x256xf32, #tpu.memory_space<vmem>>, vector<16xf32>,
    %div3A = arith.constant 1.000000e-03 : f32
    %div3A_20 = vector.broadcast %div3A : f32 to vector<16xf32>
    %div3A_21 = arith.divf %get3A_19, %div3A_20 : vector<16xf32>
    %convert_element_type3A = arith.fptosi %div3A_21 : vector<16xf32> to vector<16xi32>
    %sub3A = arith.constant 0 : i32
    %sub3A_22 = vector.broadcast %sub3A : i32 to vector<16xi32>
    %sub3A_23 = arith.subi %convert_element_type3A, %sub3A_22 : vector<16xi32>
    %ge3A = arith.constant 0 : i32
    %ge3A_24 = vector.broadcast %ge3A : i32 to vector<16xi32>
    %ge3A_25 = arith.cmpi sge, %sub3A_23, %ge3A_24 : vector<16xi32>
    %lt3A = arith.constant 200 : i32
    %lt3A_26 = vector.broadcast %lt3A : i32 to vector<16xi32>
    %lt3A_27 = arith.cmpi slt, %sub3A_23, %lt3A_26 : vector<16xi32>
    %and3A = arith.andi %ge3A_25, %lt3A_27 : vector<16xi1>
    %add3A_28 = arith.constant 0 : i32
    %add3A_29 = vector.broadcast %add3A_28 : i32 to vector<16xi32>
    %add3A_30 = arith.addi %iota3A, %add3A_29 : vector<16xi32>
    tpu.vector_store_idx %arg5[%sub3A_23, %add3A_30], %broadcast_in_dim3A_6 masked %and3A : memref<200x256xf32, #tpu.memory_space<vmem>>[vector<16xi32>, vector<16xi32>], vector<16xf32>, vector<16xi1>
    %get3A_31 = arith.constant 0 : i32
    %get3A_32 = arith.index_cast %get3A_31 : i32 to index
    %get3A_33 = arith.constant 16 : index
    %get3A_34 = tpu.vector_load %arg4[%get3A_32, %get3A_33] {strides = array<i32>} : memref<8x256xf32, #tpu.memory_space<vmem>>, vector<16xf32>,
    %div3A_35 = arith.constant 1.000000e-03 : f32
    %div3A_36 = vector.broadcast %div3A_35 : f32 to vector<16xf32>
    %div3A_37 = arith.divf %get3A_34, %div3A_36 : vector<16xf32>
    %convert_element_type3A_38 = arith.fptosi %div3A_37 : vector<16xf32> to vector<16xi32>
    %sub3A_39 = arith.constant 0 : i32
    %sub3A_40 = vector.broadcast %sub3A_39 : i32 to vector<16xi32>
    %sub3A_41 = arith.subi %convert_element_type3A_38, %sub3A_40 : vector<16xi32>
    %ge3A_42 = arith.constant 0 : i32
    %ge3A_43 = vector.broadcast %ge3A_42 : i32 to vector<16xi32>
    %ge3A_44 = arith.cmpi sge, %sub3A_41, %ge3A_43 : vector<16xi32>
    %lt3A_45 = arith.constant 200 : i32
    %lt3A_46 = vector.broadcast %lt3A_45 : i32 to vector<16xi32>
    %lt3A_47 = arith.cmpi slt, %sub3A_41, %lt3A_46 : vector<16xi32>
    %and3A_48 = arith.andi %ge3A_44, %lt3A_47 : vector<16xi1>
    %add3A_49 = arith.constant 16 : i32
    %add3A_50 = vector.broadcast %add3A_49 : i32 to vector<16xi32>
    %add3A_51 = arith.addi %iota3A, %add3A_50 : vector<16xi32>
    tpu.vector_store_idx %arg5[%sub3A_41, %add3A_51], %broadcast_in_dim3A_6 masked %and3A_48 : memref<200x256xf32, #tpu.memory_space<vmem>>[vector<16xi32>, vector<16xi32>], vector<16xf32>, vector<16xi1>
    %get3A_52 = arith.constant 0 : i32
    %get3A_53 = arith.index_cast %get3A_52 : i32 to index
    %get3A_54 = arith.constant 32 : index
    %get3A_55 = tpu.vector_load %arg4[%get3A_53, %get3A_54] {strides = array<i32>} : memref<8x256xf32, #tpu.memory_space<vmem>>, vector<16xf32>,
    %div3A_56 = arith.constant 1.000000e-03 : f32
    %div3A_57 = vector.broadcast %div3A_56 : f32 to vector<16xf32>
    %div3A_58 = arith.divf %get3A_55, %div3A_57 : vector<16xf32>
    %convert_element_type3A_59 = arith.fptosi %div3A_58 : vector<16xf32> to vector<16xi32>
    %sub3A_60 = arith.constant 0 : i32
    %sub3A_61 = vector.broadcast %sub3A_60 : i32 to vector<16xi32>
    %sub3A_62 = arith.subi %convert_element_type3A_59, %sub3A_61 : vector<16xi32>
    %ge3A_63 = arith.constant 0 : i32
    %ge3A_64 = vector.broadcast %ge3A_63 : i32 to vector<16xi32>
    %ge3A_65 = arith.cmpi sge, %sub3A_62, %ge3A_64 : vector<16xi32>
    %lt3A_66 = arith.constant 200 : i32
    %lt3A_67 = vector.broadcast %lt3A_66 : i32 to vector<16xi32>
    %lt3A_68 = arith.cmpi slt, %sub3A_62, %lt3A_67 : vector<16xi32>
    %and3A_69 = arith.andi %ge3A_65, %lt3A_68 : vector<16xi1>
    %add3A_70 = arith.constant 32 : i32
    %add3A_71 = vector.broadcast %add3A_70 : i32 to vector<16xi32>
    %add3A_72 = arith.addi %iota3A, %add3A_71 : vector<16xi32>
    tpu.vector_store_idx %arg5[%sub3A_62, %add3A_72], %broadcast_in_dim3A_6 masked %and3A_69 : memref<200x256xf32, #tpu.memory_space<vmem>>[vector<16xi32>, vector<16xi32>], vector<16xf32>, vector<16xi1>
    %get3A_73 = arith.constant 0 : i32
    %get3A_74 = arith.index_cast %get3A_73 : i32 to index
    %get3A_75 = arith.constant 48 : index
    %get3A_76 = tpu.vector_load %arg4[%get3A_74, %get3A_75] {strides = array<i32>} : memref<8x256xf32, #tpu.memory_space<vmem>>, vector<16xf32>,
    %div3A_77 = arith.constant 1.000000e-03 : f32
    %div3A_78 = vector.broadcast %div3A_77 : f32 to vector<16xf32>
    %div3A_79 = arith.divf %get3A_76, %div3A_78 : vector<16xf32>
    %convert_element_type3A_80 = arith.fptosi %div3A_79 : vector<16xf32> to vector<16xi32>
    %sub3A_81 = arith.constant 0 : i32
    %sub3A_82 = vector.broadcast %sub3A_81 : i32 to vector<16xi32>
    %sub3A_83 = arith.subi %convert_element_type3A_80, %sub3A_82 : vector<16xi32>
    %ge3A_84 = arith.constant 0 : i32
    %ge3A_85 = vector.broadcast %ge3A_84 : i32 to vector<16xi32>
    %ge3A_86 = arith.cmpi sge, %sub3A_83, %ge3A_85 : vector<16xi32>
    %lt3A_87 = arith.constant 200 : i32
    %lt3A_88 = vector.broadcast %lt3A_87 : i32 to vector<16xi32>
    %lt3A_89 = arith.cmpi slt, %sub3A_83, %lt3A_88 : vector<16xi32>
    %and3A_90 = arith.andi %ge3A_86, %lt3A_89 : vector<16xi1>
    %add3A_91 = arith.constant 48 : i32
    %add3A_92 = vector.broadcast %add3A_91 : i32 to vector<16xi32>
    %add3A_93 = arith.addi %iota3A, %add3A_92 : vector<16xi32>
    tpu.vector_store_idx %arg5[%sub3A_83, %add3A_93], %broadcast_in_dim3A_6 masked %and3A_90 : memref<200x256xf32, #tpu.memory_space<vmem>>[vector<16xi32>, vector<16xi32>], vector<16xf32>, vector<16xi1>
    %get3A_94 = arith.constant 0 : i32
    %get3A_95 = arith.index_cast %get3A_94 : i32 to index
    %get3A_96 = arith.constant 64 : index
    %get3A_97 = tpu.vector_load %arg4[%get3A_95, %get3A_96] {strides = array<i32>} : memref<8x256xf32, #tpu.memory_space<vmem>>, vector<16xf32>,
    %div3A_98 = arith.constant 1.000000e-03 : f32
    %div3A_99 = vector.broadcast %div3A_98 : f32 to vector<16xf32>
    %div3A_100 = arith.divf %get3A_97, %div3A_99 : vector<16xf32>
    %convert_element_type3A_101 = arith.fptosi %div3A_100 : vector<16xf32> to vector<16xi32>
    %sub3A_102 = arith.constant 0 : i32
    %sub3A_103 = vector.broadcast %sub3A_102 : i32 to vector<16xi32>
    %sub3A_104 = arith.subi %convert_element_type3A_101, %sub3A_103 : vector<16xi32>
    %ge3A_105 = arith.constant 0 : i32
    %ge3A_106 = vector.broadcast %ge3A_105 : i32 to vector<16xi32>
    %ge3A_107 = arith.cmpi sge, %sub3A_104, %ge3A_106 : vector<16xi32>
    %lt3A_108 = arith.constant 200 : i32
    %lt3A_109 = vector.broadcast %lt3A_108 : i32 to vector<16xi32>
    %lt3A_110 = arith.cmpi slt, %sub3A_104, %lt3A_109 : vector<16xi32>
    %and3A_111 = arith.andi %ge3A_107, %lt3A_110 : vector<16xi1>
    %add3A_112 = arith.constant 64 : i32
    %add3A_113 = vector.broadcast %add3A_112 : i32 to vector<16xi32>
    %add3A_114 = arith.addi %iota3A, %add3A_113 : vector<16xi32>
    tpu.vector_store_idx %arg5[%sub3A_104, %add3A_114], %broadcast_in_dim3A_6 masked %and3A_111 : memref<200x256xf32, #tpu.memory_space<vmem>>[vector<16xi32>, vector<16xi32>], vector<16xf32>, vector<16xi1>
    %get3A_115 = arith.constant 0 : i32
    %get3A_116 = arith.index_cast %get3A_115 : i32 to index
    %get3A_117 = arith.constant 80 : index
    %get3A_118 = tpu.vector_load %arg4[%get3A_116, %get3A_117] {strides = array<i32>} : memref<8x256xf32, #tpu.memory_space<vmem>>, vector<16xf32>,
    %div3A_119 = arith.constant 1.000000e-03 : f32
    %div3A_120 = vector.broadcast %div3A_119 : f32 to vector<16xf32>
    %div3A_121 = arith.divf %get3A_118, %div3A_120 : vector<16xf32>
    %convert_element_type3A_122 = arith.fptosi %div3A_121 : vector<16xf32> to vector<16xi32>
    %sub3A_123 = arith.constant 0 : i32
    %sub3A_124 = vector.broadcast %sub3A_123 : i32 to vector<16xi32>
    %sub3A_125 = arith.subi %convert_element_type3A_122, %sub3A_124 : vector<16xi32>
    %ge3A_126 = arith.constant 0 : i32
    %ge3A_127 = vector.broadcast %ge3A_126 : i32 to vector<16xi32>
    %ge3A_128 = arith.cmpi sge, %sub3A_125, %ge3A_127 : vector<16xi32>
    %lt3A_129 = arith.constant 200 : i32
    %lt3A_130 = vector.broadcast %lt3A_129 : i32 to vector<16xi32>
    %lt3A_131 = arith.cmpi slt, %sub3A_125, %lt3A_130 : vector<16xi32>
    %and3A_132 = arith.andi %ge3A_128, %lt3A_131 : vector<16xi1>
    %add3A_133 = arith.constant 80 : i32
    %add3A_134 = vector.broadcast %add3A_133 : i32 to vector<16xi32>
    %add3A_135 = arith.addi %iota3A, %add3A_134 : vector<16xi32>
    tpu.vector_store_idx %arg5[%sub3A_125, %add3A_135], %broadcast_in_dim3A_6 masked %and3A_132 : memref<200x256xf32, #tpu.memory_space<vmem>>[vector<16xi32>, vector<16xi32>], vector<16xf32>, vector<16xi1>
    %get3A_136 = arith.constant 0 : i32
    %get3A_137 = arith.index_cast %get3A_136 : i32 to index
    %get3A_138 = arith.constant 96 : index
    %get3A_139 = tpu.vector_load %arg4[%get3A_137, %get3A_138] {strides = array<i32>} : memref<8x256xf32, #tpu.memory_space<vmem>>, vector<16xf32>,
    %div3A_140 = arith.constant 1.000000e-03 : f32
    %div3A_141 = vector.broadcast %div3A_140 : f32 to vector<16xf32>
    %div3A_142 = arith.divf %get3A_139, %div3A_141 : vector<16xf32>
    %convert_element_type3A_143 = arith.fptosi %div3A_142 : vector<16xf32> to vector<16xi32>
    %sub3A_144 = arith.constant 0 : i32
    %sub3A_145 = vector.broadcast %sub3A_144 : i32 to vector<16xi32>
    %sub3A_146 = arith.subi %convert_element_type3A_143, %sub3A_145 : vector<16xi32>
    %ge3A_147 = arith.constant 0 : i32
    %ge3A_148 = vector.broadcast %ge3A_147 : i32 to vector<16xi32>
    %ge3A_149 = arith.cmpi sge, %sub3A_146, %ge3A_148 : vector<16xi32>
    %lt3A_150 = arith.constant 200 : i32
    %lt3A_151 = vector.broadcast %lt3A_150 : i32 to vector<16xi32>
    %lt3A_152 = arith.cmpi slt, %sub3A_146, %lt3A_151 : vector<16xi32>
    %and3A_153 = arith.andi %ge3A_149, %lt3A_152 : vector<16xi1>
    %add3A_154 = arith.constant 96 : i32
    %add3A_155 = vector.broadcast %add3A_154 : i32 to vector<16xi32>
    %add3A_156 = arith.addi %iota3A, %add3A_155 : vector<16xi32>
    tpu.vector_store_idx %arg5[%sub3A_146, %add3A_156], %broadcast_in_dim3A_6 masked %and3A_153 : memref<200x256xf32, #tpu.memory_space<vmem>>[vector<16xi32>, vector<16xi32>], vector<16xf32>, vector<16xi1>
    %get3A_157 = arith.constant 0 : i32
    %get3A_158 = arith.index_cast %get3A_157 : i32 to index
    %get3A_159 = arith.constant 112 : index
    %get3A_160 = tpu.vector_load %arg4[%get3A_158, %get3A_159] {strides = array<i32>} : memref<8x256xf32, #tpu.memory_space<vmem>>, vector<16xf32>,
    %div3A_161 = arith.constant 1.000000e-03 : f32
    %div3A_162 = vector.broadcast %div3A_161 : f32 to vector<16xf32>
    %div3A_163 = arith.divf %get3A_160, %div3A_162 : vector<16xf32>
    %convert_element_type3A_164 = arith.fptosi %div3A_163 : vector<16xf32> to vector<16xi32>
    %sub3A_165 = arith.constant 0 : i32
    %sub3A_166 = vector.broadcast %sub3A_165 : i32 to vector<16xi32>
    %sub3A_167 = arith.subi %convert_element_type3A_164, %sub3A_166 : vector<16xi32>
    %ge3A_168 = arith.constant 0 : i32
    %ge3A_169 = vector.broadcast %ge3A_168 : i32 to vector<16xi32>
    %ge3A_170 = arith.cmpi sge, %sub3A_167, %ge3A_169 : vector<16xi32>
    %lt3A_171 = arith.constant 200 : i32
    %lt3A_172 = vector.broadcast %lt3A_171 : i32 to vector<16xi32>
    %lt3A_173 = arith.cmpi slt, %sub3A_167, %lt3A_172 : vector<16xi32>
    %and3A_174 = arith.andi %ge3A_170, %lt3A_173 : vector<16xi1>
    %add3A_175 = arith.constant 112 : i32
    %add3A_176 = vector.broadcast %add3A_175 : i32 to vector<16xi32>
    %add3A_177 = arith.addi %iota3A, %add3A_176 : vector<16xi32>
    tpu.vector_store_idx %arg5[%sub3A_167, %add3A_177], %broadcast_in_dim3A_6 masked %and3A_174 : memref<200x256xf32, #tpu.memory_space<vmem>>[vector<16xi32>, vector<16xi32>], vector<16xf32>, vector<16xi1>
    %get3A_178 = arith.constant 0 : i32
    %get3A_179 = arith.index_cast %get3A_178 : i32 to index
    %get3A_180 = arith.constant 128 : index
    %get3A_181 = tpu.vector_load %arg4[%get3A_179, %get3A_180] {strides = array<i32>} : memref<8x256xf32, #tpu.memory_space<vmem>>, vector<16xf32>,
    %div3A_182 = arith.constant 1.000000e-03 : f32
    %div3A_183 = vector.broadcast %div3A_182 : f32 to vector<16xf32>
    %div3A_184 = arith.divf %get3A_181, %div3A_183 : vector<16xf32>
    %convert_element_type3A_185 = arith.fptosi %div3A_184 : vector<16xf32> to vector<16xi32>
    %sub3A_186 = arith.constant 0 : i32
    %sub3A_187 = vector.broadcast %sub3A_186 : i32 to vector<16xi32>
    %sub3A_188 = arith.subi %convert_element_type3A_185, %sub3A_187 : vector<16xi32>
    %ge3A_189 = arith.constant 0 : i32
    %ge3A_190 = vector.broadcast %ge3A_189 : i32 to vector<16xi32>
    %ge3A_191 = arith.cmpi sge, %sub3A_188, %ge3A_190 : vector<16xi32>
    %lt3A_192 = arith.constant 200 : i32
    %lt3A_193 = vector.broadcast %lt3A_192 : i32 to vector<16xi32>
    %lt3A_194 = arith.cmpi slt, %sub3A_188, %lt3A_193 : vector<16xi32>
    %and3A_195 = arith.andi %ge3A_191, %lt3A_194 : vector<16xi1>
    %add3A_196 = arith.constant 128 : i32
    %add3A_197 = vector.broadcast %add3A_196 : i32 to vector<16xi32>
    %add3A_198 = arith.addi %iota3A, %add3A_197 : vector<16xi32>
    tpu.vector_store_idx %arg5[%sub3A_188, %add3A_198], %broadcast_in_dim3A_6 masked %and3A_195 : memref<200x256xf32, #tpu.memory_space<vmem>>[vector<16xi32>, vector<16xi32>], vector<16xf32>, vector<16xi1>
    %get3A_199 = arith.constant 0 : i32
    %get3A_200 = arith.index_cast %get3A_199 : i32 to index
    %get3A_201 = arith.constant 144 : index
    %get3A_202 = tpu.vector_load %arg4[%get3A_200, %get3A_201] {strides = array<i32>} : memref<8x256xf32, #tpu.memory_space<vmem>>, vector<16xf32>,
    %div3A_203 = arith.constant 1.000000e-03 : f32
    %div3A_204 = vector.broadcast %div3A_203 : f32 to vector<16xf32>
    %div3A_205 = arith.divf %get3A_202, %div3A_204 : vector<16xf32>
    %convert_element_type3A_206 = arith.fptosi %div3A_205 : vector<16xf32> to vector<16xi32>
    %sub3A_207 = arith.constant 0 : i32
    %sub3A_208 = vector.broadcast %sub3A_207 : i32 to vector<16xi32>
    %sub3A_209 = arith.subi %convert_element_type3A_206, %sub3A_208 : vector<16xi32>
    %ge3A_210 = arith.constant 0 : i32
    %ge3A_211 = vector.broadcast %ge3A_210 : i32 to vector<16xi32>
    %ge3A_212 = arith.cmpi sge, %sub3A_209, %ge3A_211 : vector<16xi32>
    %lt3A_213 = arith.constant 200 : i32
    %lt3A_214 = vector.broadcast %lt3A_213 : i32 to vector<16xi32>
    %lt3A_215 = arith.cmpi slt, %sub3A_209, %lt3A_214 : vector<16xi32>
    %and3A_216 = arith.andi %ge3A_212, %lt3A_215 : vector<16xi1>
    %add3A_217 = arith.constant 144 : i32
    %add3A_218 = vector.broadcast %add3A_217 : i32 to vector<16xi32>
    %add3A_219 = arith.addi %iota3A, %add3A_218 : vector<16xi32>
    tpu.vector_store_idx %arg5[%sub3A_209, %add3A_219], %broadcast_in_dim3A_6 masked %and3A_216 : memref<200x256xf32, #tpu.memory_space<vmem>>[vector<16xi32>, vector<16xi32>], vector<16xf32>, vector<16xi1>
    %get3A_220 = arith.constant 0 : i32
    %get3A_221 = arith.index_cast %get3A_220 : i32 to index
    %get3A_222 = arith.constant 160 : index
    %get3A_223 = tpu.vector_load %arg4[%get3A_221, %get3A_222] {strides = array<i32>} : memref<8x256xf32, #tpu.memory_space<vmem>>, vector<16xf32>,
    %div3A_224 = arith.constant 1.000000e-03 : f32
    %div3A_225 = vector.broadcast %div3A_224 : f32 to vector<16xf32>
    %div3A_226 = arith.divf %get3A_223, %div3A_225 : vector<16xf32>
    %convert_element_type3A_227 = arith.fptosi %div3A_226 : vector<16xf32> to vector<16xi32>
    %sub3A_228 = arith.constant 0 : i32
    %sub3A_229 = vector.broadcast %sub3A_228 : i32 to vector<16xi32>
    %sub3A_230 = arith.subi %convert_element_type3A_227, %sub3A_229 : vector<16xi32>
    %ge3A_231 = arith.constant 0 : i32
    %ge3A_232 = vector.broadcast %ge3A_231 : i32 to vector<16xi32>
    %ge3A_233 = arith.cmpi sge, %sub3A_230, %ge3A_232 : vector<16xi32>
    %lt3A_234 = arith.constant 200 : i32
    %lt3A_235 = vector.broadcast %lt3A_234 : i32 to vector<16xi32>
    %lt3A_236 = arith.cmpi slt, %sub3A_230, %lt3A_235 : vector<16xi32>
    %and3A_237 = arith.andi %ge3A_233, %lt3A_236 : vector<16xi1>
    %add3A_238 = arith.constant 160 : i32
    %add3A_239 = vector.broadcast %add3A_238 : i32 to vector<16xi32>
    %add3A_240 = arith.addi %iota3A, %add3A_239 : vector<16xi32>
    tpu.vector_store_idx %arg5[%sub3A_230, %add3A_240], %broadcast_in_dim3A_6 masked %and3A_237 : memref<200x256xf32, #tpu.memory_space<vmem>>[vector<16xi32>, vector<16xi32>], vector<16xf32>, vector<16xi1>
    %get3A_241 = arith.constant 0 : i32
    %get3A_242 = arith.index_cast %get3A_241 : i32 to index
    %get3A_243 = arith.constant 176 : index
    %get3A_244 = tpu.vector_load %arg4[%get3A_242, %get3A_243] {strides = array<i32>} : memref<8x256xf32, #tpu.memory_space<vmem>>, vector<16xf32>,
    %div3A_245 = arith.constant 1.000000e-03 : f32
    %div3A_246 = vector.broadcast %div3A_245 : f32 to vector<16xf32>
    %div3A_247 = arith.divf %get3A_244, %div3A_246 : vector<16xf32>
    %convert_element_type3A_248 = arith.fptosi %div3A_247 : vector<16xf32> to vector<16xi32>
    %sub3A_249 = arith.constant 0 : i32
    %sub3A_250 = vector.broadcast %sub3A_249 : i32 to vector<16xi32>
    %sub3A_251 = arith.subi %convert_element_type3A_248, %sub3A_250 : vector<16xi32>
    %ge3A_252 = arith.constant 0 : i32
    %ge3A_253 = vector.broadcast %ge3A_252 : i32 to vector<16xi32>
    %ge3A_254 = arith.cmpi sge, %sub3A_251, %ge3A_253 : vector<16xi32>
    %lt3A_255 = arith.constant 200 : i32
    %lt3A_256 = vector.broadcast %lt3A_255 : i32 to vector<16xi32>
    %lt3A_257 = arith.cmpi slt, %sub3A_251, %lt3A_256 : vector<16xi32>
    %and3A_258 = arith.andi %ge3A_254, %lt3A_257 : vector<16xi1>
    %add3A_259 = arith.constant 176 : i32
    %add3A_260 = vector.broadcast %add3A_259 : i32 to vector<16xi32>
    %add3A_261 = arith.addi %iota3A, %add3A_260 : vector<16xi32>
    tpu.vector_store_idx %arg5[%sub3A_251, %add3A_261], %broadcast_in_dim3A_6 masked %and3A_258 : memref<200x256xf32, #tpu.memory_space<vmem>>[vector<16xi32>, vector<16xi32>], vector<16xf32>, vector<16xi1>
    %get3A_262 = arith.constant 0 : i32
    %get3A_263 = arith.index_cast %get3A_262 : i32 to index
    %get3A_264 = arith.constant 192 : index
    %get3A_265 = tpu.vector_load %arg4[%get3A_263, %get3A_264] {strides = array<i32>} : memref<8x256xf32, #tpu.memory_space<vmem>>, vector<16xf32>,
    %div3A_266 = arith.constant 1.000000e-03 : f32
    %div3A_267 = vector.broadcast %div3A_266 : f32 to vector<16xf32>
    %div3A_268 = arith.divf %get3A_265, %div3A_267 : vector<16xf32>
    %convert_element_type3A_269 = arith.fptosi %div3A_268 : vector<16xf32> to vector<16xi32>
    %sub3A_270 = arith.constant 0 : i32
    %sub3A_271 = vector.broadcast %sub3A_270 : i32 to vector<16xi32>
    %sub3A_272 = arith.subi %convert_element_type3A_269, %sub3A_271 : vector<16xi32>
    %ge3A_273 = arith.constant 0 : i32
    %ge3A_274 = vector.broadcast %ge3A_273 : i32 to vector<16xi32>
    %ge3A_275 = arith.cmpi sge, %sub3A_272, %ge3A_274 : vector<16xi32>
    %lt3A_276 = arith.constant 200 : i32
    %lt3A_277 = vector.broadcast %lt3A_276 : i32 to vector<16xi32>
    %lt3A_278 = arith.cmpi slt, %sub3A_272, %lt3A_277 : vector<16xi32>
    %and3A_279 = arith.andi %ge3A_275, %lt3A_278 : vector<16xi1>
    %add3A_280 = arith.constant 192 : i32
    %add3A_281 = vector.broadcast %add3A_280 : i32 to vector<16xi32>
    %add3A_282 = arith.addi %iota3A, %add3A_281 : vector<16xi32>
    tpu.vector_store_idx %arg5[%sub3A_272, %add3A_282], %broadcast_in_dim3A_6 masked %and3A_279 : memref<200x256xf32, #tpu.memory_space<vmem>>[vector<16xi32>, vector<16xi32>], vector<16xf32>, vector<16xi1>
    %get3A_283 = arith.constant 0 : i32
    %get3A_284 = arith.index_cast %get3A_283 : i32 to index
    %get3A_285 = arith.constant 208 : index
    %get3A_286 = tpu.vector_load %arg4[%get3A_284, %get3A_285] {strides = array<i32>} : memref<8x256xf32, #tpu.memory_space<vmem>>, vector<16xf32>,
    %div3A_287 = arith.constant 1.000000e-03 : f32
    %div3A_288 = vector.broadcast %div3A_287 : f32 to vector<16xf32>
    %div3A_289 = arith.divf %get3A_286, %div3A_288 : vector<16xf32>
    %convert_element_type3A_290 = arith.fptosi %div3A_289 : vector<16xf32> to vector<16xi32>
    %sub3A_291 = arith.constant 0 : i32
    %sub3A_292 = vector.broadcast %sub3A_291 : i32 to vector<16xi32>
    %sub3A_293 = arith.subi %convert_element_type3A_290, %sub3A_292 : vector<16xi32>
    %ge3A_294 = arith.constant 0 : i32
    %ge3A_295 = vector.broadcast %ge3A_294 : i32 to vector<16xi32>
    %ge3A_296 = arith.cmpi sge, %sub3A_293, %ge3A_295 : vector<16xi32>
    %lt3A_297 = arith.constant 200 : i32
    %lt3A_298 = vector.broadcast %lt3A_297 : i32 to vector<16xi32>
    %lt3A_299 = arith.cmpi slt, %sub3A_293, %lt3A_298 : vector<16xi32>
    %and3A_300 = arith.andi %ge3A_296, %lt3A_299 : vector<16xi1>
    %add3A_301 = arith.constant 208 : i32
    %add3A_302 = vector.broadcast %add3A_301 : i32 to vector<16xi32>
    %add3A_303 = arith.addi %iota3A, %add3A_302 : vector<16xi32>
    tpu.vector_store_idx %arg5[%sub3A_293, %add3A_303], %broadcast_in_dim3A_6 masked %and3A_300 : memref<200x256xf32, #tpu.memory_space<vmem>>[vector<16xi32>, vector<16xi32>], vector<16xf32>, vector<16xi1>
    %get3A_304 = arith.constant 0 : i32
    %get3A_305 = arith.index_cast %get3A_304 : i32 to index
    %get3A_306 = arith.constant 224 : index
    %get3A_307 = tpu.vector_load %arg4[%get3A_305, %get3A_306] {strides = array<i32>} : memref<8x256xf32, #tpu.memory_space<vmem>>, vector<16xf32>,
    %div3A_308 = arith.constant 1.000000e-03 : f32
    %div3A_309 = vector.broadcast %div3A_308 : f32 to vector<16xf32>
    %div3A_310 = arith.divf %get3A_307, %div3A_309 : vector<16xf32>
    %convert_element_type3A_311 = arith.fptosi %div3A_310 : vector<16xf32> to vector<16xi32>
    %sub3A_312 = arith.constant 0 : i32
    %sub3A_313 = vector.broadcast %sub3A_312 : i32 to vector<16xi32>
    %sub3A_314 = arith.subi %convert_element_type3A_311, %sub3A_313 : vector<16xi32>
    %ge3A_315 = arith.constant 0 : i32
    %ge3A_316 = vector.broadcast %ge3A_315 : i32 to vector<16xi32>
    %ge3A_317 = arith.cmpi sge, %sub3A_314, %ge3A_316 : vector<16xi32>
    %lt3A_318 = arith.constant 200 : i32
    %lt3A_319 = vector.broadcast %lt3A_318 : i32 to vector<16xi32>
    %lt3A_320 = arith.cmpi slt, %sub3A_314, %lt3A_319 : vector<16xi32>
    %and3A_321 = arith.andi %ge3A_317, %lt3A_320 : vector<16xi1>
    %add3A_322 = arith.constant 224 : i32
    %add3A_323 = vector.broadcast %add3A_322 : i32 to vector<16xi32>
    %add3A_324 = arith.addi %iota3A, %add3A_323 : vector<16xi32>
    tpu.vector_store_idx %arg5[%sub3A_314, %add3A_324], %broadcast_in_dim3A_6 masked %and3A_321 : memref<200x256xf32, #tpu.memory_space<vmem>>[vector<16xi32>, vector<16xi32>], vector<16xf32>, vector<16xi1>
    %get3A_325 = arith.constant 0 : i32
    %get3A_326 = arith.index_cast %get3A_325 : i32 to index
    %get3A_327 = arith.constant 240 : index
    %get3A_328 = tpu.vector_load %arg4[%get3A_326, %get3A_327] {strides = array<i32>} : memref<8x256xf32, #tpu.memory_space<vmem>>, vector<16xf32>,
    %div3A_329 = arith.constant 1.000000e-03 : f32
    %div3A_330 = vector.broadcast %div3A_329 : f32 to vector<16xf32>
    %div3A_331 = arith.divf %get3A_328, %div3A_330 : vector<16xf32>
    %convert_element_type3A_332 = arith.fptosi %div3A_331 : vector<16xf32> to vector<16xi32>
    %sub3A_333 = arith.constant 0 : i32
    %sub3A_334 = vector.broadcast %sub3A_333 : i32 to vector<16xi32>
    %sub3A_335 = arith.subi %convert_element_type3A_332, %sub3A_334 : vector<16xi32>
    %ge3A_336 = arith.constant 0 : i32
    %ge3A_337 = vector.broadcast %ge3A_336 : i32 to vector<16xi32>
    %ge3A_338 = arith.cmpi sge, %sub3A_335, %ge3A_337 : vector<16xi32>
    %lt3A_339 = arith.constant 200 : i32
    %lt3A_340 = vector.broadcast %lt3A_339 : i32 to vector<16xi32>
    %lt3A_341 = arith.cmpi slt, %sub3A_335, %lt3A_340 : vector<16xi32>
    %and3A_342 = arith.andi %ge3A_338, %lt3A_341 : vector<16xi1>
    %add3A_343 = arith.constant 240 : i32
    %add3A_344 = vector.broadcast %add3A_343 : i32 to vector<16xi32>
    %add3A_345 = arith.addi %iota3A, %add3A_344 : vector<16xi32>
    tpu.vector_store_idx %arg5[%sub3A_335, %add3A_345], %broadcast_in_dim3A_6 masked %and3A_342 : memref<200x256xf32, #tpu.memory_space<vmem>>[vector<16xi32>, vector<16xi32>], vector<16xf32>, vector<16xi1>
    %multiple_of3A = arith.constant 0 : i32
    %multiple_of3A_346 = tpu.assume_multiple %multiple_of3A, 200 : i32
    %add3A_347 = arith.constant 0 : i32
    %add3A_348 = arith.addi %mul3A_2, %add3A_347 : i32
    %dma_start3A_349 = arith.constant 0 : i32
    %dma_start3A_350 = tpu.memref_slice %arg3[%add3A_348, %multiple_of3A_346, %dma_start3A_349] : memref<256x1000x256xf32, #tpu.memory_space<hbm>> -> memref<1x200x256xf32, #tpu.memory_space<hbm>>
    %dma_start3A_351 = tpu.memref_squeeze %dma_start3A_350 : memref<1x200x256xf32, #tpu.memory_space<hbm>> -> memref<200x256xf32, #tpu.memory_space<hbm>>
    %dma_start3A_352 = arith.constant 0 : i32
    %dma_start3A_353 = tpu.memref_slice %arg3[%add3A_348, %multiple_of3A_346, %dma_start3A_352] : memref<256x1000x256xf32, #tpu.memory_space<hbm>> -> memref<1x200x256xf32, #tpu.memory_space<hbm>>
    %dma_start3A_354 = tpu.memref_squeeze %dma_start3A_353 : memref<1x200x256xf32, #tpu.memory_space<hbm>> -> memref<200x256xf32, #tpu.memory_space<hbm>>
    tpu.enqueue_dma source(%arg5 : memref<200x256xf32, #tpu.memory_space<vmem>>) target(%dma_start3A_354 : memref<200x256xf32, #tpu.memory_space<hbm>>) target_semaphore(%arg7 : memref<!tpu.dma_semaphore, #tpu.memory_space<semaphore_mem>>)
    %scan3A_355 = arith.constant 0 : i32
    %scan3A_356 = arith.constant 0 : i32
    %scan3A_357 = arith.constant 200 : i32
    %scan3A_358 = arith.addi %scan3A_356, %scan3A_357 : i32
    %scan3A_359 = arith.constant 1 : i32
    scf.for %scan3A_733 = %scan3A_356 to %scan3A_358 step %scan3A_359  : i32 {
      %broadcast_in_dim3A_734 = arith.constant 0.000000e+00 : f32
      %broadcast_in_dim3A_735 = vector.broadcast %broadcast_in_dim3A_734 : f32 to vector<16xf32>
      %swap3A = arith.index_cast %scan3A_733 : i32 to index
      %swap3A_736 = arith.constant 0 : index
      %swap3A_737 = tpu.vector_load %arg6[%swap3A, %swap3A_736] {strides = array<i32>} : memref<200x256xf32, #tpu.memory_space<vmem>>, vector<16xf32>,
      tpu.vector_store %arg6[%swap3A, %swap3A_736], %broadcast_in_dim3A_735 {strides = array<i32>} : memref<200x256xf32, #tpu.memory_space<vmem>>, vector<16xf32>,
      %broadcast_in_dim3A_738 = arith.constant 0.000000e+00 : f32
      %broadcast_in_dim3A_739 = vector.broadcast %broadcast_in_dim3A_738 : f32 to vector<16xf32>
      %swap3A_740 = arith.index_cast %scan3A_733 : i32 to index
      %swap3A_741 = arith.constant 16 : index
      %swap3A_742 = tpu.vector_load %arg6[%swap3A_740, %swap3A_741] {strides = array<i32>} : memref<200x256xf32, #tpu.memory_space<vmem>>, vector<16xf32>,
      tpu.vector_store %arg6[%swap3A_740, %swap3A_741], %broadcast_in_dim3A_739 {strides = array<i32>} : memref<200x256xf32, #tpu.memory_space<vmem>>, vector<16xf32>,
      %broadcast_in_dim3A_743 = arith.constant 0.000000e+00 : f32
      %broadcast_in_dim3A_744 = vector.broadcast %broadcast_in_dim3A_743 : f32 to vector<16xf32>
      %swap3A_745 = arith.index_cast %scan3A_733 : i32 to index
      %swap3A_746 = arith.constant 32 : index
      %swap3A_747 = tpu.vector_load %arg6[%swap3A_745, %swap3A_746] {strides = array<i32>} : memref<200x256xf32, #tpu.memory_space<vmem>>, vector<16xf32>,
      tpu.vector_store %arg6[%swap3A_745, %swap3A_746], %broadcast_in_dim3A_744 {strides = array<i32>} : memref<200x256xf32, #tpu.memory_space<vmem>>, vector<16xf32>,
      %broadcast_in_dim3A_748 = arith.constant 0.000000e+00 : f32
      %broadcast_in_dim3A_749 = vector.broadcast %broadcast_in_dim3A_748 : f32 to vector<16xf32>
      %swap3A_750 = arith.index_cast %scan3A_733 : i32 to index
      %swap3A_751 = arith.constant 48 : index
      %swap3A_752 = tpu.vector_load %arg6[%swap3A_750, %swap3A_751] {strides = array<i32>} : memref<200x256xf32, #tpu.memory_space<vmem>>, vector<16xf32>,
      tpu.vector_store %arg6[%swap3A_750, %swap3A_751], %broadcast_in_dim3A_749 {strides = array<i32>} : memref<200x256xf32, #tpu.memory_space<vmem>>, vector<16xf32>,
      %broadcast_in_dim3A_753 = arith.constant 0.000000e+00 : f32
      %broadcast_in_dim3A_754 = vector.broadcast %broadcast_in_dim3A_753 : f32 to vector<16xf32>
      %swap3A_755 = arith.index_cast %scan3A_733 : i32 to index
      %swap3A_756 = arith.constant 64 : index
      %swap3A_757 = tpu.vector_load %arg6[%swap3A_755, %swap3A_756] {strides = array<i32>} : memref<200x256xf32, #tpu.memory_space<vmem>>, vector<16xf32>,
      tpu.vector_store %arg6[%swap3A_755, %swap3A_756], %broadcast_in_dim3A_754 {strides = array<i32>} : memref<200x256xf32, #tpu.memory_space<vmem>>, vector<16xf32>,
      %broadcast_in_dim3A_758 = arith.constant 0.000000e+00 : f32
      %broadcast_in_dim3A_759 = vector.broadcast %broadcast_in_dim3A_758 : f32 to vector<16xf32>
      %swap3A_760 = arith.index_cast %scan3A_733 : i32 to index
      %swap3A_761 = arith.constant 80 : index
      %swap3A_762 = tpu.vector_load %arg6[%swap3A_760, %swap3A_761] {strides = array<i32>} : memref<200x256xf32, #tpu.memory_space<vmem>>, vector<16xf32>,
      tpu.vector_store %arg6[%swap3A_760, %swap3A_761], %broadcast_in_dim3A_759 {strides = array<i32>} : memref<200x256xf32, #tpu.memory_space<vmem>>, vector<16xf32>,
      %broadcast_in_dim3A_763 = arith.constant 0.000000e+00 : f32
      %broadcast_in_dim3A_764 = vector.broadcast %broadcast_in_dim3A_763 : f32 to vector<16xf32>
      %swap3A_765 = arith.index_cast %scan3A_733 : i32 to index
      %swap3A_766 = arith.constant 96 : index
      %swap3A_767 = tpu.vector_load %arg6[%swap3A_765, %swap3A_766] {strides = array<i32>} : memref<200x256xf32, #tpu.memory_space<vmem>>, vector<16xf32>,
      tpu.vector_store %arg6[%swap3A_765, %swap3A_766], %broadcast_in_dim3A_764 {strides = array<i32>} : memref<200x256xf32, #tpu.memory_space<vmem>>, vector<16xf32>,
      %broadcast_in_dim3A_768 = arith.constant 0.000000e+00 : f32
      %broadcast_in_dim3A_769 = vector.broadcast %broadcast_in_dim3A_768 : f32 to vector<16xf32>
      %swap3A_770 = arith.index_cast %scan3A_733 : i32 to index
      %swap3A_771 = arith.constant 112 : index
      %swap3A_772 = tpu.vector_load %arg6[%swap3A_770, %swap3A_771] {strides = array<i32>} : memref<200x256xf32, #tpu.memory_space<vmem>>, vector<16xf32>,
      tpu.vector_store %arg6[%swap3A_770, %swap3A_771], %broadcast_in_dim3A_769 {strides = array<i32>} : memref<200x256xf32, #tpu.memory_space<vmem>>, vector<16xf32>,
      %broadcast_in_dim3A_773 = arith.constant 0.000000e+00 : f32
      %broadcast_in_dim3A_774 = vector.broadcast %broadcast_in_dim3A_773 : f32 to vector<16xf32>
      %swap3A_775 = arith.index_cast %scan3A_733 : i32 to index
      %swap3A_776 = arith.constant 128 : index
      %swap3A_777 = tpu.vector_load %arg6[%swap3A_775, %swap3A_776] {strides = array<i32>} : memref<200x256xf32, #tpu.memory_space<vmem>>, vector<16xf32>,
      tpu.vector_store %arg6[%swap3A_775, %swap3A_776], %broadcast_in_dim3A_774 {strides = array<i32>} : memref<200x256xf32, #tpu.memory_space<vmem>>, vector<16xf32>,
      %broadcast_in_dim3A_778 = arith.constant 0.000000e+00 : f32
      %broadcast_in_dim3A_779 = vector.broadcast %broadcast_in_dim3A_778 : f32 to vector<16xf32>
      %swap3A_780 = arith.index_cast %scan3A_733 : i32 to index
      %swap3A_781 = arith.constant 144 : index
      %swap3A_782 = tpu.vector_load %arg6[%swap3A_780, %swap3A_781] {strides = array<i32>} : memref<200x256xf32, #tpu.memory_space<vmem>>, vector<16xf32>,
      tpu.vector_store %arg6[%swap3A_780, %swap3A_781], %broadcast_in_dim3A_779 {strides = array<i32>} : memref<200x256xf32, #tpu.memory_space<vmem>>, vector<16xf32>,
      %broadcast_in_dim3A_783 = arith.constant 0.000000e+00 : f32
      %broadcast_in_dim3A_784 = vector.broadcast %broadcast_in_dim3A_783 : f32 to vector<16xf32>
      %swap3A_785 = arith.index_cast %scan3A_733 : i32 to index
      %swap3A_786 = arith.constant 160 : index
      %swap3A_787 = tpu.vector_load %arg6[%swap3A_785, %swap3A_786] {strides = array<i32>} : memref<200x256xf32, #tpu.memory_space<vmem>>, vector<16xf32>,
      tpu.vector_store %arg6[%swap3A_785, %swap3A_786], %broadcast_in_dim3A_784 {strides = array<i32>} : memref<200x256xf32, #tpu.memory_space<vmem>>, vector<16xf32>,
      %broadcast_in_dim3A_788 = arith.constant 0.000000e+00 : f32
      %broadcast_in_dim3A_789 = vector.broadcast %broadcast_in_dim3A_788 : f32 to vector<16xf32>
      %swap3A_790 = arith.index_cast %scan3A_733 : i32 to index
      %swap3A_791 = arith.constant 176 : index
      %swap3A_792 = tpu.vector_load %arg6[%swap3A_790, %swap3A_791] {strides = array<i32>} : memref<200x256xf32, #tpu.memory_space<vmem>>, vector<16xf32>,
      tpu.vector_store %arg6[%swap3A_790, %swap3A_791], %broadcast_in_dim3A_789 {strides = array<i32>} : memref<200x256xf32, #tpu.memory_space<vmem>>, vector<16xf32>,
      %broadcast_in_dim3A_793 = arith.constant 0.000000e+00 : f32
      %broadcast_in_dim3A_794 = vector.broadcast %broadcast_in_dim3A_793 : f32 to vector<16xf32>
      %swap3A_795 = arith.index_cast %scan3A_733 : i32 to index
      %swap3A_796 = arith.constant 192 : index
      %swap3A_797 = tpu.vector_load %arg6[%swap3A_795, %swap3A_796] {strides = array<i32>} : memref<200x256xf32, #tpu.memory_space<vmem>>, vector<16xf32>,
      tpu.vector_store %arg6[%swap3A_795, %swap3A_796], %broadcast_in_dim3A_794 {strides = array<i32>} : memref<200x256xf32, #tpu.memory_space<vmem>>, vector<16xf32>,
      %broadcast_in_dim3A_798 = arith.constant 0.000000e+00 : f32
      %broadcast_in_dim3A_799 = vector.broadcast %broadcast_in_dim3A_798 : f32 to vector<16xf32>
      %swap3A_800 = arith.index_cast %scan3A_733 : i32 to index
      %swap3A_801 = arith.constant 208 : index
      %swap3A_802 = tpu.vector_load %arg6[%swap3A_800, %swap3A_801] {strides = array<i32>} : memref<200x256xf32, #tpu.memory_space<vmem>>, vector<16xf32>,
      tpu.vector_store %arg6[%swap3A_800, %swap3A_801], %broadcast_in_dim3A_799 {strides = array<i32>} : memref<200x256xf32, #tpu.memory_space<vmem>>, vector<16xf32>,
      %broadcast_in_dim3A_803 = arith.constant 0.000000e+00 : f32
      %broadcast_in_dim3A_804 = vector.broadcast %broadcast_in_dim3A_803 : f32 to vector<16xf32>
      %swap3A_805 = arith.index_cast %scan3A_733 : i32 to index
      %swap3A_806 = arith.constant 224 : index
      %swap3A_807 = tpu.vector_load %arg6[%swap3A_805, %swap3A_806] {strides = array<i32>} : memref<200x256xf32, #tpu.memory_space<vmem>>, vector<16xf32>,
      tpu.vector_store %arg6[%swap3A_805, %swap3A_806], %broadcast_in_dim3A_804 {strides = array<i32>} : memref<200x256xf32, #tpu.memory_space<vmem>>, vector<16xf32>,
      %broadcast_in_dim3A_808 = arith.constant 0.000000e+00 : f32
      %broadcast_in_dim3A_809 = vector.broadcast %broadcast_in_dim3A_808 : f32 to vector<16xf32>
      %swap3A_810 = arith.index_cast %scan3A_733 : i32 to index
      %swap3A_811 = arith.constant 240 : index
      %swap3A_812 = tpu.vector_load %arg6[%swap3A_810, %swap3A_811] {strides = array<i32>} : memref<200x256xf32, #tpu.memory_space<vmem>>, vector<16xf32>,
      tpu.vector_store %arg6[%swap3A_810, %swap3A_811], %broadcast_in_dim3A_809 {strides = array<i32>} : memref<200x256xf32, #tpu.memory_space<vmem>>, vector<16xf32>,
    }
    %scan3A_360 = arith.constant 200 : i32
    %get3A_361 = arith.constant 0 : i32
    %get3A_362 = arith.index_cast %get3A_361 : i32 to index
    %get3A_363 = arith.constant 0 : index
    %get3A_364 = tpu.vector_load %arg4[%get3A_362, %get3A_363] {strides = array<i32>} : memref<8x256xf32, #tpu.memory_space<vmem>>, vector<16xf32>,
    %div3A_365 = arith.constant 1.000000e-03 : f32
    %div3A_366 = vector.broadcast %div3A_365 : f32 to vector<16xf32>
    %div3A_367 = arith.divf %get3A_364, %div3A_366 : vector<16xf32>
    %convert_element_type3A_368 = arith.fptosi %div3A_367 : vector<16xf32> to vector<16xi32>
    %sub3A_369 = arith.constant 200 : i32
    %sub3A_370 = vector.broadcast %sub3A_369 : i32 to vector<16xi32>
    %sub3A_371 = arith.subi %convert_element_type3A_368, %sub3A_370 : vector<16xi32>
    %ge3A_372 = arith.constant 0 : i32
    %ge3A_373 = vector.broadcast %ge3A_372 : i32 to vector<16xi32>
    %ge3A_374 = arith.cmpi sge, %sub3A_371, %ge3A_373 : vector<16xi32>
    %lt3A_375 = arith.constant 200 : i32
    %lt3A_376 = vector.broadcast %lt3A_375 : i32 to vector<16xi32>
    %lt3A_377 = arith.cmpi slt, %sub3A_371, %lt3A_376 : vector<16xi32>
    %and3A_378 = arith.andi %ge3A_374, %lt3A_377 : vector<16xi1>
    %add3A_379 = arith.constant 0 : i32
    %add3A_380 = vector.broadcast %add3A_379 : i32 to vector<16xi32>
    %add3A_381 = arith.addi %iota3A, %add3A_380 : vector<16xi32>
    tpu.vector_store_idx %arg6[%sub3A_371, %add3A_381], %broadcast_in_dim3A_6 masked %and3A_378 : memref<200x256xf32, #tpu.memory_space<vmem>>[vector<16xi32>, vector<16xi32>], vector<16xf32>, vector<16xi1>
    %get3A_382 = arith.constant 0 : i32
    %get3A_383 = arith.index_cast %get3A_382 : i32 to index
    %get3A_384 = arith.constant 16 : index
    %get3A_385 = tpu.vector_load %arg4[%get3A_383, %get3A_384] {strides = array<i32>} : memref<8x256xf32, #tpu.memory_space<vmem>>, vector<16xf32>,
    %div3A_386 = arith.constant 1.000000e-03 : f32
    %div3A_387 = vector.broadcast %div3A_386 : f32 to vector<16xf32>
    %div3A_388 = arith.divf %get3A_385, %div3A_387 : vector<16xf32>
    %convert_element_type3A_389 = arith.fptosi %div3A_388 : vector<16xf32> to vector<16xi32>
    %sub3A_390 = arith.constant 200 : i32
    %sub3A_391 = vector.broadcast %sub3A_390 : i32 to vector<16xi32>
    %sub3A_392 = arith.subi %convert_element_type3A_389, %sub3A_391 : vector<16xi32>
    %ge3A_393 = arith.constant 0 : i32
    %ge3A_394 = vector.broadcast %ge3A_393 : i32 to vector<16xi32>
    %ge3A_395 = arith.cmpi sge, %sub3A_392, %ge3A_394 : vector<16xi32>
    %lt3A_396 = arith.constant 200 : i32
    %lt3A_397 = vector.broadcast %lt3A_396 : i32 to vector<16xi32>
    %lt3A_398 = arith.cmpi slt, %sub3A_392, %lt3A_397 : vector<16xi32>
    %and3A_399 = arith.andi %ge3A_395, %lt3A_398 : vector<16xi1>
    %add3A_400 = arith.constant 16 : i32
    %add3A_401 = vector.broadcast %add3A_400 : i32 to vector<16xi32>
    %add3A_402 = arith.addi %iota3A, %add3A_401 : vector<16xi32>
    tpu.vector_store_idx %arg6[%sub3A_392, %add3A_402], %broadcast_in_dim3A_6 masked %and3A_399 : memref<200x256xf32, #tpu.memory_space<vmem>>[vector<16xi32>, vector<16xi32>], vector<16xf32>, vector<16xi1>
    %get3A_403 = arith.constant 0 : i32
    %get3A_404 = arith.index_cast %get3A_403 : i32 to index
    %get3A_405 = arith.constant 32 : index
    %get3A_406 = tpu.vector_load %arg4[%get3A_404, %get3A_405] {strides = array<i32>} : memref<8x256xf32, #tpu.memory_space<vmem>>, vector<16xf32>,
    %div3A_407 = arith.constant 1.000000e-03 : f32
    %div3A_408 = vector.broadcast %div3A_407 : f32 to vector<16xf32>
    %div3A_409 = arith.divf %get3A_406, %div3A_408 : vector<16xf32>
    %convert_element_type3A_410 = arith.fptosi %div3A_409 : vector<16xf32> to vector<16xi32>
    %sub3A_411 = arith.constant 200 : i32
    %sub3A_412 = vector.broadcast %sub3A_411 : i32 to vector<16xi32>
    %sub3A_413 = arith.subi %convert_element_type3A_410, %sub3A_412 : vector<16xi32>
    %ge3A_414 = arith.constant 0 : i32
    %ge3A_415 = vector.broadcast %ge3A_414 : i32 to vector<16xi32>
    %ge3A_416 = arith.cmpi sge, %sub3A_413, %ge3A_415 : vector<16xi32>
    %lt3A_417 = arith.constant 200 : i32
    %lt3A_418 = vector.broadcast %lt3A_417 : i32 to vector<16xi32>
    %lt3A_419 = arith.cmpi slt, %sub3A_413, %lt3A_418 : vector<16xi32>
    %and3A_420 = arith.andi %ge3A_416, %lt3A_419 : vector<16xi1>
    %add3A_421 = arith.constant 32 : i32
    %add3A_422 = vector.broadcast %add3A_421 : i32 to vector<16xi32>
    %add3A_423 = arith.addi %iota3A, %add3A_422 : vector<16xi32>
    tpu.vector_store_idx %arg6[%sub3A_413, %add3A_423], %broadcast_in_dim3A_6 masked %and3A_420 : memref<200x256xf32, #tpu.memory_space<vmem>>[vector<16xi32>, vector<16xi32>], vector<16xf32>, vector<16xi1>
    %get3A_424 = arith.constant 0 : i32
    %get3A_425 = arith.index_cast %get3A_424 : i32 to index
    %get3A_426 = arith.constant 48 : index
    %get3A_427 = tpu.vector_load %arg4[%get3A_425, %get3A_426] {strides = array<i32>} : memref<8x256xf32, #tpu.memory_space<vmem>>, vector<16xf32>,
    %div3A_428 = arith.constant 1.000000e-03 : f32
    %div3A_429 = vector.broadcast %div3A_428 : f32 to vector<16xf32>
    %div3A_430 = arith.divf %get3A_427, %div3A_429 : vector<16xf32>
    %convert_element_type3A_431 = arith.fptosi %div3A_430 : vector<16xf32> to vector<16xi32>
    %sub3A_432 = arith.constant 200 : i32
    %sub3A_433 = vector.broadcast %sub3A_432 : i32 to vector<16xi32>
    %sub3A_434 = arith.subi %convert_element_type3A_431, %sub3A_433 : vector<16xi32>
    %ge3A_435 = arith.constant 0 : i32
    %ge3A_436 = vector.broadcast %ge3A_435 : i32 to vector<16xi32>
    %ge3A_437 = arith.cmpi sge, %sub3A_434, %ge3A_436 : vector<16xi32>
    %lt3A_438 = arith.constant 200 : i32
    %lt3A_439 = vector.broadcast %lt3A_438 : i32 to vector<16xi32>
    %lt3A_440 = arith.cmpi slt, %sub3A_434, %lt3A_439 : vector<16xi32>
    %and3A_441 = arith.andi %ge3A_437, %lt3A_440 : vector<16xi1>
    %add3A_442 = arith.constant 48 : i32
    %add3A_443 = vector.broadcast %add3A_442 : i32 to vector<16xi32>
    %add3A_444 = arith.addi %iota3A, %add3A_443 : vector<16xi32>
    tpu.vector_store_idx %arg6[%sub3A_434, %add3A_444], %broadcast_in_dim3A_6 masked %and3A_441 : memref<200x256xf32, #tpu.memory_space<vmem>>[vector<16xi32>, vector<16xi32>], vector<16xf32>, vector<16xi1>
    %get3A_445 = arith.constant 0 : i32
    %get3A_446 = arith.index_cast %get3A_445 : i32 to index
    %get3A_447 = arith.constant 64 : index
    %get3A_448 = tpu.vector_load %arg4[%get3A_446, %get3A_447] {strides = array<i32>} : memref<8x256xf32, #tpu.memory_space<vmem>>, vector<16xf32>,
    %div3A_449 = arith.constant 1.000000e-03 : f32
    %div3A_450 = vector.broadcast %div3A_449 : f32 to vector<16xf32>
    %div3A_451 = arith.divf %get3A_448, %div3A_450 : vector<16xf32>
    %convert_element_type3A_452 = arith.fptosi %div3A_451 : vector<16xf32> to vector<16xi32>
    %sub3A_453 = arith.constant 200 : i32
    %sub3A_454 = vector.broadcast %sub3A_453 : i32 to vector<16xi32>
    %sub3A_455 = arith.subi %convert_element_type3A_452, %sub3A_454 : vector<16xi32>
    %ge3A_456 = arith.constant 0 : i32
    %ge3A_457 = vector.broadcast %ge3A_456 : i32 to vector<16xi32>
    %ge3A_458 = arith.cmpi sge, %sub3A_455, %ge3A_457 : vector<16xi32>
    %lt3A_459 = arith.constant 200 : i32
    %lt3A_460 = vector.broadcast %lt3A_459 : i32 to vector<16xi32>
    %lt3A_461 = arith.cmpi slt, %sub3A_455, %lt3A_460 : vector<16xi32>
    %and3A_462 = arith.andi %ge3A_458, %lt3A_461 : vector<16xi1>
    %add3A_463 = arith.constant 64 : i32
    %add3A_464 = vector.broadcast %add3A_463 : i32 to vector<16xi32>
    %add3A_465 = arith.addi %iota3A, %add3A_464 : vector<16xi32>
    tpu.vector_store_idx %arg6[%sub3A_455, %add3A_465], %broadcast_in_dim3A_6 masked %and3A_462 : memref<200x256xf32, #tpu.memory_space<vmem>>[vector<16xi32>, vector<16xi32>], vector<16xf32>, vector<16xi1>
    %get3A_466 = arith.constant 0 : i32
    %get3A_467 = arith.index_cast %get3A_466 : i32 to index
    %get3A_468 = arith.constant 80 : index
    %get3A_469 = tpu.vector_load %arg4[%get3A_467, %get3A_468] {strides = array<i32>} : memref<8x256xf32, #tpu.memory_space<vmem>>, vector<16xf32>,
    %div3A_470 = arith.constant 1.000000e-03 : f32
    %div3A_471 = vector.broadcast %div3A_470 : f32 to vector<16xf32>
    %div3A_472 = arith.divf %get3A_469, %div3A_471 : vector<16xf32>
    %convert_element_type3A_473 = arith.fptosi %div3A_472 : vector<16xf32> to vector<16xi32>
    %sub3A_474 = arith.constant 200 : i32
    %sub3A_475 = vector.broadcast %sub3A_474 : i32 to vector<16xi32>
    %sub3A_476 = arith.subi %convert_element_type3A_473, %sub3A_475 : vector<16xi32>
    %ge3A_477 = arith.constant 0 : i32
    %ge3A_478 = vector.broadcast %ge3A_477 : i32 to vector<16xi32>
    %ge3A_479 = arith.cmpi sge, %sub3A_476, %ge3A_478 : vector<16xi32>
    %lt3A_480 = arith.constant 200 : i32
    %lt3A_481 = vector.broadcast %lt3A_480 : i32 to vector<16xi32>
    %lt3A_482 = arith.cmpi slt, %sub3A_476, %lt3A_481 : vector<16xi32>
    %and3A_483 = arith.andi %ge3A_479, %lt3A_482 : vector<16xi1>
    %add3A_484 = arith.constant 80 : i32
    %add3A_485 = vector.broadcast %add3A_484 : i32 to vector<16xi32>
    %add3A_486 = arith.addi %iota3A, %add3A_485 : vector<16xi32>
    tpu.vector_store_idx %arg6[%sub3A_476, %add3A_486], %broadcast_in_dim3A_6 masked %and3A_483 : memref<200x256xf32, #tpu.memory_space<vmem>>[vector<16xi32>, vector<16xi32>], vector<16xf32>, vector<16xi1>
    %get3A_487 = arith.constant 0 : i32
    %get3A_488 = arith.index_cast %get3A_487 : i32 to index
    %get3A_489 = arith.constant 96 : index
    %get3A_490 = tpu.vector_load %arg4[%get3A_488, %get3A_489] {strides = array<i32>} : memref<8x256xf32, #tpu.memory_space<vmem>>, vector<16xf32>,
    %div3A_491 = arith.constant 1.000000e-03 : f32
    %div3A_492 = vector.broadcast %div3A_491 : f32 to vector<16xf32>
    %div3A_493 = arith.divf %get3A_490, %div3A_492 : vector<16xf32>
    %convert_element_type3A_494 = arith.fptosi %div3A_493 : vector<16xf32> to vector<16xi32>
    %sub3A_495 = arith.constant 200 : i32
    %sub3A_496 = vector.broadcast %sub3A_495 : i32 to vector<16xi32>
    %sub3A_497 = arith.subi %convert_element_type3A_494, %sub3A_496 : vector<16xi32>
    %ge3A_498 = arith.constant 0 : i32
    %ge3A_499 = vector.broadcast %ge3A_498 : i32 to vector<16xi32>
    %ge3A_500 = arith.cmpi sge, %sub3A_497, %ge3A_499 : vector<16xi32>
    %lt3A_501 = arith.constant 200 : i32
    %lt3A_502 = vector.broadcast %lt3A_501 : i32 to vector<16xi32>
    %lt3A_503 = arith.cmpi slt, %sub3A_497, %lt3A_502 : vector<16xi32>
    %and3A_504 = arith.andi %ge3A_500, %lt3A_503 : vector<16xi1>
    %add3A_505 = arith.constant 96 : i32
    %add3A_506 = vector.broadcast %add3A_505 : i32 to vector<16xi32>
    %add3A_507 = arith.addi %iota3A, %add3A_506 : vector<16xi32>
    tpu.vector_store_idx %arg6[%sub3A_497, %add3A_507], %broadcast_in_dim3A_6 masked %and3A_504 : memref<200x256xf32, #tpu.memory_space<vmem>>[vector<16xi32>, vector<16xi32>], vector<16xf32>, vector<16xi1>
    %get3A_508 = arith.constant 0 : i32
    %get3A_509 = arith.index_cast %get3A_508 : i32 to index
    %get3A_510 = arith.constant 112 : index
    %get3A_511 = tpu.vector_load %arg4[%get3A_509, %get3A_510] {strides = array<i32>} : memref<8x256xf32, #tpu.memory_space<vmem>>, vector<16xf32>,
    %div3A_512 = arith.constant 1.000000e-03 : f32
    %div3A_513 = vector.broadcast %div3A_512 : f32 to vector<16xf32>
    %div3A_514 = arith.divf %get3A_511, %div3A_513 : vector<16xf32>
    %convert_element_type3A_515 = arith.fptosi %div3A_514 : vector<16xf32> to vector<16xi32>
    %sub3A_516 = arith.constant 200 : i32
    %sub3A_517 = vector.broadcast %sub3A_516 : i32 to vector<16xi32>
    %sub3A_518 = arith.subi %convert_element_type3A_515, %sub3A_517 : vector<16xi32>
    %ge3A_519 = arith.constant 0 : i32
    %ge3A_520 = vector.broadcast %ge3A_519 : i32 to vector<16xi32>
    %ge3A_521 = arith.cmpi sge, %sub3A_518, %ge3A_520 : vector<16xi32>
    %lt3A_522 = arith.constant 200 : i32
    %lt3A_523 = vector.broadcast %lt3A_522 : i32 to vector<16xi32>
    %lt3A_524 = arith.cmpi slt, %sub3A_518, %lt3A_523 : vector<16xi32>
    %and3A_525 = arith.andi %ge3A_521, %lt3A_524 : vector<16xi1>
    %add3A_526 = arith.constant 112 : i32
    %add3A_527 = vector.broadcast %add3A_526 : i32 to vector<16xi32>
    %add3A_528 = arith.addi %iota3A, %add3A_527 : vector<16xi32>
    tpu.vector_store_idx %arg6[%sub3A_518, %add3A_528], %broadcast_in_dim3A_6 masked %and3A_525 : memref<200x256xf32, #tpu.memory_space<vmem>>[vector<16xi32>, vector<16xi32>], vector<16xf32>, vector<16xi1>
    %get3A_529 = arith.constant 0 : i32
    %get3A_530 = arith.index_cast %get3A_529 : i32 to index
    %get3A_531 = arith.constant 128 : index
    %get3A_532 = tpu.vector_load %arg4[%get3A_530, %get3A_531] {strides = array<i32>} : memref<8x256xf32, #tpu.memory_space<vmem>>, vector<16xf32>,
    %div3A_533 = arith.constant 1.000000e-03 : f32
    %div3A_534 = vector.broadcast %div3A_533 : f32 to vector<16xf32>
    %div3A_535 = arith.divf %get3A_532, %div3A_534 : vector<16xf32>
    %convert_element_type3A_536 = arith.fptosi %div3A_535 : vector<16xf32> to vector<16xi32>
    %sub3A_537 = arith.constant 200 : i32
    %sub3A_538 = vector.broadcast %sub3A_537 : i32 to vector<16xi32>
    %sub3A_539 = arith.subi %convert_element_type3A_536, %sub3A_538 : vector<16xi32>
    %ge3A_540 = arith.constant 0 : i32
    %ge3A_541 = vector.broadcast %ge3A_540 : i32 to vector<16xi32>
    %ge3A_542 = arith.cmpi sge, %sub3A_539, %ge3A_541 : vector<16xi32>
    %lt3A_543 = arith.constant 200 : i32
    %lt3A_544 = vector.broadcast %lt3A_543 : i32 to vector<16xi32>
    %lt3A_545 = arith.cmpi slt, %sub3A_539, %lt3A_544 : vector<16xi32>
    %and3A_546 = arith.andi %ge3A_542, %lt3A_545 : vector<16xi1>
    %add3A_547 = arith.constant 128 : i32
    %add3A_548 = vector.broadcast %add3A_547 : i32 to vector<16xi32>
    %add3A_549 = arith.addi %iota3A, %add3A_548 : vector<16xi32>
    tpu.vector_store_idx %arg6[%sub3A_539, %add3A_549], %broadcast_in_dim3A_6 masked %and3A_546 : memref<200x256xf32, #tpu.memory_space<vmem>>[vector<16xi32>, vector<16xi32>], vector<16xf32>, vector<16xi1>
    %get3A_550 = arith.constant 0 : i32
    %get3A_551 = arith.index_cast %get3A_550 : i32 to index
    %get3A_552 = arith.constant 144 : index
    %get3A_553 = tpu.vector_load %arg4[%get3A_551, %get3A_552] {strides = array<i32>} : memref<8x256xf32, #tpu.memory_space<vmem>>, vector<16xf32>,
    %div3A_554 = arith.constant 1.000000e-03 : f32
    %div3A_555 = vector.broadcast %div3A_554 : f32 to vector<16xf32>
    %div3A_556 = arith.divf %get3A_553, %div3A_555 : vector<16xf32>
    %convert_element_type3A_557 = arith.fptosi %div3A_556 : vector<16xf32> to vector<16xi32>
    %sub3A_558 = arith.constant 200 : i32
    %sub3A_559 = vector.broadcast %sub3A_558 : i32 to vector<16xi32>
    %sub3A_560 = arith.subi %convert_element_type3A_557, %sub3A_559 : vector<16xi32>
    %ge3A_561 = arith.constant 0 : i32
    %ge3A_562 = vector.broadcast %ge3A_561 : i32 to vector<16xi32>
    %ge3A_563 = arith.cmpi sge, %sub3A_560, %ge3A_562 : vector<16xi32>
    %lt3A_564 = arith.constant 200 : i32
    %lt3A_565 = vector.broadcast %lt3A_564 : i32 to vector<16xi32>
    %lt3A_566 = arith.cmpi slt, %sub3A_560, %lt3A_565 : vector<16xi32>
    %and3A_567 = arith.andi %ge3A_563, %lt3A_566 : vector<16xi1>
    %add3A_568 = arith.constant 144 : i32
    %add3A_569 = vector.broadcast %add3A_568 : i32 to vector<16xi32>
    %add3A_570 = arith.addi %iota3A, %add3A_569 : vector<16xi32>
    tpu.vector_store_idx %arg6[%sub3A_560, %add3A_570], %broadcast_in_dim3A_6 masked %and3A_567 : memref<200x256xf32, #tpu.memory_space<vmem>>[vector<16xi32>, vector<16xi32>], vector<16xf32>, vector<16xi1>
    %get3A_571 = arith.constant 0 : i32
    %get3A_572 = arith.index_cast %get3A_571 : i32 to index
    %get3A_573 = arith.constant 160 : index
    %get3A_574 = tpu.vector_load %arg4[%get3A_572, %get3A_573] {strides = array<i32>} : memref<8x256xf32, #tpu.memory_space<vmem>>, vector<16xf32>,
    %div3A_575 = arith.constant 1.000000e-03 : f32
    %div3A_576 = vector.broadcast %div3A_575 : f32 to vector<16xf32>
    %div3A_577 = arith.divf %get3A_574, %div3A_576 : vector<16xf32>
    %convert_element_type3A_578 = arith.fptosi %div3A_577 : vector<16xf32> to vector<16xi32>
    %sub3A_579 = arith.constant 200 : i32
    %sub3A_580 = vector.broadcast %sub3A_579 : i32 to vector<16xi32>
    %sub3A_581 = arith.subi %convert_element_type3A_578, %sub3A_580 : vector<16xi32>
    %ge3A_582 = arith.constant 0 : i32
    %ge3A_583 = vector.broadcast %ge3A_582 : i32 to vector<16xi32>
    %ge3A_584 = arith.cmpi sge, %sub3A_581, %ge3A_583 : vector<16xi32>
    %lt3A_585 = arith.constant 200 : i32
    %lt3A_586 = vector.broadcast %lt3A_585 : i32 to vector<16xi32>
    %lt3A_587 = arith.cmpi slt, %sub3A_581, %lt3A_586 : vector<16xi32>
    %and3A_588 = arith.andi %ge3A_584, %lt3A_587 : vector<16xi1>
    %add3A_589 = arith.constant 160 : i32
    %add3A_590 = vector.broadcast %add3A_589 : i32 to vector<16xi32>
    %add3A_591 = arith.addi %iota3A, %add3A_590 : vector<16xi32>
    tpu.vector_store_idx %arg6[%sub3A_581, %add3A_591], %broadcast_in_dim3A_6 masked %and3A_588 : memref<200x256xf32, #tpu.memory_space<vmem>>[vector<16xi32>, vector<16xi32>], vector<16xf32>, vector<16xi1>
    %get3A_592 = arith.constant 0 : i32
    %get3A_593 = arith.index_cast %get3A_592 : i32 to index
    %get3A_594 = arith.constant 176 : index
    %get3A_595 = tpu.vector_load %arg4[%get3A_593, %get3A_594] {strides = array<i32>} : memref<8x256xf32, #tpu.memory_space<vmem>>, vector<16xf32>,
    %div3A_596 = arith.constant 1.000000e-03 : f32
    %div3A_597 = vector.broadcast %div3A_596 : f32 to vector<16xf32>
    %div3A_598 = arith.divf %get3A_595, %div3A_597 : vector<16xf32>
    %convert_element_type3A_599 = arith.fptosi %div3A_598 : vector<16xf32> to vector<16xi32>
    %sub3A_600 = arith.constant 200 : i32
    %sub3A_601 = vector.broadcast %sub3A_600 : i32 to vector<16xi32>
    %sub3A_602 = arith.subi %convert_element_type3A_599, %sub3A_601 : vector<16xi32>
    %ge3A_603 = arith.constant 0 : i32
    %ge3A_604 = vector.broadcast %ge3A_603 : i32 to vector<16xi32>
    %ge3A_605 = arith.cmpi sge, %sub3A_602, %ge3A_604 : vector<16xi32>
    %lt3A_606 = arith.constant 200 : i32
    %lt3A_607 = vector.broadcast %lt3A_606 : i32 to vector<16xi32>
    %lt3A_608 = arith.cmpi slt, %sub3A_602, %lt3A_607 : vector<16xi32>
    %and3A_609 = arith.andi %ge3A_605, %lt3A_608 : vector<16xi1>
    %add3A_610 = arith.constant 176 : i32
    %add3A_611 = vector.broadcast %add3A_610 : i32 to vector<16xi32>
    %add3A_612 = arith.addi %iota3A, %add3A_611 : vector<16xi32>
    tpu.vector_store_idx %arg6[%sub3A_602, %add3A_612], %broadcast_in_dim3A_6 masked %and3A_609 : memref<200x256xf32, #tpu.memory_space<vmem>>[vector<16xi32>, vector<16xi32>], vector<16xf32>, vector<16xi1>
    %get3A_613 = arith.constant 0 : i32
    %get3A_614 = arith.index_cast %get3A_613 : i32 to index
    %get3A_615 = arith.constant 192 : index
    %get3A_616 = tpu.vector_load %arg4[%get3A_614, %get3A_615] {strides = array<i32>} : memref<8x256xf32, #tpu.memory_space<vmem>>, vector<16xf32>,
    %div3A_617 = arith.constant 1.000000e-03 : f32
    %div3A_618 = vector.broadcast %div3A_617 : f32 to vector<16xf32>
    %div3A_619 = arith.divf %get3A_616, %div3A_618 : vector<16xf32>
    %convert_element_type3A_620 = arith.fptosi %div3A_619 : vector<16xf32> to vector<16xi32>
    %sub3A_621 = arith.constant 200 : i32
    %sub3A_622 = vector.broadcast %sub3A_621 : i32 to vector<16xi32>
    %sub3A_623 = arith.subi %convert_element_type3A_620, %sub3A_622 : vector<16xi32>
    %ge3A_624 = arith.constant 0 : i32
    %ge3A_625 = vector.broadcast %ge3A_624 : i32 to vector<16xi32>
    %ge3A_626 = arith.cmpi sge, %sub3A_623, %ge3A_625 : vector<16xi32>
    %lt3A_627 = arith.constant 200 : i32
    %lt3A_628 = vector.broadcast %lt3A_627 : i32 to vector<16xi32>
    %lt3A_629 = arith.cmpi slt, %sub3A_623, %lt3A_628 : vector<16xi32>
    %and3A_630 = arith.andi %ge3A_626, %lt3A_629 : vector<16xi1>
    %add3A_631 = arith.constant 192 : i32
    %add3A_632 = vector.broadcast %add3A_631 : i32 to vector<16xi32>
    %add3A_633 = arith.addi %iota3A, %add3A_632 : vector<16xi32>
    tpu.vector_store_idx %arg6[%sub3A_623, %add3A_633], %broadcast_in_dim3A_6 masked %and3A_630 : memref<200x256xf32, #tpu.memory_space<vmem>>[vector<16xi32>, vector<16xi32>], vector<16xf32>, vector<16xi1>
    %get3A_634 = arith.constant 0 : i32
    %get3A_635 = arith.index_cast %get3A_634 : i32 to index
    %get3A_636 = arith.constant 208 : index
    %get3A_637 = tpu.vector_load %arg4[%get3A_635, %get3A_636] {strides = array<i32>} : memref<8x256xf32, #tpu.memory_space<vmem>>, vector<16xf32>,
    %div3A_638 = arith.constant 1.000000e-03 : f32
    %div3A_639 = vector.broadcast %div3A_638 : f32 to vector<16xf32>
    %div3A_640 = arith.divf %get3A_637, %div3A_639 : vector<16xf32>
    %convert_element_type3A_641 = arith.fptosi %div3A_640 : vector<16xf32> to vector<16xi32>
    %sub3A_642 = arith.constant 200 : i32
    %sub3A_643 = vector.broadcast %sub3A_642 : i32 to vector<16xi32>
    %sub3A_644 = arith.subi %convert_element_type3A_641, %sub3A_643 : vector<16xi32>
    %ge3A_645 = arith.constant 0 : i32
    %ge3A_646 = vector.broadcast %ge3A_645 : i32 to vector<16xi32>
    %ge3A_647 = arith.cmpi sge, %sub3A_644, %ge3A_646 : vector<16xi32>
    %lt3A_648 = arith.constant 200 : i32
    %lt3A_649 = vector.broadcast %lt3A_648 : i32 to vector<16xi32>
    %lt3A_650 = arith.cmpi slt, %sub3A_644, %lt3A_649 : vector<16xi32>
    %and3A_651 = arith.andi %ge3A_647, %lt3A_650 : vector<16xi1>
    %add3A_652 = arith.constant 208 : i32
    %add3A_653 = vector.broadcast %add3A_652 : i32 to vector<16xi32>
    %add3A_654 = arith.addi %iota3A, %add3A_653 : vector<16xi32>
    tpu.vector_store_idx %arg6[%sub3A_644, %add3A_654], %broadcast_in_dim3A_6 masked %and3A_651 : memref<200x256xf32, #tpu.memory_space<vmem>>[vector<16xi32>, vector<16xi32>], vector<16xf32>, vector<16xi1>
    %get3A_655 = arith.constant 0 : i32
    %get3A_656 = arith.index_cast %get3A_655 : i32 to index
    %get3A_657 = arith.constant 224 : index
    %get3A_658 = tpu.vector_load %arg4[%get3A_656, %get3A_657] {strides = array<i32>} : memref<8x256xf32, #tpu.memory_space<vmem>>, vector<16xf32>,
    %div3A_659 = arith.constant 1.000000e-03 : f32
    %div3A_660 = vector.broadcast %div3A_659 : f32 to vector<16xf32>
    %div3A_661 = arith.divf %get3A_658, %div3A_660 : vector<16xf32>
    %convert_element_type3A_662 = arith.fptosi %div3A_661 : vector<16xf32> to vector<16xi32>
    %sub3A_663 = arith.constant 200 : i32
    %sub3A_664 = vector.broadcast %sub3A_663 : i32 to vector<16xi32>
    %sub3A_665 = arith.subi %convert_element_type3A_662, %sub3A_664 : vector<16xi32>
    %ge3A_666 = arith.constant 0 : i32
    %ge3A_667 = vector.broadcast %ge3A_666 : i32 to vector<16xi32>
    %ge3A_668 = arith.cmpi sge, %sub3A_665, %ge3A_667 : vector<16xi32>
    %lt3A_669 = arith.constant 200 : i32
    %lt3A_670 = vector.broadcast %lt3A_669 : i32 to vector<16xi32>
    %lt3A_671 = arith.cmpi slt, %sub3A_665, %lt3A_670 : vector<16xi32>
    %and3A_672 = arith.andi %ge3A_668, %lt3A_671 : vector<16xi1>
    %add3A_673 = arith.constant 224 : i32
    %add3A_674 = vector.broadcast %add3A_673 : i32 to vector<16xi32>
    %add3A_675 = arith.addi %iota3A, %add3A_674 : vector<16xi32>
    tpu.vector_store_idx %arg6[%sub3A_665, %add3A_675], %broadcast_in_dim3A_6 masked %and3A_672 : memref<200x256xf32, #tpu.memory_space<vmem>>[vector<16xi32>, vector<16xi32>], vector<16xf32>, vector<16xi1>
    %get3A_676 = arith.constant 0 : i32
    %get3A_677 = arith.index_cast %get3A_676 : i32 to index
    %get3A_678 = arith.constant 240 : index
    %get3A_679 = tpu.vector_load %arg4[%get3A_677, %get3A_678] {strides = array<i32>} : memref<8x256xf32, #tpu.memory_space<vmem>>, vector<16xf32>,
    %div3A_680 = arith.constant 1.000000e-03 : f32
    %div3A_681 = vector.broadcast %div3A_680 : f32 to vector<16xf32>
    %div3A_682 = arith.divf %get3A_679, %div3A_681 : vector<16xf32>
    %convert_element_type3A_683 = arith.fptosi %div3A_682 : vector<16xf32> to vector<16xi32>
    %sub3A_684 = arith.constant 200 : i32
    %sub3A_685 = vector.broadcast %sub3A_684 : i32 to vector<16xi32>
    %sub3A_686 = arith.subi %convert_element_type3A_683, %sub3A_685 : vector<16xi32>
    %ge3A_687 = arith.constant 0 : i32
    %ge3A_688 = vector.broadcast %ge3A_687 : i32 to vector<16xi32>
    %ge3A_689 = arith.cmpi sge, %sub3A_686, %ge3A_688 : vector<16xi32>
    %lt3A_690 = arith.constant 200 : i32
    %lt3A_691 = vector.broadcast %lt3A_690 : i32 to vector<16xi32>
    %lt3A_692 = arith.cmpi slt, %sub3A_686, %lt3A_691 : vector<16xi32>
    %and3A_693 = arith.andi %ge3A_689, %lt3A_692 : vector<16xi1>
    %add3A_694 = arith.constant 240 : i32
    %add3A_695 = vector.broadcast %add3A_694 : i32 to vector<16xi32>
    %add3A_696 = arith.addi %iota3A, %add3A_695 : vector<16xi32>
    tpu.vector_store_idx %arg6[%sub3A_686, %add3A_696], %broadcast_in_dim3A_6 masked %and3A_693 : memref<200x256xf32, #tpu.memory_space<vmem>>[vector<16xi32>, vector<16xi32>], vector<16xf32>, vector<16xi1>
    %multiple_of3A_697 = arith.constant 200 : i32
    %multiple_of3A_698 = tpu.assume_multiple %multiple_of3A_697, 200 : i32
    %add3A_699 = arith.constant 0 : i32
    %add3A_700 = arith.addi %mul3A_2, %add3A_699 : i32
    %dma_start3A_701 = arith.constant 0 : i32
    %dma_start3A_702 = tpu.memref_slice %arg3[%add3A_700, %multiple_of3A_698, %dma_start3A_701] : memref<256x1000x256xf32, #tpu.memory_space<hbm>> -> memref<1x200x256xf32, #tpu.memory_space<hbm>>
    %dma_start3A_703 = tpu.memref_squeeze %dma_start3A_702 : memref<1x200x256xf32, #tpu.memory_space<hbm>> -> memref<200x256xf32, #tpu.memory_space<hbm>>
    %dma_start3A_704 = arith.constant 0 : i32
    %dma_start3A_705 = tpu.memref_slice %arg3[%add3A_700, %multiple_of3A_698, %dma_start3A_704] : memref<256x1000x256xf32, #tpu.memory_space<hbm>> -> memref<1x200x256xf32, #tpu.memory_space<hbm>>
    %dma_start3A_706 = tpu.memref_squeeze %dma_start3A_705 : memref<1x200x256xf32, #tpu.memory_space<hbm>> -> memref<200x256xf32, #tpu.memory_space<hbm>>
    tpu.enqueue_dma source(%arg6 : memref<200x256xf32, #tpu.memory_space<vmem>>) target(%dma_start3A_706 : memref<200x256xf32, #tpu.memory_space<hbm>>) target_semaphore(%arg8 : memref<!tpu.dma_semaphore, #tpu.memory_space<semaphore_mem>>)
    %scan3A_707 = arith.constant 0 : i32
    %scan3A_708 = arith.constant 1 : i32
    %scan3A_709 = arith.constant 19 : i32
    %scan3A_710 = arith.addi %scan3A_708, %scan3A_709 : i32
    %scan3A_711 = arith.constant 1 : i32
    scf.for %scan3A_733 = %scan3A_708 to %scan3A_710 step %scan3A_711  : i32 {
      %mul3A_734 = arith.constant 2 : i32
      %mul3A_735 = arith.muli %mul3A_734, %scan3A_733 : i32
      %sub3A_736 = arith.constant 2 : i32
      %sub3A_737 = arith.subi %mul3A_735, %sub3A_736 : i32
      %jit3A = arith.constant 5 : i32
      %div3A_738 = arith.divsi %sub3A_737, %jit3A : i32
      %sign3A = arith.constant 0 : i32
      %sign3A_739 = arith.cmpi sgt, %sub3A_737, %sign3A : i32
      %sign3A_740 = arith.extui %sign3A_739 : i1 to i32
      %sign3A_741 = arith.constant 0 : i32
      %sign3A_742 = arith.cmpi slt, %sub3A_737, %sign3A_741 : i32
      %sign3A_743 = arith.extui %sign3A_742 : i1 to i32
      %sign3A_744 = arith.subi %sign3A_740, %sign3A_743 : i32
      %sign3A_745 = arith.constant 0 : i32
      %sign3A_746 = arith.cmpi sgt, %jit3A, %sign3A_745 : i32
      %sign3A_747 = arith.extui %sign3A_746 : i1 to i32
      %sign3A_748 = arith.constant 0 : i32
      %sign3A_749 = arith.cmpi slt, %jit3A, %sign3A_748 : i32
      %sign3A_750 = arith.extui %sign3A_749 : i1 to i32
      %sign3A_751 = arith.subi %sign3A_747, %sign3A_750 : i32
      %ne3A = arith.cmpi ne, %sign3A_744, %sign3A_751 : i32
      %rem3A = arith.remsi %sub3A_737, %jit3A : i32
      %ne3A_752 = arith.constant 0 : i32
      %ne3A_753 = arith.cmpi ne, %rem3A, %ne3A_752 : i32
      %and3A_754 = arith.andi %ne3A, %ne3A_753 : i1
      %sub3A_755 = arith.constant 1 : i32
      %sub3A_756 = arith.subi %div3A_738, %sub3A_755 : i32
      %select_n3A = arith.select %and3A_754, %sub3A_756, %div3A_738 : i32
      %jit3A_757 = arith.constant 5 : i32
      %eq3A = arith.constant 0 : i32
      %eq3A_758 = arith.cmpi eq, %jit3A_757, %eq3A : i32
      %jit3A_759 = arith.constant 1 : i32
      %select_n3A_760 = arith.select %eq3A_758, %jit3A_759, %jit3A_757 : i32
      %rem3A_761 = arith.remsi %sub3A_737, %select_n3A_760 : i32
      %ne3A_762 = arith.constant 0 : i32
      %ne3A_763 = arith.cmpi ne, %rem3A_761, %ne3A_762 : i32
      %lt3A_764 = arith.constant 0 : i32
      %lt3A_765 = arith.cmpi slt, %rem3A_761, %lt3A_764 : i32
      %lt3A_766 = arith.constant 0 : i32
      %lt3A_767 = arith.cmpi slt, %select_n3A_760, %lt3A_766 : i32
      %ne3A_768 = arith.xori %lt3A_765, %lt3A_767 : i1
      %and3A_769 = arith.andi %ne3A_768, %ne3A_763 : i1
      %add3A_770 = arith.addi %rem3A_761, %select_n3A_760 : i32
      %select_n3A_771 = arith.select %and3A_769, %add3A_770, %rem3A_761 : i32
      %mul3A_772 = arith.constant 200 : i32
      %mul3A_773 = arith.muli %select_n3A_771, %mul3A_772 : i32
      %multiple_of3A_774 = tpu.assume_multiple %mul3A_773, 200 : i32
      %add3A_775 = arith.addi %mul3A_2, %select_n3A : i32
      %dma_wait3A_776 = arith.constant 0 : i32
      %dma_wait3A_777 = tpu.memref_slice %arg3[%add3A_775, %multiple_of3A_774, %dma_wait3A_776] : memref<256x1000x256xf32, #tpu.memory_space<hbm>> -> memref<1x200x256xf32, #tpu.memory_space<hbm>>
      %dma_wait3A_778 = tpu.memref_squeeze %dma_wait3A_777 : memref<1x200x256xf32, #tpu.memory_space<hbm>> -> memref<200x256xf32, #tpu.memory_space<hbm>>
      %dma_wait3A_779 = arith.constant 0 : i32
      %dma_wait3A_780 = tpu.memref_slice %arg3[%add3A_775, %multiple_of3A_774, %dma_wait3A_779] : memref<256x1000x256xf32, #tpu.memory_space<hbm>> -> memref<1x200x256xf32, #tpu.memory_space<hbm>>
      %dma_wait3A_781 = tpu.memref_squeeze %dma_wait3A_780 : memref<1x200x256xf32, #tpu.memory_space<hbm>> -> memref<200x256xf32, #tpu.memory_space<hbm>>
      tpu.wait_dma2 semaphore(%arg7 : memref<!tpu.dma_semaphore, #tpu.memory_space<semaphore_mem>>) src(%arg5 : memref<200x256xf32, #tpu.memory_space<vmem>>) dst(%dma_wait3A_781 : memref<200x256xf32, #tpu.memory_space<hbm>>)
      %sub3A_782 = arith.constant 2 : i32
      %sub3A_783 = arith.subi %mul3A_735, %sub3A_782 : i32
      %jit3A_784 = arith.constant 5 : i32
      %div3A_785 = arith.divsi %sub3A_783, %jit3A_784 : i32
      %sign3A_786 = arith.constant 0 : i32
      %sign3A_787 = arith.cmpi sgt, %sub3A_783, %sign3A_786 : i32
      %sign3A_788 = arith.extui %sign3A_787 : i1 to i32
      %sign3A_789 = arith.constant 0 : i32
      %sign3A_790 = arith.cmpi slt, %sub3A_783, %sign3A_789 : i32
      %sign3A_791 = arith.extui %sign3A_790 : i1 to i32
      %sign3A_792 = arith.subi %sign3A_788, %sign3A_791 : i32
      %sign3A_793 = arith.constant 0 : i32
      %sign3A_794 = arith.cmpi sgt, %jit3A_784, %sign3A_793 : i32
      %sign3A_795 = arith.extui %sign3A_794 : i1 to i32
      %sign3A_796 = arith.constant 0 : i32
      %sign3A_797 = arith.cmpi slt, %jit3A_784, %sign3A_796 : i32
      %sign3A_798 = arith.extui %sign3A_797 : i1 to i32
      %sign3A_799 = arith.subi %sign3A_795, %sign3A_798 : i32
      %ne3A_800 = arith.cmpi ne, %sign3A_792, %sign3A_799 : i32
      %rem3A_801 = arith.remsi %sub3A_783, %jit3A_784 : i32
      %ne3A_802 = arith.constant 0 : i32
      %ne3A_803 = arith.cmpi ne, %rem3A_801, %ne3A_802 : i32
      %and3A_804 = arith.andi %ne3A_800, %ne3A_803 : i1
      %sub3A_805 = arith.constant 1 : i32
      %sub3A_806 = arith.subi %div3A_785, %sub3A_805 : i32
      %select_n3A_807 = arith.select %and3A_804, %sub3A_806, %div3A_785 : i32
      %jit3A_808 = arith.constant 5 : i32
      %eq3A_809 = arith.constant 0 : i32
      %eq3A_810 = arith.cmpi eq, %jit3A_808, %eq3A_809 : i32
      %jit3A_811 = arith.constant 1 : i32
      %select_n3A_812 = arith.select %eq3A_810, %jit3A_811, %jit3A_808 : i32
      %rem3A_813 = arith.remsi %sub3A_783, %select_n3A_812 : i32
      %ne3A_814 = arith.constant 0 : i32
      %ne3A_815 = arith.cmpi ne, %rem3A_813, %ne3A_814 : i32
      %lt3A_816 = arith.constant 0 : i32
      %lt3A_817 = arith.cmpi slt, %rem3A_813, %lt3A_816 : i32
      %lt3A_818 = arith.constant 0 : i32
      %lt3A_819 = arith.cmpi slt, %select_n3A_812, %lt3A_818 : i32
      %ne3A_820 = arith.xori %lt3A_817, %lt3A_819 : i1
      %and3A_821 = arith.andi %ne3A_820, %ne3A_815 : i1
      %add3A_822 = arith.addi %rem3A_813, %select_n3A_812 : i32
      %select_n3A_823 = arith.select %and3A_821, %add3A_822, %rem3A_813 : i32
      %mul3A_824 = arith.constant 200 : i32
      %mul3A_825 = arith.muli %select_n3A_823, %mul3A_824 : i32
      %get3A_826 = arith.index_cast %select_n3A_807 : i32 to index
      %get3A_827 = arith.constant 0 : index
      %get3A_828 = tpu.vector_load %arg4[%get3A_826, %get3A_827] {strides = array<i32>} : memref<8x256xf32, #tpu.memory_space<vmem>>, vector<16xf32>,
      %div3A_829 = arith.constant 1.000000e-03 : f32
      %div3A_830 = vector.broadcast %div3A_829 : f32 to vector<16xf32>
      %div3A_831 = arith.divf %get3A_828, %div3A_830 : vector<16xf32>
      %convert_element_type3A_832 = arith.fptosi %div3A_831 : vector<16xf32> to vector<16xi32>
      %sub3A_833 = vector.broadcast %mul3A_825 : i32 to vector<16xi32>
      %sub3A_834 = arith.subi %convert_element_type3A_832, %sub3A_833 : vector<16xi32>
      %ge3A_835 = arith.constant 0 : i32
      %ge3A_836 = vector.broadcast %ge3A_835 : i32 to vector<16xi32>
      %ge3A_837 = arith.cmpi sge, %sub3A_834, %ge3A_836 : vector<16xi32>
      %lt3A_838 = arith.constant 200 : i32
      %lt3A_839 = vector.broadcast %lt3A_838 : i32 to vector<16xi32>
      %lt3A_840 = arith.cmpi slt, %sub3A_834, %lt3A_839 : vector<16xi32>
      %and3A_841 = arith.andi %ge3A_837, %lt3A_840 : vector<16xi1>
      %add3A_842 = arith.constant 0 : i32
      %add3A_843 = vector.broadcast %add3A_842 : i32 to vector<16xi32>
      %add3A_844 = arith.addi %iota3A, %add3A_843 : vector<16xi32>
      tpu.vector_store_idx %arg5[%sub3A_834, %add3A_844], %broadcast_in_dim3A_8 masked %and3A_841 : memref<200x256xf32, #tpu.memory_space<vmem>>[vector<16xi32>, vector<16xi32>], vector<16xf32>, vector<16xi1>
      %get3A_845 = arith.index_cast %select_n3A_807 : i32 to index
      %get3A_846 = arith.constant 16 : index
      %get3A_847 = tpu.vector_load %arg4[%get3A_845, %get3A_846] {strides = array<i32>} : memref<8x256xf32, #tpu.memory_space<vmem>>, vector<16xf32>,
      %div3A_848 = arith.constant 1.000000e-03 : f32
      %div3A_849 = vector.broadcast %div3A_848 : f32 to vector<16xf32>
      %div3A_850 = arith.divf %get3A_847, %div3A_849 : vector<16xf32>
      %convert_element_type3A_851 = arith.fptosi %div3A_850 : vector<16xf32> to vector<16xi32>
      %sub3A_852 = vector.broadcast %mul3A_825 : i32 to vector<16xi32>
      %sub3A_853 = arith.subi %convert_element_type3A_851, %sub3A_852 : vector<16xi32>
      %ge3A_854 = arith.constant 0 : i32
      %ge3A_855 = vector.broadcast %ge3A_854 : i32 to vector<16xi32>
      %ge3A_856 = arith.cmpi sge, %sub3A_853, %ge3A_855 : vector<16xi32>
      %lt3A_857 = arith.constant 200 : i32
      %lt3A_858 = vector.broadcast %lt3A_857 : i32 to vector<16xi32>
      %lt3A_859 = arith.cmpi slt, %sub3A_853, %lt3A_858 : vector<16xi32>
      %and3A_860 = arith.andi %ge3A_856, %lt3A_859 : vector<16xi1>
      %add3A_861 = arith.constant 16 : i32
      %add3A_862 = vector.broadcast %add3A_861 : i32 to vector<16xi32>
      %add3A_863 = arith.addi %iota3A, %add3A_862 : vector<16xi32>
      tpu.vector_store_idx %arg5[%sub3A_853, %add3A_863], %broadcast_in_dim3A_8 masked %and3A_860 : memref<200x256xf32, #tpu.memory_space<vmem>>[vector<16xi32>, vector<16xi32>], vector<16xf32>, vector<16xi1>
      %get3A_864 = arith.index_cast %select_n3A_807 : i32 to index
      %get3A_865 = arith.constant 32 : index
      %get3A_866 = tpu.vector_load %arg4[%get3A_864, %get3A_865] {strides = array<i32>} : memref<8x256xf32, #tpu.memory_space<vmem>>, vector<16xf32>,
      %div3A_867 = arith.constant 1.000000e-03 : f32
      %div3A_868 = vector.broadcast %div3A_867 : f32 to vector<16xf32>
      %div3A_869 = arith.divf %get3A_866, %div3A_868 : vector<16xf32>
      %convert_element_type3A_870 = arith.fptosi %div3A_869 : vector<16xf32> to vector<16xi32>
      %sub3A_871 = vector.broadcast %mul3A_825 : i32 to vector<16xi32>
      %sub3A_872 = arith.subi %convert_element_type3A_870, %sub3A_871 : vector<16xi32>
      %ge3A_873 = arith.constant 0 : i32
      %ge3A_874 = vector.broadcast %ge3A_873 : i32 to vector<16xi32>
      %ge3A_875 = arith.cmpi sge, %sub3A_872, %ge3A_874 : vector<16xi32>
      %lt3A_876 = arith.constant 200 : i32
      %lt3A_877 = vector.broadcast %lt3A_876 : i32 to vector<16xi32>
      %lt3A_878 = arith.cmpi slt, %sub3A_872, %lt3A_877 : vector<16xi32>
      %and3A_879 = arith.andi %ge3A_875, %lt3A_878 : vector<16xi1>
      %add3A_880 = arith.constant 32 : i32
      %add3A_881 = vector.broadcast %add3A_880 : i32 to vector<16xi32>
      %add3A_882 = arith.addi %iota3A, %add3A_881 : vector<16xi32>
      tpu.vector_store_idx %arg5[%sub3A_872, %add3A_882], %broadcast_in_dim3A_8 masked %and3A_879 : memref<200x256xf32, #tpu.memory_space<vmem>>[vector<16xi32>, vector<16xi32>], vector<16xf32>, vector<16xi1>
      %get3A_883 = arith.index_cast %select_n3A_807 : i32 to index
      %get3A_884 = arith.constant 48 : index
      %get3A_885 = tpu.vector_load %arg4[%get3A_883, %get3A_884] {strides = array<i32>} : memref<8x256xf32, #tpu.memory_space<vmem>>, vector<16xf32>,
      %div3A_886 = arith.constant 1.000000e-03 : f32
      %div3A_887 = vector.broadcast %div3A_886 : f32 to vector<16xf32>
      %div3A_888 = arith.divf %get3A_885, %div3A_887 : vector<16xf32>
      %convert_element_type3A_889 = arith.fptosi %div3A_888 : vector<16xf32> to vector<16xi32>
      %sub3A_890 = vector.broadcast %mul3A_825 : i32 to vector<16xi32>
      %sub3A_891 = arith.subi %convert_element_type3A_889, %sub3A_890 : vector<16xi32>
      %ge3A_892 = arith.constant 0 : i32
      %ge3A_893 = vector.broadcast %ge3A_892 : i32 to vector<16xi32>
      %ge3A_894 = arith.cmpi sge, %sub3A_891, %ge3A_893 : vector<16xi32>
      %lt3A_895 = arith.constant 200 : i32
      %lt3A_896 = vector.broadcast %lt3A_895 : i32 to vector<16xi32>
      %lt3A_897 = arith.cmpi slt, %sub3A_891, %lt3A_896 : vector<16xi32>
      %and3A_898 = arith.andi %ge3A_894, %lt3A_897 : vector<16xi1>
      %add3A_899 = arith.constant 48 : i32
      %add3A_900 = vector.broadcast %add3A_899 : i32 to vector<16xi32>
      %add3A_901 = arith.addi %iota3A, %add3A_900 : vector<16xi32>
      tpu.vector_store_idx %arg5[%sub3A_891, %add3A_901], %broadcast_in_dim3A_8 masked %and3A_898 : memref<200x256xf32, #tpu.memory_space<vmem>>[vector<16xi32>, vector<16xi32>], vector<16xf32>, vector<16xi1>
      %get3A_902 = arith.index_cast %select_n3A_807 : i32 to index
      %get3A_903 = arith.constant 64 : index
      %get3A_904 = tpu.vector_load %arg4[%get3A_902, %get3A_903] {strides = array<i32>} : memref<8x256xf32, #tpu.memory_space<vmem>>, vector<16xf32>,
      %div3A_905 = arith.constant 1.000000e-03 : f32
      %div3A_906 = vector.broadcast %div3A_905 : f32 to vector<16xf32>
      %div3A_907 = arith.divf %get3A_904, %div3A_906 : vector<16xf32>
      %convert_element_type3A_908 = arith.fptosi %div3A_907 : vector<16xf32> to vector<16xi32>
      %sub3A_909 = vector.broadcast %mul3A_825 : i32 to vector<16xi32>
      %sub3A_910 = arith.subi %convert_element_type3A_908, %sub3A_909 : vector<16xi32>
      %ge3A_911 = arith.constant 0 : i32
      %ge3A_912 = vector.broadcast %ge3A_911 : i32 to vector<16xi32>
      %ge3A_913 = arith.cmpi sge, %sub3A_910, %ge3A_912 : vector<16xi32>
      %lt3A_914 = arith.constant 200 : i32
      %lt3A_915 = vector.broadcast %lt3A_914 : i32 to vector<16xi32>
      %lt3A_916 = arith.cmpi slt, %sub3A_910, %lt3A_915 : vector<16xi32>
      %and3A_917 = arith.andi %ge3A_913, %lt3A_916 : vector<16xi1>
      %add3A_918 = arith.constant 64 : i32
      %add3A_919 = vector.broadcast %add3A_918 : i32 to vector<16xi32>
      %add3A_920 = arith.addi %iota3A, %add3A_919 : vector<16xi32>
      tpu.vector_store_idx %arg5[%sub3A_910, %add3A_920], %broadcast_in_dim3A_8 masked %and3A_917 : memref<200x256xf32, #tpu.memory_space<vmem>>[vector<16xi32>, vector<16xi32>], vector<16xf32>, vector<16xi1>
      %get3A_921 = arith.index_cast %select_n3A_807 : i32 to index
      %get3A_922 = arith.constant 80 : index
      %get3A_923 = tpu.vector_load %arg4[%get3A_921, %get3A_922] {strides = array<i32>} : memref<8x256xf32, #tpu.memory_space<vmem>>, vector<16xf32>,
      %div3A_924 = arith.constant 1.000000e-03 : f32
      %div3A_925 = vector.broadcast %div3A_924 : f32 to vector<16xf32>
      %div3A_926 = arith.divf %get3A_923, %div3A_925 : vector<16xf32>
      %convert_element_type3A_927 = arith.fptosi %div3A_926 : vector<16xf32> to vector<16xi32>
      %sub3A_928 = vector.broadcast %mul3A_825 : i32 to vector<16xi32>
      %sub3A_929 = arith.subi %convert_element_type3A_927, %sub3A_928 : vector<16xi32>
      %ge3A_930 = arith.constant 0 : i32
      %ge3A_931 = vector.broadcast %ge3A_930 : i32 to vector<16xi32>
      %ge3A_932 = arith.cmpi sge, %sub3A_929, %ge3A_931 : vector<16xi32>
      %lt3A_933 = arith.constant 200 : i32
      %lt3A_934 = vector.broadcast %lt3A_933 : i32 to vector<16xi32>
      %lt3A_935 = arith.cmpi slt, %sub3A_929, %lt3A_934 : vector<16xi32>
      %and3A_936 = arith.andi %ge3A_932, %lt3A_935 : vector<16xi1>
      %add3A_937 = arith.constant 80 : i32
      %add3A_938 = vector.broadcast %add3A_937 : i32 to vector<16xi32>
      %add3A_939 = arith.addi %iota3A, %add3A_938 : vector<16xi32>
      tpu.vector_store_idx %arg5[%sub3A_929, %add3A_939], %broadcast_in_dim3A_8 masked %and3A_936 : memref<200x256xf32, #tpu.memory_space<vmem>>[vector<16xi32>, vector<16xi32>], vector<16xf32>, vector<16xi1>
      %get3A_940 = arith.index_cast %select_n3A_807 : i32 to index
      %get3A_941 = arith.constant 96 : index
      %get3A_942 = tpu.vector_load %arg4[%get3A_940, %get3A_941] {strides = array<i32>} : memref<8x256xf32, #tpu.memory_space<vmem>>, vector<16xf32>,
      %div3A_943 = arith.constant 1.000000e-03 : f32
      %div3A_944 = vector.broadcast %div3A_943 : f32 to vector<16xf32>
      %div3A_945 = arith.divf %get3A_942, %div3A_944 : vector<16xf32>
      %convert_element_type3A_946 = arith.fptosi %div3A_945 : vector<16xf32> to vector<16xi32>
      %sub3A_947 = vector.broadcast %mul3A_825 : i32 to vector<16xi32>
      %sub3A_948 = arith.subi %convert_element_type3A_946, %sub3A_947 : vector<16xi32>
      %ge3A_949 = arith.constant 0 : i32
      %ge3A_950 = vector.broadcast %ge3A_949 : i32 to vector<16xi32>
      %ge3A_951 = arith.cmpi sge, %sub3A_948, %ge3A_950 : vector<16xi32>
      %lt3A_952 = arith.constant 200 : i32
      %lt3A_953 = vector.broadcast %lt3A_952 : i32 to vector<16xi32>
      %lt3A_954 = arith.cmpi slt, %sub3A_948, %lt3A_953 : vector<16xi32>
      %and3A_955 = arith.andi %ge3A_951, %lt3A_954 : vector<16xi1>
      %add3A_956 = arith.constant 96 : i32
      %add3A_957 = vector.broadcast %add3A_956 : i32 to vector<16xi32>
      %add3A_958 = arith.addi %iota3A, %add3A_957 : vector<16xi32>
      tpu.vector_store_idx %arg5[%sub3A_948, %add3A_958], %broadcast_in_dim3A_8 masked %and3A_955 : memref<200x256xf32, #tpu.memory_space<vmem>>[vector<16xi32>, vector<16xi32>], vector<16xf32>, vector<16xi1>
      %get3A_959 = arith.index_cast %select_n3A_807 : i32 to index
      %get3A_960 = arith.constant 112 : index
      %get3A_961 = tpu.vector_load %arg4[%get3A_959, %get3A_960] {strides = array<i32>} : memref<8x256xf32, #tpu.memory_space<vmem>>, vector<16xf32>,
      %div3A_962 = arith.constant 1.000000e-03 : f32
      %div3A_963 = vector.broadcast %div3A_962 : f32 to vector<16xf32>
      %div3A_964 = arith.divf %get3A_961, %div3A_963 : vector<16xf32>
      %convert_element_type3A_965 = arith.fptosi %div3A_964 : vector<16xf32> to vector<16xi32>
      %sub3A_966 = vector.broadcast %mul3A_825 : i32 to vector<16xi32>
      %sub3A_967 = arith.subi %convert_element_type3A_965, %sub3A_966 : vector<16xi32>
      %ge3A_968 = arith.constant 0 : i32
      %ge3A_969 = vector.broadcast %ge3A_968 : i32 to vector<16xi32>
      %ge3A_970 = arith.cmpi sge, %sub3A_967, %ge3A_969 : vector<16xi32>
      %lt3A_971 = arith.constant 200 : i32
      %lt3A_972 = vector.broadcast %lt3A_971 : i32 to vector<16xi32>
      %lt3A_973 = arith.cmpi slt, %sub3A_967, %lt3A_972 : vector<16xi32>
      %and3A_974 = arith.andi %ge3A_970, %lt3A_973 : vector<16xi1>
      %add3A_975 = arith.constant 112 : i32
      %add3A_976 = vector.broadcast %add3A_975 : i32 to vector<16xi32>
      %add3A_977 = arith.addi %iota3A, %add3A_976 : vector<16xi32>
      tpu.vector_store_idx %arg5[%sub3A_967, %add3A_977], %broadcast_in_dim3A_8 masked %and3A_974 : memref<200x256xf32, #tpu.memory_space<vmem>>[vector<16xi32>, vector<16xi32>], vector<16xf32>, vector<16xi1>
      %get3A_978 = arith.index_cast %select_n3A_807 : i32 to index
      %get3A_979 = arith.constant 128 : index
      %get3A_980 = tpu.vector_load %arg4[%get3A_978, %get3A_979] {strides = array<i32>} : memref<8x256xf32, #tpu.memory_space<vmem>>, vector<16xf32>,
      %div3A_981 = arith.constant 1.000000e-03 : f32
      %div3A_982 = vector.broadcast %div3A_981 : f32 to vector<16xf32>
      %div3A_983 = arith.divf %get3A_980, %div3A_982 : vector<16xf32>
      %convert_element_type3A_984 = arith.fptosi %div3A_983 : vector<16xf32> to vector<16xi32>
      %sub3A_985 = vector.broadcast %mul3A_825 : i32 to vector<16xi32>
      %sub3A_986 = arith.subi %convert_element_type3A_984, %sub3A_985 : vector<16xi32>
      %ge3A_987 = arith.constant 0 : i32
      %ge3A_988 = vector.broadcast %ge3A_987 : i32 to vector<16xi32>
      %ge3A_989 = arith.cmpi sge, %sub3A_986, %ge3A_988 : vector<16xi32>
      %lt3A_990 = arith.constant 200 : i32
      %lt3A_991 = vector.broadcast %lt3A_990 : i32 to vector<16xi32>
      %lt3A_992 = arith.cmpi slt, %sub3A_986, %lt3A_991 : vector<16xi32>
      %and3A_993 = arith.andi %ge3A_989, %lt3A_992 : vector<16xi1>
      %add3A_994 = arith.constant 128 : i32
      %add3A_995 = vector.broadcast %add3A_994 : i32 to vector<16xi32>
      %add3A_996 = arith.addi %iota3A, %add3A_995 : vector<16xi32>
      tpu.vector_store_idx %arg5[%sub3A_986, %add3A_996], %broadcast_in_dim3A_8 masked %and3A_993 : memref<200x256xf32, #tpu.memory_space<vmem>>[vector<16xi32>, vector<16xi32>], vector<16xf32>, vector<16xi1>
      %get3A_997 = arith.index_cast %select_n3A_807 : i32 to index
      %get3A_998 = arith.constant 144 : index
      %get3A_999 = tpu.vector_load %arg4[%get3A_997, %get3A_998] {strides = array<i32>} : memref<8x256xf32, #tpu.memory_space<vmem>>, vector<16xf32>,
      %div3A_1000 = arith.constant 1.000000e-03 : f32
      %div3A_1001 = vector.broadcast %div3A_1000 : f32 to vector<16xf32>
      %div3A_1002 = arith.divf %get3A_999, %div3A_1001 : vector<16xf32>
      %convert_element_type3A_1003 = arith.fptosi %div3A_1002 : vector<16xf32> to vector<16xi32>
      %sub3A_1004 = vector.broadcast %mul3A_825 : i32 to vector<16xi32>
      %sub3A_1005 = arith.subi %convert_element_type3A_1003, %sub3A_1004 : vector<16xi32>
      %ge3A_1006 = arith.constant 0 : i32
      %ge3A_1007 = vector.broadcast %ge3A_1006 : i32 to vector<16xi32>
      %ge3A_1008 = arith.cmpi sge, %sub3A_1005, %ge3A_1007 : vector<16xi32>
      %lt3A_1009 = arith.constant 200 : i32
      %lt3A_1010 = vector.broadcast %lt3A_1009 : i32 to vector<16xi32>
      %lt3A_1011 = arith.cmpi slt, %sub3A_1005, %lt3A_1010 : vector<16xi32>
      %and3A_1012 = arith.andi %ge3A_1008, %lt3A_1011 : vector<16xi1>
      %add3A_1013 = arith.constant 144 : i32
      %add3A_1014 = vector.broadcast %add3A_1013 : i32 to vector<16xi32>
      %add3A_1015 = arith.addi %iota3A, %add3A_1014 : vector<16xi32>
      tpu.vector_store_idx %arg5[%sub3A_1005, %add3A_1015], %broadcast_in_dim3A_8 masked %and3A_1012 : memref<200x256xf32, #tpu.memory_space<vmem>>[vector<16xi32>, vector<16xi32>], vector<16xf32>, vector<16xi1>
      %get3A_1016 = arith.index_cast %select_n3A_807 : i32 to index
      %get3A_1017 = arith.constant 160 : index
      %get3A_1018 = tpu.vector_load %arg4[%get3A_1016, %get3A_1017] {strides = array<i32>} : memref<8x256xf32, #tpu.memory_space<vmem>>, vector<16xf32>,
      %div3A_1019 = arith.constant 1.000000e-03 : f32
      %div3A_1020 = vector.broadcast %div3A_1019 : f32 to vector<16xf32>
      %div3A_1021 = arith.divf %get3A_1018, %div3A_1020 : vector<16xf32>
      %convert_element_type3A_1022 = arith.fptosi %div3A_1021 : vector<16xf32> to vector<16xi32>
      %sub3A_1023 = vector.broadcast %mul3A_825 : i32 to vector<16xi32>
      %sub3A_1024 = arith.subi %convert_element_type3A_1022, %sub3A_1023 : vector<16xi32>
      %ge3A_1025 = arith.constant 0 : i32
      %ge3A_1026 = vector.broadcast %ge3A_1025 : i32 to vector<16xi32>
      %ge3A_1027 = arith.cmpi sge, %sub3A_1024, %ge3A_1026 : vector<16xi32>
      %lt3A_1028 = arith.constant 200 : i32
      %lt3A_1029 = vector.broadcast %lt3A_1028 : i32 to vector<16xi32>
      %lt3A_1030 = arith.cmpi slt, %sub3A_1024, %lt3A_1029 : vector<16xi32>
      %and3A_1031 = arith.andi %ge3A_1027, %lt3A_1030 : vector<16xi1>
      %add3A_1032 = arith.constant 160 : i32
      %add3A_1033 = vector.broadcast %add3A_1032 : i32 to vector<16xi32>
      %add3A_1034 = arith.addi %iota3A, %add3A_1033 : vector<16xi32>
      tpu.vector_store_idx %arg5[%sub3A_1024, %add3A_1034], %broadcast_in_dim3A_8 masked %and3A_1031 : memref<200x256xf32, #tpu.memory_space<vmem>>[vector<16xi32>, vector<16xi32>], vector<16xf32>, vector<16xi1>
      %get3A_1035 = arith.index_cast %select_n3A_807 : i32 to index
      %get3A_1036 = arith.constant 176 : index
      %get3A_1037 = tpu.vector_load %arg4[%get3A_1035, %get3A_1036] {strides = array<i32>} : memref<8x256xf32, #tpu.memory_space<vmem>>, vector<16xf32>,
      %div3A_1038 = arith.constant 1.000000e-03 : f32
      %div3A_1039 = vector.broadcast %div3A_1038 : f32 to vector<16xf32>
      %div3A_1040 = arith.divf %get3A_1037, %div3A_1039 : vector<16xf32>
      %convert_element_type3A_1041 = arith.fptosi %div3A_1040 : vector<16xf32> to vector<16xi32>
      %sub3A_1042 = vector.broadcast %mul3A_825 : i32 to vector<16xi32>
      %sub3A_1043 = arith.subi %convert_element_type3A_1041, %sub3A_1042 : vector<16xi32>
      %ge3A_1044 = arith.constant 0 : i32
      %ge3A_1045 = vector.broadcast %ge3A_1044 : i32 to vector<16xi32>
      %ge3A_1046 = arith.cmpi sge, %sub3A_1043, %ge3A_1045 : vector<16xi32>
      %lt3A_1047 = arith.constant 200 : i32
      %lt3A_1048 = vector.broadcast %lt3A_1047 : i32 to vector<16xi32>
      %lt3A_1049 = arith.cmpi slt, %sub3A_1043, %lt3A_1048 : vector<16xi32>
      %and3A_1050 = arith.andi %ge3A_1046, %lt3A_1049 : vector<16xi1>
      %add3A_1051 = arith.constant 176 : i32
      %add3A_1052 = vector.broadcast %add3A_1051 : i32 to vector<16xi32>
      %add3A_1053 = arith.addi %iota3A, %add3A_1052 : vector<16xi32>
      tpu.vector_store_idx %arg5[%sub3A_1043, %add3A_1053], %broadcast_in_dim3A_8 masked %and3A_1050 : memref<200x256xf32, #tpu.memory_space<vmem>>[vector<16xi32>, vector<16xi32>], vector<16xf32>, vector<16xi1>
      %get3A_1054 = arith.index_cast %select_n3A_807 : i32 to index
      %get3A_1055 = arith.constant 192 : index
      %get3A_1056 = tpu.vector_load %arg4[%get3A_1054, %get3A_1055] {strides = array<i32>} : memref<8x256xf32, #tpu.memory_space<vmem>>, vector<16xf32>,
      %div3A_1057 = arith.constant 1.000000e-03 : f32
      %div3A_1058 = vector.broadcast %div3A_1057 : f32 to vector<16xf32>
      %div3A_1059 = arith.divf %get3A_1056, %div3A_1058 : vector<16xf32>
      %convert_element_type3A_1060 = arith.fptosi %div3A_1059 : vector<16xf32> to vector<16xi32>
      %sub3A_1061 = vector.broadcast %mul3A_825 : i32 to vector<16xi32>
      %sub3A_1062 = arith.subi %convert_element_type3A_1060, %sub3A_1061 : vector<16xi32>
      %ge3A_1063 = arith.constant 0 : i32
      %ge3A_1064 = vector.broadcast %ge3A_1063 : i32 to vector<16xi32>
      %ge3A_1065 = arith.cmpi sge, %sub3A_1062, %ge3A_1064 : vector<16xi32>
      %lt3A_1066 = arith.constant 200 : i32
      %lt3A_1067 = vector.broadcast %lt3A_1066 : i32 to vector<16xi32>
      %lt3A_1068 = arith.cmpi slt, %sub3A_1062, %lt3A_1067 : vector<16xi32>
      %and3A_1069 = arith.andi %ge3A_1065, %lt3A_1068 : vector<16xi1>
      %add3A_1070 = arith.constant 192 : i32
      %add3A_1071 = vector.broadcast %add3A_1070 : i32 to vector<16xi32>
      %add3A_1072 = arith.addi %iota3A, %add3A_1071 : vector<16xi32>
      tpu.vector_store_idx %arg5[%sub3A_1062, %add3A_1072], %broadcast_in_dim3A_8 masked %and3A_1069 : memref<200x256xf32, #tpu.memory_space<vmem>>[vector<16xi32>, vector<16xi32>], vector<16xf32>, vector<16xi1>
      %get3A_1073 = arith.index_cast %select_n3A_807 : i32 to index
      %get3A_1074 = arith.constant 208 : index
      %get3A_1075 = tpu.vector_load %arg4[%get3A_1073, %get3A_1074] {strides = array<i32>} : memref<8x256xf32, #tpu.memory_space<vmem>>, vector<16xf32>,
      %div3A_1076 = arith.constant 1.000000e-03 : f32
      %div3A_1077 = vector.broadcast %div3A_1076 : f32 to vector<16xf32>
      %div3A_1078 = arith.divf %get3A_1075, %div3A_1077 : vector<16xf32>
      %convert_element_type3A_1079 = arith.fptosi %div3A_1078 : vector<16xf32> to vector<16xi32>
      %sub3A_1080 = vector.broadcast %mul3A_825 : i32 to vector<16xi32>
      %sub3A_1081 = arith.subi %convert_element_type3A_1079, %sub3A_1080 : vector<16xi32>
      %ge3A_1082 = arith.constant 0 : i32
      %ge3A_1083 = vector.broadcast %ge3A_1082 : i32 to vector<16xi32>
      %ge3A_1084 = arith.cmpi sge, %sub3A_1081, %ge3A_1083 : vector<16xi32>
      %lt3A_1085 = arith.constant 200 : i32
      %lt3A_1086 = vector.broadcast %lt3A_1085 : i32 to vector<16xi32>
      %lt3A_1087 = arith.cmpi slt, %sub3A_1081, %lt3A_1086 : vector<16xi32>
      %and3A_1088 = arith.andi %ge3A_1084, %lt3A_1087 : vector<16xi1>
      %add3A_1089 = arith.constant 208 : i32
      %add3A_1090 = vector.broadcast %add3A_1089 : i32 to vector<16xi32>
      %add3A_1091 = arith.addi %iota3A, %add3A_1090 : vector<16xi32>
      tpu.vector_store_idx %arg5[%sub3A_1081, %add3A_1091], %broadcast_in_dim3A_8 masked %and3A_1088 : memref<200x256xf32, #tpu.memory_space<vmem>>[vector<16xi32>, vector<16xi32>], vector<16xf32>, vector<16xi1>
      %get3A_1092 = arith.index_cast %select_n3A_807 : i32 to index
      %get3A_1093 = arith.constant 224 : index
      %get3A_1094 = tpu.vector_load %arg4[%get3A_1092, %get3A_1093] {strides = array<i32>} : memref<8x256xf32, #tpu.memory_space<vmem>>, vector<16xf32>,
      %div3A_1095 = arith.constant 1.000000e-03 : f32
      %div3A_1096 = vector.broadcast %div3A_1095 : f32 to vector<16xf32>
      %div3A_1097 = arith.divf %get3A_1094, %div3A_1096 : vector<16xf32>
      %convert_element_type3A_1098 = arith.fptosi %div3A_1097 : vector<16xf32> to vector<16xi32>
      %sub3A_1099 = vector.broadcast %mul3A_825 : i32 to vector<16xi32>
      %sub3A_1100 = arith.subi %convert_element_type3A_1098, %sub3A_1099 : vector<16xi32>
      %ge3A_1101 = arith.constant 0 : i32
      %ge3A_1102 = vector.broadcast %ge3A_1101 : i32 to vector<16xi32>
      %ge3A_1103 = arith.cmpi sge, %sub3A_1100, %ge3A_1102 : vector<16xi32>
      %lt3A_1104 = arith.constant 200 : i32
      %lt3A_1105 = vector.broadcast %lt3A_1104 : i32 to vector<16xi32>
      %lt3A_1106 = arith.cmpi slt, %sub3A_1100, %lt3A_1105 : vector<16xi32>
      %and3A_1107 = arith.andi %ge3A_1103, %lt3A_1106 : vector<16xi1>
      %add3A_1108 = arith.constant 224 : i32
      %add3A_1109 = vector.broadcast %add3A_1108 : i32 to vector<16xi32>
      %add3A_1110 = arith.addi %iota3A, %add3A_1109 : vector<16xi32>
      tpu.vector_store_idx %arg5[%sub3A_1100, %add3A_1110], %broadcast_in_dim3A_8 masked %and3A_1107 : memref<200x256xf32, #tpu.memory_space<vmem>>[vector<16xi32>, vector<16xi32>], vector<16xf32>, vector<16xi1>
      %get3A_1111 = arith.index_cast %select_n3A_807 : i32 to index
      %get3A_1112 = arith.constant 240 : index
      %get3A_1113 = tpu.vector_load %arg4[%get3A_1111, %get3A_1112] {strides = array<i32>} : memref<8x256xf32, #tpu.memory_space<vmem>>, vector<16xf32>,
      %div3A_1114 = arith.constant 1.000000e-03 : f32
      %div3A_1115 = vector.broadcast %div3A_1114 : f32 to vector<16xf32>
      %div3A_1116 = arith.divf %get3A_1113, %div3A_1115 : vector<16xf32>
      %convert_element_type3A_1117 = arith.fptosi %div3A_1116 : vector<16xf32> to vector<16xi32>
      %sub3A_1118 = vector.broadcast %mul3A_825 : i32 to vector<16xi32>
      %sub3A_1119 = arith.subi %convert_element_type3A_1117, %sub3A_1118 : vector<16xi32>
      %ge3A_1120 = arith.constant 0 : i32
      %ge3A_1121 = vector.broadcast %ge3A_1120 : i32 to vector<16xi32>
      %ge3A_1122 = arith.cmpi sge, %sub3A_1119, %ge3A_1121 : vector<16xi32>
      %lt3A_1123 = arith.constant 200 : i32
      %lt3A_1124 = vector.broadcast %lt3A_1123 : i32 to vector<16xi32>
      %lt3A_1125 = arith.cmpi slt, %sub3A_1119, %lt3A_1124 : vector<16xi32>
      %and3A_1126 = arith.andi %ge3A_1122, %lt3A_1125 : vector<16xi1>
      %add3A_1127 = arith.constant 240 : i32
      %add3A_1128 = vector.broadcast %add3A_1127 : i32 to vector<16xi32>
      %add3A_1129 = arith.addi %iota3A, %add3A_1128 : vector<16xi32>
      tpu.vector_store_idx %arg5[%sub3A_1119, %add3A_1129], %broadcast_in_dim3A_8 masked %and3A_1126 : memref<200x256xf32, #tpu.memory_space<vmem>>[vector<16xi32>, vector<16xi32>], vector<16xf32>, vector<16xi1>
      %jit3A_1130 = arith.constant 5 : i32
      %div3A_1131 = arith.divsi %mul3A_735, %jit3A_1130 : i32
      %sign3A_1132 = arith.constant 0 : i32
      %sign3A_1133 = arith.cmpi sgt, %mul3A_735, %sign3A_1132 : i32
      %sign3A_1134 = arith.extui %sign3A_1133 : i1 to i32
      %sign3A_1135 = arith.constant 0 : i32
      %sign3A_1136 = arith.cmpi slt, %mul3A_735, %sign3A_1135 : i32
      %sign3A_1137 = arith.extui %sign3A_1136 : i1 to i32
      %sign3A_1138 = arith.subi %sign3A_1134, %sign3A_1137 : i32
      %sign3A_1139 = arith.constant 0 : i32
      %sign3A_1140 = arith.cmpi sgt, %jit3A_1130, %sign3A_1139 : i32
      %sign3A_1141 = arith.extui %sign3A_1140 : i1 to i32
      %sign3A_1142 = arith.constant 0 : i32
      %sign3A_1143 = arith.cmpi slt, %jit3A_1130, %sign3A_1142 : i32
      %sign3A_1144 = arith.extui %sign3A_1143 : i1 to i32
      %sign3A_1145 = arith.subi %sign3A_1141, %sign3A_1144 : i32
      %ne3A_1146 = arith.cmpi ne, %sign3A_1138, %sign3A_1145 : i32
      %rem3A_1147 = arith.remsi %mul3A_735, %jit3A_1130 : i32
      %ne3A_1148 = arith.constant 0 : i32
      %ne3A_1149 = arith.cmpi ne, %rem3A_1147, %ne3A_1148 : i32
      %and3A_1150 = arith.andi %ne3A_1146, %ne3A_1149 : i1
      %sub3A_1151 = arith.constant 1 : i32
      %sub3A_1152 = arith.subi %div3A_1131, %sub3A_1151 : i32
      %select_n3A_1153 = arith.select %and3A_1150, %sub3A_1152, %div3A_1131 : i32
      %jit3A_1154 = arith.constant 5 : i32
      %eq3A_1155 = arith.constant 0 : i32
      %eq3A_1156 = arith.cmpi eq, %jit3A_1154, %eq3A_1155 : i32
      %jit3A_1157 = arith.constant 1 : i32
      %select_n3A_1158 = arith.select %eq3A_1156, %jit3A_1157, %jit3A_1154 : i32
      %rem3A_1159 = arith.remsi %mul3A_735, %select_n3A_1158 : i32
      %ne3A_1160 = arith.constant 0 : i32
      %ne3A_1161 = arith.cmpi ne, %rem3A_1159, %ne3A_1160 : i32
      %lt3A_1162 = arith.constant 0 : i32
      %lt3A_1163 = arith.cmpi slt, %rem3A_1159, %lt3A_1162 : i32
      %lt3A_1164 = arith.constant 0 : i32
      %lt3A_1165 = arith.cmpi slt, %select_n3A_1158, %lt3A_1164 : i32
      %ne3A_1166 = arith.xori %lt3A_1163, %lt3A_1165 : i1
      %and3A_1167 = arith.andi %ne3A_1166, %ne3A_1161 : i1
      %add3A_1168 = arith.addi %rem3A_1159, %select_n3A_1158 : i32
      %select_n3A_1169 = arith.select %and3A_1167, %add3A_1168, %rem3A_1159 : i32
      %mul3A_1170 = arith.constant 200 : i32
      %mul3A_1171 = arith.muli %select_n3A_1169, %mul3A_1170 : i32
      %get3A_1172 = arith.index_cast %select_n3A_1153 : i32 to index
      %get3A_1173 = arith.constant 0 : index
      %get3A_1174 = tpu.vector_load %arg4[%get3A_1172, %get3A_1173] {strides = array<i32>} : memref<8x256xf32, #tpu.memory_space<vmem>>, vector<16xf32>,
      %div3A_1175 = arith.constant 1.000000e-03 : f32
      %div3A_1176 = vector.broadcast %div3A_1175 : f32 to vector<16xf32>
      %div3A_1177 = arith.divf %get3A_1174, %div3A_1176 : vector<16xf32>
      %convert_element_type3A_1178 = arith.fptosi %div3A_1177 : vector<16xf32> to vector<16xi32>
      %sub3A_1179 = vector.broadcast %mul3A_1171 : i32 to vector<16xi32>
      %sub3A_1180 = arith.subi %convert_element_type3A_1178, %sub3A_1179 : vector<16xi32>
      %ge3A_1181 = arith.constant 0 : i32
      %ge3A_1182 = vector.broadcast %ge3A_1181 : i32 to vector<16xi32>
      %ge3A_1183 = arith.cmpi sge, %sub3A_1180, %ge3A_1182 : vector<16xi32>
      %lt3A_1184 = arith.constant 200 : i32
      %lt3A_1185 = vector.broadcast %lt3A_1184 : i32 to vector<16xi32>
      %lt3A_1186 = arith.cmpi slt, %sub3A_1180, %lt3A_1185 : vector<16xi32>
      %and3A_1187 = arith.andi %ge3A_1183, %lt3A_1186 : vector<16xi1>
      %add3A_1188 = arith.constant 0 : i32
      %add3A_1189 = vector.broadcast %add3A_1188 : i32 to vector<16xi32>
      %add3A_1190 = arith.addi %iota3A, %add3A_1189 : vector<16xi32>
      tpu.vector_store_idx %arg5[%sub3A_1180, %add3A_1190], %broadcast_in_dim3A_6 masked %and3A_1187 : memref<200x256xf32, #tpu.memory_space<vmem>>[vector<16xi32>, vector<16xi32>], vector<16xf32>, vector<16xi1>
      %get3A_1191 = arith.index_cast %select_n3A_1153 : i32 to index
      %get3A_1192 = arith.constant 16 : index
      %get3A_1193 = tpu.vector_load %arg4[%get3A_1191, %get3A_1192] {strides = array<i32>} : memref<8x256xf32, #tpu.memory_space<vmem>>, vector<16xf32>,
      %div3A_1194 = arith.constant 1.000000e-03 : f32
      %div3A_1195 = vector.broadcast %div3A_1194 : f32 to vector<16xf32>
      %div3A_1196 = arith.divf %get3A_1193, %div3A_1195 : vector<16xf32>
      %convert_element_type3A_1197 = arith.fptosi %div3A_1196 : vector<16xf32> to vector<16xi32>
      %sub3A_1198 = vector.broadcast %mul3A_1171 : i32 to vector<16xi32>
      %sub3A_1199 = arith.subi %convert_element_type3A_1197, %sub3A_1198 : vector<16xi32>
      %ge3A_1200 = arith.constant 0 : i32
      %ge3A_1201 = vector.broadcast %ge3A_1200 : i32 to vector<16xi32>
      %ge3A_1202 = arith.cmpi sge, %sub3A_1199, %ge3A_1201 : vector<16xi32>
      %lt3A_1203 = arith.constant 200 : i32
      %lt3A_1204 = vector.broadcast %lt3A_1203 : i32 to vector<16xi32>
      %lt3A_1205 = arith.cmpi slt, %sub3A_1199, %lt3A_1204 : vector<16xi32>
      %and3A_1206 = arith.andi %ge3A_1202, %lt3A_1205 : vector<16xi1>
      %add3A_1207 = arith.constant 16 : i32
      %add3A_1208 = vector.broadcast %add3A_1207 : i32 to vector<16xi32>
      %add3A_1209 = arith.addi %iota3A, %add3A_1208 : vector<16xi32>
      tpu.vector_store_idx %arg5[%sub3A_1199, %add3A_1209], %broadcast_in_dim3A_6 masked %and3A_1206 : memref<200x256xf32, #tpu.memory_space<vmem>>[vector<16xi32>, vector<16xi32>], vector<16xf32>, vector<16xi1>
      %get3A_1210 = arith.index_cast %select_n3A_1153 : i32 to index
      %get3A_1211 = arith.constant 32 : index
      %get3A_1212 = tpu.vector_load %arg4[%get3A_1210, %get3A_1211] {strides = array<i32>} : memref<8x256xf32, #tpu.memory_space<vmem>>, vector<16xf32>,
      %div3A_1213 = arith.constant 1.000000e-03 : f32
      %div3A_1214 = vector.broadcast %div3A_1213 : f32 to vector<16xf32>
      %div3A_1215 = arith.divf %get3A_1212, %div3A_1214 : vector<16xf32>
      %convert_element_type3A_1216 = arith.fptosi %div3A_1215 : vector<16xf32> to vector<16xi32>
      %sub3A_1217 = vector.broadcast %mul3A_1171 : i32 to vector<16xi32>
      %sub3A_1218 = arith.subi %convert_element_type3A_1216, %sub3A_1217 : vector<16xi32>
      %ge3A_1219 = arith.constant 0 : i32
      %ge3A_1220 = vector.broadcast %ge3A_1219 : i32 to vector<16xi32>
      %ge3A_1221 = arith.cmpi sge, %sub3A_1218, %ge3A_1220 : vector<16xi32>
      %lt3A_1222 = arith.constant 200 : i32
      %lt3A_1223 = vector.broadcast %lt3A_1222 : i32 to vector<16xi32>
      %lt3A_1224 = arith.cmpi slt, %sub3A_1218, %lt3A_1223 : vector<16xi32>
      %and3A_1225 = arith.andi %ge3A_1221, %lt3A_1224 : vector<16xi1>
      %add3A_1226 = arith.constant 32 : i32
      %add3A_1227 = vector.broadcast %add3A_1226 : i32 to vector<16xi32>
      %add3A_1228 = arith.addi %iota3A, %add3A_1227 : vector<16xi32>
      tpu.vector_store_idx %arg5[%sub3A_1218, %add3A_1228], %broadcast_in_dim3A_6 masked %and3A_1225 : memref<200x256xf32, #tpu.memory_space<vmem>>[vector<16xi32>, vector<16xi32>], vector<16xf32>, vector<16xi1>
      %get3A_1229 = arith.index_cast %select_n3A_1153 : i32 to index
      %get3A_1230 = arith.constant 48 : index
      %get3A_1231 = tpu.vector_load %arg4[%get3A_1229, %get3A_1230] {strides = array<i32>} : memref<8x256xf32, #tpu.memory_space<vmem>>, vector<16xf32>,
      %div3A_1232 = arith.constant 1.000000e-03 : f32
      %div3A_1233 = vector.broadcast %div3A_1232 : f32 to vector<16xf32>
      %div3A_1234 = arith.divf %get3A_1231, %div3A_1233 : vector<16xf32>
      %convert_element_type3A_1235 = arith.fptosi %div3A_1234 : vector<16xf32> to vector<16xi32>
      %sub3A_1236 = vector.broadcast %mul3A_1171 : i32 to vector<16xi32>
      %sub3A_1237 = arith.subi %convert_element_type3A_1235, %sub3A_1236 : vector<16xi32>
      %ge3A_1238 = arith.constant 0 : i32
      %ge3A_1239 = vector.broadcast %ge3A_1238 : i32 to vector<16xi32>
      %ge3A_1240 = arith.cmpi sge, %sub3A_1237, %ge3A_1239 : vector<16xi32>
      %lt3A_1241 = arith.constant 200 : i32
      %lt3A_1242 = vector.broadcast %lt3A_1241 : i32 to vector<16xi32>
      %lt3A_1243 = arith.cmpi slt, %sub3A_1237, %lt3A_1242 : vector<16xi32>
      %and3A_1244 = arith.andi %ge3A_1240, %lt3A_1243 : vector<16xi1>
      %add3A_1245 = arith.constant 48 : i32
      %add3A_1246 = vector.broadcast %add3A_1245 : i32 to vector<16xi32>
      %add3A_1247 = arith.addi %iota3A, %add3A_1246 : vector<16xi32>
      tpu.vector_store_idx %arg5[%sub3A_1237, %add3A_1247], %broadcast_in_dim3A_6 masked %and3A_1244 : memref<200x256xf32, #tpu.memory_space<vmem>>[vector<16xi32>, vector<16xi32>], vector<16xf32>, vector<16xi1>
      %get3A_1248 = arith.index_cast %select_n3A_1153 : i32 to index
      %get3A_1249 = arith.constant 64 : index
      %get3A_1250 = tpu.vector_load %arg4[%get3A_1248, %get3A_1249] {strides = array<i32>} : memref<8x256xf32, #tpu.memory_space<vmem>>, vector<16xf32>,
      %div3A_1251 = arith.constant 1.000000e-03 : f32
      %div3A_1252 = vector.broadcast %div3A_1251 : f32 to vector<16xf32>
      %div3A_1253 = arith.divf %get3A_1250, %div3A_1252 : vector<16xf32>
      %convert_element_type3A_1254 = arith.fptosi %div3A_1253 : vector<16xf32> to vector<16xi32>
      %sub3A_1255 = vector.broadcast %mul3A_1171 : i32 to vector<16xi32>
      %sub3A_1256 = arith.subi %convert_element_type3A_1254, %sub3A_1255 : vector<16xi32>
      %ge3A_1257 = arith.constant 0 : i32
      %ge3A_1258 = vector.broadcast %ge3A_1257 : i32 to vector<16xi32>
      %ge3A_1259 = arith.cmpi sge, %sub3A_1256, %ge3A_1258 : vector<16xi32>
      %lt3A_1260 = arith.constant 200 : i32
      %lt3A_1261 = vector.broadcast %lt3A_1260 : i32 to vector<16xi32>
      %lt3A_1262 = arith.cmpi slt, %sub3A_1256, %lt3A_1261 : vector<16xi32>
      %and3A_1263 = arith.andi %ge3A_1259, %lt3A_1262 : vector<16xi1>
      %add3A_1264 = arith.constant 64 : i32
      %add3A_1265 = vector.broadcast %add3A_1264 : i32 to vector<16xi32>
      %add3A_1266 = arith.addi %iota3A, %add3A_1265 : vector<16xi32>
      tpu.vector_store_idx %arg5[%sub3A_1256, %add3A_1266], %broadcast_in_dim3A_6 masked %and3A_1263 : memref<200x256xf32, #tpu.memory_space<vmem>>[vector<16xi32>, vector<16xi32>], vector<16xf32>, vector<16xi1>
      %get3A_1267 = arith.index_cast %select_n3A_1153 : i32 to index
      %get3A_1268 = arith.constant 80 : index
      %get3A_1269 = tpu.vector_load %arg4[%get3A_1267, %get3A_1268] {strides = array<i32>} : memref<8x256xf32, #tpu.memory_space<vmem>>, vector<16xf32>,
      %div3A_1270 = arith.constant 1.000000e-03 : f32
      %div3A_1271 = vector.broadcast %div3A_1270 : f32 to vector<16xf32>
      %div3A_1272 = arith.divf %get3A_1269, %div3A_1271 : vector<16xf32>
      %convert_element_type3A_1273 = arith.fptosi %div3A_1272 : vector<16xf32> to vector<16xi32>
      %sub3A_1274 = vector.broadcast %mul3A_1171 : i32 to vector<16xi32>
      %sub3A_1275 = arith.subi %convert_element_type3A_1273, %sub3A_1274 : vector<16xi32>
      %ge3A_1276 = arith.constant 0 : i32
      %ge3A_1277 = vector.broadcast %ge3A_1276 : i32 to vector<16xi32>
      %ge3A_1278 = arith.cmpi sge, %sub3A_1275, %ge3A_1277 : vector<16xi32>
      %lt3A_1279 = arith.constant 200 : i32
      %lt3A_1280 = vector.broadcast %lt3A_1279 : i32 to vector<16xi32>
      %lt3A_1281 = arith.cmpi slt, %sub3A_1275, %lt3A_1280 : vector<16xi32>
      %and3A_1282 = arith.andi %ge3A_1278, %lt3A_1281 : vector<16xi1>
      %add3A_1283 = arith.constant 80 : i32
      %add3A_1284 = vector.broadcast %add3A_1283 : i32 to vector<16xi32>
      %add3A_1285 = arith.addi %iota3A, %add3A_1284 : vector<16xi32>
      tpu.vector_store_idx %arg5[%sub3A_1275, %add3A_1285], %broadcast_in_dim3A_6 masked %and3A_1282 : memref<200x256xf32, #tpu.memory_space<vmem>>[vector<16xi32>, vector<16xi32>], vector<16xf32>, vector<16xi1>
      %get3A_1286 = arith.index_cast %select_n3A_1153 : i32 to index
      %get3A_1287 = arith.constant 96 : index
      %get3A_1288 = tpu.vector_load %arg4[%get3A_1286, %get3A_1287] {strides = array<i32>} : memref<8x256xf32, #tpu.memory_space<vmem>>, vector<16xf32>,
      %div3A_1289 = arith.constant 1.000000e-03 : f32
      %div3A_1290 = vector.broadcast %div3A_1289 : f32 to vector<16xf32>
      %div3A_1291 = arith.divf %get3A_1288, %div3A_1290 : vector<16xf32>
      %convert_element_type3A_1292 = arith.fptosi %div3A_1291 : vector<16xf32> to vector<16xi32>
      %sub3A_1293 = vector.broadcast %mul3A_1171 : i32 to vector<16xi32>
      %sub3A_1294 = arith.subi %convert_element_type3A_1292, %sub3A_1293 : vector<16xi32>
      %ge3A_1295 = arith.constant 0 : i32
      %ge3A_1296 = vector.broadcast %ge3A_1295 : i32 to vector<16xi32>
      %ge3A_1297 = arith.cmpi sge, %sub3A_1294, %ge3A_1296 : vector<16xi32>
      %lt3A_1298 = arith.constant 200 : i32
      %lt3A_1299 = vector.broadcast %lt3A_1298 : i32 to vector<16xi32>
      %lt3A_1300 = arith.cmpi slt, %sub3A_1294, %lt3A_1299 : vector<16xi32>
      %and3A_1301 = arith.andi %ge3A_1297, %lt3A_1300 : vector<16xi1>
      %add3A_1302 = arith.constant 96 : i32
      %add3A_1303 = vector.broadcast %add3A_1302 : i32 to vector<16xi32>
      %add3A_1304 = arith.addi %iota3A, %add3A_1303 : vector<16xi32>
      tpu.vector_store_idx %arg5[%sub3A_1294, %add3A_1304], %broadcast_in_dim3A_6 masked %and3A_1301 : memref<200x256xf32, #tpu.memory_space<vmem>>[vector<16xi32>, vector<16xi32>], vector<16xf32>, vector<16xi1>
      %get3A_1305 = arith.index_cast %select_n3A_1153 : i32 to index
      %get3A_1306 = arith.constant 112 : index
      %get3A_1307 = tpu.vector_load %arg4[%get3A_1305, %get3A_1306] {strides = array<i32>} : memref<8x256xf32, #tpu.memory_space<vmem>>, vector<16xf32>,
      %div3A_1308 = arith.constant 1.000000e-03 : f32
      %div3A_1309 = vector.broadcast %div3A_1308 : f32 to vector<16xf32>
      %div3A_1310 = arith.divf %get3A_1307, %div3A_1309 : vector<16xf32>
      %convert_element_type3A_1311 = arith.fptosi %div3A_1310 : vector<16xf32> to vector<16xi32>
      %sub3A_1312 = vector.broadcast %mul3A_1171 : i32 to vector<16xi32>
      %sub3A_1313 = arith.subi %convert_element_type3A_1311, %sub3A_1312 : vector<16xi32>
      %ge3A_1314 = arith.constant 0 : i32
      %ge3A_1315 = vector.broadcast %ge3A_1314 : i32 to vector<16xi32>
      %ge3A_1316 = arith.cmpi sge, %sub3A_1313, %ge3A_1315 : vector<16xi32>
      %lt3A_1317 = arith.constant 200 : i32
      %lt3A_1318 = vector.broadcast %lt3A_1317 : i32 to vector<16xi32>
      %lt3A_1319 = arith.cmpi slt, %sub3A_1313, %lt3A_1318 : vector<16xi32>
      %and3A_1320 = arith.andi %ge3A_1316, %lt3A_1319 : vector<16xi1>
      %add3A_1321 = arith.constant 112 : i32
      %add3A_1322 = vector.broadcast %add3A_1321 : i32 to vector<16xi32>
      %add3A_1323 = arith.addi %iota3A, %add3A_1322 : vector<16xi32>
      tpu.vector_store_idx %arg5[%sub3A_1313, %add3A_1323], %broadcast_in_dim3A_6 masked %and3A_1320 : memref<200x256xf32, #tpu.memory_space<vmem>>[vector<16xi32>, vector<16xi32>], vector<16xf32>, vector<16xi1>
      %get3A_1324 = arith.index_cast %select_n3A_1153 : i32 to index
      %get3A_1325 = arith.constant 128 : index
      %get3A_1326 = tpu.vector_load %arg4[%get3A_1324, %get3A_1325] {strides = array<i32>} : memref<8x256xf32, #tpu.memory_space<vmem>>, vector<16xf32>,
      %div3A_1327 = arith.constant 1.000000e-03 : f32
      %div3A_1328 = vector.broadcast %div3A_1327 : f32 to vector<16xf32>
      %div3A_1329 = arith.divf %get3A_1326, %div3A_1328 : vector<16xf32>
      %convert_element_type3A_1330 = arith.fptosi %div3A_1329 : vector<16xf32> to vector<16xi32>
      %sub3A_1331 = vector.broadcast %mul3A_1171 : i32 to vector<16xi32>
      %sub3A_1332 = arith.subi %convert_element_type3A_1330, %sub3A_1331 : vector<16xi32>
      %ge3A_1333 = arith.constant 0 : i32
      %ge3A_1334 = vector.broadcast %ge3A_1333 : i32 to vector<16xi32>
      %ge3A_1335 = arith.cmpi sge, %sub3A_1332, %ge3A_1334 : vector<16xi32>
      %lt3A_1336 = arith.constant 200 : i32
      %lt3A_1337 = vector.broadcast %lt3A_1336 : i32 to vector<16xi32>
      %lt3A_1338 = arith.cmpi slt, %sub3A_1332, %lt3A_1337 : vector<16xi32>
      %and3A_1339 = arith.andi %ge3A_1335, %lt3A_1338 : vector<16xi1>
      %add3A_1340 = arith.constant 128 : i32
      %add3A_1341 = vector.broadcast %add3A_1340 : i32 to vector<16xi32>
      %add3A_1342 = arith.addi %iota3A, %add3A_1341 : vector<16xi32>
      tpu.vector_store_idx %arg5[%sub3A_1332, %add3A_1342], %broadcast_in_dim3A_6 masked %and3A_1339 : memref<200x256xf32, #tpu.memory_space<vmem>>[vector<16xi32>, vector<16xi32>], vector<16xf32>, vector<16xi1>
      %get3A_1343 = arith.index_cast %select_n3A_1153 : i32 to index
      %get3A_1344 = arith.constant 144 : index
      %get3A_1345 = tpu.vector_load %arg4[%get3A_1343, %get3A_1344] {strides = array<i32>} : memref<8x256xf32, #tpu.memory_space<vmem>>, vector<16xf32>,
      %div3A_1346 = arith.constant 1.000000e-03 : f32
      %div3A_1347 = vector.broadcast %div3A_1346 : f32 to vector<16xf32>
      %div3A_1348 = arith.divf %get3A_1345, %div3A_1347 : vector<16xf32>
      %convert_element_type3A_1349 = arith.fptosi %div3A_1348 : vector<16xf32> to vector<16xi32>
      %sub3A_1350 = vector.broadcast %mul3A_1171 : i32 to vector<16xi32>
      %sub3A_1351 = arith.subi %convert_element_type3A_1349, %sub3A_1350 : vector<16xi32>
      %ge3A_1352 = arith.constant 0 : i32
      %ge3A_1353 = vector.broadcast %ge3A_1352 : i32 to vector<16xi32>
      %ge3A_1354 = arith.cmpi sge, %sub3A_1351, %ge3A_1353 : vector<16xi32>
      %lt3A_1355 = arith.constant 200 : i32
      %lt3A_1356 = vector.broadcast %lt3A_1355 : i32 to vector<16xi32>
      %lt3A_1357 = arith.cmpi slt, %sub3A_1351, %lt3A_1356 : vector<16xi32>
      %and3A_1358 = arith.andi %ge3A_1354, %lt3A_1357 : vector<16xi1>
      %add3A_1359 = arith.constant 144 : i32
      %add3A_1360 = vector.broadcast %add3A_1359 : i32 to vector<16xi32>
      %add3A_1361 = arith.addi %iota3A, %add3A_1360 : vector<16xi32>
      tpu.vector_store_idx %arg5[%sub3A_1351, %add3A_1361], %broadcast_in_dim3A_6 masked %and3A_1358 : memref<200x256xf32, #tpu.memory_space<vmem>>[vector<16xi32>, vector<16xi32>], vector<16xf32>, vector<16xi1>
      %get3A_1362 = arith.index_cast %select_n3A_1153 : i32 to index
      %get3A_1363 = arith.constant 160 : index
      %get3A_1364 = tpu.vector_load %arg4[%get3A_1362, %get3A_1363] {strides = array<i32>} : memref<8x256xf32, #tpu.memory_space<vmem>>, vector<16xf32>,
      %div3A_1365 = arith.constant 1.000000e-03 : f32
      %div3A_1366 = vector.broadcast %div3A_1365 : f32 to vector<16xf32>
      %div3A_1367 = arith.divf %get3A_1364, %div3A_1366 : vector<16xf32>
      %convert_element_type3A_1368 = arith.fptosi %div3A_1367 : vector<16xf32> to vector<16xi32>
      %sub3A_1369 = vector.broadcast %mul3A_1171 : i32 to vector<16xi32>
      %sub3A_1370 = arith.subi %convert_element_type3A_1368, %sub3A_1369 : vector<16xi32>
      %ge3A_1371 = arith.constant 0 : i32
      %ge3A_1372 = vector.broadcast %ge3A_1371 : i32 to vector<16xi32>
      %ge3A_1373 = arith.cmpi sge, %sub3A_1370, %ge3A_1372 : vector<16xi32>
      %lt3A_1374 = arith.constant 200 : i32
      %lt3A_1375 = vector.broadcast %lt3A_1374 : i32 to vector<16xi32>
      %lt3A_1376 = arith.cmpi slt, %sub3A_1370, %lt3A_1375 : vector<16xi32>
      %and3A_1377 = arith.andi %ge3A_1373, %lt3A_1376 : vector<16xi1>
      %add3A_1378 = arith.constant 160 : i32
      %add3A_1379 = vector.broadcast %add3A_1378 : i32 to vector<16xi32>
      %add3A_1380 = arith.addi %iota3A, %add3A_1379 : vector<16xi32>
      tpu.vector_store_idx %arg5[%sub3A_1370, %add3A_1380], %broadcast_in_dim3A_6 masked %and3A_1377 : memref<200x256xf32, #tpu.memory_space<vmem>>[vector<16xi32>, vector<16xi32>], vector<16xf32>, vector<16xi1>
      %get3A_1381 = arith.index_cast %select_n3A_1153 : i32 to index
      %get3A_1382 = arith.constant 176 : index
      %get3A_1383 = tpu.vector_load %arg4[%get3A_1381, %get3A_1382] {strides = array<i32>} : memref<8x256xf32, #tpu.memory_space<vmem>>, vector<16xf32>,
      %div3A_1384 = arith.constant 1.000000e-03 : f32
      %div3A_1385 = vector.broadcast %div3A_1384 : f32 to vector<16xf32>
      %div3A_1386 = arith.divf %get3A_1383, %div3A_1385 : vector<16xf32>
      %convert_element_type3A_1387 = arith.fptosi %div3A_1386 : vector<16xf32> to vector<16xi32>
      %sub3A_1388 = vector.broadcast %mul3A_1171 : i32 to vector<16xi32>
      %sub3A_1389 = arith.subi %convert_element_type3A_1387, %sub3A_1388 : vector<16xi32>
      %ge3A_1390 = arith.constant 0 : i32
      %ge3A_1391 = vector.broadcast %ge3A_1390 : i32 to vector<16xi32>
      %ge3A_1392 = arith.cmpi sge, %sub3A_1389, %ge3A_1391 : vector<16xi32>
      %lt3A_1393 = arith.constant 200 : i32
      %lt3A_1394 = vector.broadcast %lt3A_1393 : i32 to vector<16xi32>
      %lt3A_1395 = arith.cmpi slt, %sub3A_1389, %lt3A_1394 : vector<16xi32>
      %and3A_1396 = arith.andi %ge3A_1392, %lt3A_1395 : vector<16xi1>
      %add3A_1397 = arith.constant 176 : i32
      %add3A_1398 = vector.broadcast %add3A_1397 : i32 to vector<16xi32>
      %add3A_1399 = arith.addi %iota3A, %add3A_1398 : vector<16xi32>
      tpu.vector_store_idx %arg5[%sub3A_1389, %add3A_1399], %broadcast_in_dim3A_6 masked %and3A_1396 : memref<200x256xf32, #tpu.memory_space<vmem>>[vector<16xi32>, vector<16xi32>], vector<16xf32>, vector<16xi1>
      %get3A_1400 = arith.index_cast %select_n3A_1153 : i32 to index
      %get3A_1401 = arith.constant 192 : index
      %get3A_1402 = tpu.vector_load %arg4[%get3A_1400, %get3A_1401] {strides = array<i32>} : memref<8x256xf32, #tpu.memory_space<vmem>>, vector<16xf32>,
      %div3A_1403 = arith.constant 1.000000e-03 : f32
      %div3A_1404 = vector.broadcast %div3A_1403 : f32 to vector<16xf32>
      %div3A_1405 = arith.divf %get3A_1402, %div3A_1404 : vector<16xf32>
      %convert_element_type3A_1406 = arith.fptosi %div3A_1405 : vector<16xf32> to vector<16xi32>
      %sub3A_1407 = vector.broadcast %mul3A_1171 : i32 to vector<16xi32>
      %sub3A_1408 = arith.subi %convert_element_type3A_1406, %sub3A_1407 : vector<16xi32>
      %ge3A_1409 = arith.constant 0 : i32
      %ge3A_1410 = vector.broadcast %ge3A_1409 : i32 to vector<16xi32>
      %ge3A_1411 = arith.cmpi sge, %sub3A_1408, %ge3A_1410 : vector<16xi32>
      %lt3A_1412 = arith.constant 200 : i32
      %lt3A_1413 = vector.broadcast %lt3A_1412 : i32 to vector<16xi32>
      %lt3A_1414 = arith.cmpi slt, %sub3A_1408, %lt3A_1413 : vector<16xi32>
      %and3A_1415 = arith.andi %ge3A_1411, %lt3A_1414 : vector<16xi1>
      %add3A_1416 = arith.constant 192 : i32
      %add3A_1417 = vector.broadcast %add3A_1416 : i32 to vector<16xi32>
      %add3A_1418 = arith.addi %iota3A, %add3A_1417 : vector<16xi32>
      tpu.vector_store_idx %arg5[%sub3A_1408, %add3A_1418], %broadcast_in_dim3A_6 masked %and3A_1415 : memref<200x256xf32, #tpu.memory_space<vmem>>[vector<16xi32>, vector<16xi32>], vector<16xf32>, vector<16xi1>
      %get3A_1419 = arith.index_cast %select_n3A_1153 : i32 to index
      %get3A_1420 = arith.constant 208 : index
      %get3A_1421 = tpu.vector_load %arg4[%get3A_1419, %get3A_1420] {strides = array<i32>} : memref<8x256xf32, #tpu.memory_space<vmem>>, vector<16xf32>,
      %div3A_1422 = arith.constant 1.000000e-03 : f32
      %div3A_1423 = vector.broadcast %div3A_1422 : f32 to vector<16xf32>
      %div3A_1424 = arith.divf %get3A_1421, %div3A_1423 : vector<16xf32>
      %convert_element_type3A_1425 = arith.fptosi %div3A_1424 : vector<16xf32> to vector<16xi32>
      %sub3A_1426 = vector.broadcast %mul3A_1171 : i32 to vector<16xi32>
      %sub3A_1427 = arith.subi %convert_element_type3A_1425, %sub3A_1426 : vector<16xi32>
      %ge3A_1428 = arith.constant 0 : i32
      %ge3A_1429 = vector.broadcast %ge3A_1428 : i32 to vector<16xi32>
      %ge3A_1430 = arith.cmpi sge, %sub3A_1427, %ge3A_1429 : vector<16xi32>
      %lt3A_1431 = arith.constant 200 : i32
      %lt3A_1432 = vector.broadcast %lt3A_1431 : i32 to vector<16xi32>
      %lt3A_1433 = arith.cmpi slt, %sub3A_1427, %lt3A_1432 : vector<16xi32>
      %and3A_1434 = arith.andi %ge3A_1430, %lt3A_1433 : vector<16xi1>
      %add3A_1435 = arith.constant 208 : i32
      %add3A_1436 = vector.broadcast %add3A_1435 : i32 to vector<16xi32>
      %add3A_1437 = arith.addi %iota3A, %add3A_1436 : vector<16xi32>
      tpu.vector_store_idx %arg5[%sub3A_1427, %add3A_1437], %broadcast_in_dim3A_6 masked %and3A_1434 : memref<200x256xf32, #tpu.memory_space<vmem>>[vector<16xi32>, vector<16xi32>], vector<16xf32>, vector<16xi1>
      %get3A_1438 = arith.index_cast %select_n3A_1153 : i32 to index
      %get3A_1439 = arith.constant 224 : index
      %get3A_1440 = tpu.vector_load %arg4[%get3A_1438, %get3A_1439] {strides = array<i32>} : memref<8x256xf32, #tpu.memory_space<vmem>>, vector<16xf32>,
      %div3A_1441 = arith.constant 1.000000e-03 : f32
      %div3A_1442 = vector.broadcast %div3A_1441 : f32 to vector<16xf32>
      %div3A_1443 = arith.divf %get3A_1440, %div3A_1442 : vector<16xf32>
      %convert_element_type3A_1444 = arith.fptosi %div3A_1443 : vector<16xf32> to vector<16xi32>
      %sub3A_1445 = vector.broadcast %mul3A_1171 : i32 to vector<16xi32>
      %sub3A_1446 = arith.subi %convert_element_type3A_1444, %sub3A_1445 : vector<16xi32>
      %ge3A_1447 = arith.constant 0 : i32
      %ge3A_1448 = vector.broadcast %ge3A_1447 : i32 to vector<16xi32>
      %ge3A_1449 = arith.cmpi sge, %sub3A_1446, %ge3A_1448 : vector<16xi32>
      %lt3A_1450 = arith.constant 200 : i32
      %lt3A_1451 = vector.broadcast %lt3A_1450 : i32 to vector<16xi32>
      %lt3A_1452 = arith.cmpi slt, %sub3A_1446, %lt3A_1451 : vector<16xi32>
      %and3A_1453 = arith.andi %ge3A_1449, %lt3A_1452 : vector<16xi1>
      %add3A_1454 = arith.constant 224 : i32
      %add3A_1455 = vector.broadcast %add3A_1454 : i32 to vector<16xi32>
      %add3A_1456 = arith.addi %iota3A, %add3A_1455 : vector<16xi32>
      tpu.vector_store_idx %arg5[%sub3A_1446, %add3A_1456], %broadcast_in_dim3A_6 masked %and3A_1453 : memref<200x256xf32, #tpu.memory_space<vmem>>[vector<16xi32>, vector<16xi32>], vector<16xf32>, vector<16xi1>
      %get3A_1457 = arith.index_cast %select_n3A_1153 : i32 to index
      %get3A_1458 = arith.constant 240 : index
      %get3A_1459 = tpu.vector_load %arg4[%get3A_1457, %get3A_1458] {strides = array<i32>} : memref<8x256xf32, #tpu.memory_space<vmem>>, vector<16xf32>,
      %div3A_1460 = arith.constant 1.000000e-03 : f32
      %div3A_1461 = vector.broadcast %div3A_1460 : f32 to vector<16xf32>
      %div3A_1462 = arith.divf %get3A_1459, %div3A_1461 : vector<16xf32>
      %convert_element_type3A_1463 = arith.fptosi %div3A_1462 : vector<16xf32> to vector<16xi32>
      %sub3A_1464 = vector.broadcast %mul3A_1171 : i32 to vector<16xi32>
      %sub3A_1465 = arith.subi %convert_element_type3A_1463, %sub3A_1464 : vector<16xi32>
      %ge3A_1466 = arith.constant 0 : i32
      %ge3A_1467 = vector.broadcast %ge3A_1466 : i32 to vector<16xi32>
      %ge3A_1468 = arith.cmpi sge, %sub3A_1465, %ge3A_1467 : vector<16xi32>
      %lt3A_1469 = arith.constant 200 : i32
      %lt3A_1470 = vector.broadcast %lt3A_1469 : i32 to vector<16xi32>
      %lt3A_1471 = arith.cmpi slt, %sub3A_1465, %lt3A_1470 : vector<16xi32>
      %and3A_1472 = arith.andi %ge3A_1468, %lt3A_1471 : vector<16xi1>
      %add3A_1473 = arith.constant 240 : i32
      %add3A_1474 = vector.broadcast %add3A_1473 : i32 to vector<16xi32>
      %add3A_1475 = arith.addi %iota3A, %add3A_1474 : vector<16xi32>
      tpu.vector_store_idx %arg5[%sub3A_1465, %add3A_1475], %broadcast_in_dim3A_6 masked %and3A_1472 : memref<200x256xf32, #tpu.memory_space<vmem>>[vector<16xi32>, vector<16xi32>], vector<16xf32>, vector<16xi1>
      %jit3A_1476 = arith.constant 5 : i32
      %div3A_1477 = arith.divsi %mul3A_735, %jit3A_1476 : i32
      %sign3A_1478 = arith.constant 0 : i32
      %sign3A_1479 = arith.cmpi sgt, %mul3A_735, %sign3A_1478 : i32
      %sign3A_1480 = arith.extui %sign3A_1479 : i1 to i32
      %sign3A_1481 = arith.constant 0 : i32
      %sign3A_1482 = arith.cmpi slt, %mul3A_735, %sign3A_1481 : i32
      %sign3A_1483 = arith.extui %sign3A_1482 : i1 to i32
      %sign3A_1484 = arith.subi %sign3A_1480, %sign3A_1483 : i32
      %sign3A_1485 = arith.constant 0 : i32
      %sign3A_1486 = arith.cmpi sgt, %jit3A_1476, %sign3A_1485 : i32
      %sign3A_1487 = arith.extui %sign3A_1486 : i1 to i32
      %sign3A_1488 = arith.constant 0 : i32
      %sign3A_1489 = arith.cmpi slt, %jit3A_1476, %sign3A_1488 : i32
      %sign3A_1490 = arith.extui %sign3A_1489 : i1 to i32
      %sign3A_1491 = arith.subi %sign3A_1487, %sign3A_1490 : i32
      %ne3A_1492 = arith.cmpi ne, %sign3A_1484, %sign3A_1491 : i32
      %rem3A_1493 = arith.remsi %mul3A_735, %jit3A_1476 : i32
      %ne3A_1494 = arith.constant 0 : i32
      %ne3A_1495 = arith.cmpi ne, %rem3A_1493, %ne3A_1494 : i32
      %and3A_1496 = arith.andi %ne3A_1492, %ne3A_1495 : i1
      %sub3A_1497 = arith.constant 1 : i32
      %sub3A_1498 = arith.subi %div3A_1477, %sub3A_1497 : i32
      %select_n3A_1499 = arith.select %and3A_1496, %sub3A_1498, %div3A_1477 : i32
      %jit3A_1500 = arith.constant 5 : i32
      %eq3A_1501 = arith.constant 0 : i32
      %eq3A_1502 = arith.cmpi eq, %jit3A_1500, %eq3A_1501 : i32
      %jit3A_1503 = arith.constant 1 : i32
      %select_n3A_1504 = arith.select %eq3A_1502, %jit3A_1503, %jit3A_1500 : i32
      %rem3A_1505 = arith.remsi %mul3A_735, %select_n3A_1504 : i32
      %ne3A_1506 = arith.constant 0 : i32
      %ne3A_1507 = arith.cmpi ne, %rem3A_1505, %ne3A_1506 : i32
      %lt3A_1508 = arith.constant 0 : i32
      %lt3A_1509 = arith.cmpi slt, %rem3A_1505, %lt3A_1508 : i32
      %lt3A_1510 = arith.constant 0 : i32
      %lt3A_1511 = arith.cmpi slt, %select_n3A_1504, %lt3A_1510 : i32
      %ne3A_1512 = arith.xori %lt3A_1509, %lt3A_1511 : i1
      %and3A_1513 = arith.andi %ne3A_1512, %ne3A_1507 : i1
      %add3A_1514 = arith.addi %rem3A_1505, %select_n3A_1504 : i32
      %select_n3A_1515 = arith.select %and3A_1513, %add3A_1514, %rem3A_1505 : i32
      %mul3A_1516 = arith.constant 200 : i32
      %mul3A_1517 = arith.muli %select_n3A_1515, %mul3A_1516 : i32
      %multiple_of3A_1518 = tpu.assume_multiple %mul3A_1517, 200 : i32
      %add3A_1519 = arith.addi %mul3A_2, %select_n3A_1499 : i32
      %dma_start3A_1520 = arith.constant 0 : i32
      %dma_start3A_1521 = tpu.memref_slice %arg3[%add3A_1519, %multiple_of3A_1518, %dma_start3A_1520] : memref<256x1000x256xf32, #tpu.memory_space<hbm>> -> memref<1x200x256xf32, #tpu.memory_space<hbm>>
      %dma_start3A_1522 = tpu.memref_squeeze %dma_start3A_1521 : memref<1x200x256xf32, #tpu.memory_space<hbm>> -> memref<200x256xf32, #tpu.memory_space<hbm>>
      %dma_start3A_1523 = arith.constant 0 : i32
      %dma_start3A_1524 = tpu.memref_slice %arg3[%add3A_1519, %multiple_of3A_1518, %dma_start3A_1523] : memref<256x1000x256xf32, #tpu.memory_space<hbm>> -> memref<1x200x256xf32, #tpu.memory_space<hbm>>
      %dma_start3A_1525 = tpu.memref_squeeze %dma_start3A_1524 : memref<1x200x256xf32, #tpu.memory_space<hbm>> -> memref<200x256xf32, #tpu.memory_space<hbm>>
      tpu.enqueue_dma source(%arg5 : memref<200x256xf32, #tpu.memory_space<vmem>>) target(%dma_start3A_1525 : memref<200x256xf32, #tpu.memory_space<hbm>>) target_semaphore(%arg7 : memref<!tpu.dma_semaphore, #tpu.memory_space<semaphore_mem>>)
      %sub3A_1526 = arith.constant 1 : i32
      %sub3A_1527 = arith.subi %mul3A_735, %sub3A_1526 : i32
      %jit3A_1528 = arith.constant 5 : i32
      %div3A_1529 = arith.divsi %sub3A_1527, %jit3A_1528 : i32
      %sign3A_1530 = arith.constant 0 : i32
      %sign3A_1531 = arith.cmpi sgt, %sub3A_1527, %sign3A_1530 : i32
      %sign3A_1532 = arith.extui %sign3A_1531 : i1 to i32
      %sign3A_1533 = arith.constant 0 : i32
      %sign3A_1534 = arith.cmpi slt, %sub3A_1527, %sign3A_1533 : i32
      %sign3A_1535 = arith.extui %sign3A_1534 : i1 to i32
      %sign3A_1536 = arith.subi %sign3A_1532, %sign3A_1535 : i32
      %sign3A_1537 = arith.constant 0 : i32
      %sign3A_1538 = arith.cmpi sgt, %jit3A_1528, %sign3A_1537 : i32
      %sign3A_1539 = arith.extui %sign3A_1538 : i1 to i32
      %sign3A_1540 = arith.constant 0 : i32
      %sign3A_1541 = arith.cmpi slt, %jit3A_1528, %sign3A_1540 : i32
      %sign3A_1542 = arith.extui %sign3A_1541 : i1 to i32
      %sign3A_1543 = arith.subi %sign3A_1539, %sign3A_1542 : i32
      %ne3A_1544 = arith.cmpi ne, %sign3A_1536, %sign3A_1543 : i32
      %rem3A_1545 = arith.remsi %sub3A_1527, %jit3A_1528 : i32
      %ne3A_1546 = arith.constant 0 : i32
      %ne3A_1547 = arith.cmpi ne, %rem3A_1545, %ne3A_1546 : i32
      %and3A_1548 = arith.andi %ne3A_1544, %ne3A_1547 : i1
      %sub3A_1549 = arith.constant 1 : i32
      %sub3A_1550 = arith.subi %div3A_1529, %sub3A_1549 : i32
      %select_n3A_1551 = arith.select %and3A_1548, %sub3A_1550, %div3A_1529 : i32
      %jit3A_1552 = arith.constant 5 : i32
      %eq3A_1553 = arith.constant 0 : i32
      %eq3A_1554 = arith.cmpi eq, %jit3A_1552, %eq3A_1553 : i32
      %jit3A_1555 = arith.constant 1 : i32
      %select_n3A_1556 = arith.select %eq3A_1554, %jit3A_1555, %jit3A_1552 : i32
      %rem3A_1557 = arith.remsi %sub3A_1527, %select_n3A_1556 : i32
      %ne3A_1558 = arith.constant 0 : i32
      %ne3A_1559 = arith.cmpi ne, %rem3A_1557, %ne3A_1558 : i32
      %lt3A_1560 = arith.constant 0 : i32
      %lt3A_1561 = arith.cmpi slt, %rem3A_1557, %lt3A_1560 : i32
      %lt3A_1562 = arith.constant 0 : i32
      %lt3A_1563 = arith.cmpi slt, %select_n3A_1556, %lt3A_1562 : i32
      %ne3A_1564 = arith.xori %lt3A_1561, %lt3A_1563 : i1
      %and3A_1565 = arith.andi %ne3A_1564, %ne3A_1559 : i1
      %add3A_1566 = arith.addi %rem3A_1557, %select_n3A_1556 : i32
      %select_n3A_1567 = arith.select %and3A_1565, %add3A_1566, %rem3A_1557 : i32
      %mul3A_1568 = arith.constant 200 : i32
      %mul3A_1569 = arith.muli %select_n3A_1567, %mul3A_1568 : i32
      %multiple_of3A_1570 = tpu.assume_multiple %mul3A_1569, 200 : i32
      %add3A_1571 = arith.addi %mul3A_2, %select_n3A_1551 : i32
      %dma_wait3A_1572 = arith.constant 0 : i32
      %dma_wait3A_1573 = tpu.memref_slice %arg3[%add3A_1571, %multiple_of3A_1570, %dma_wait3A_1572] : memref<256x1000x256xf32, #tpu.memory_space<hbm>> -> memref<1x200x256xf32, #tpu.memory_space<hbm>>
      %dma_wait3A_1574 = tpu.memref_squeeze %dma_wait3A_1573 : memref<1x200x256xf32, #tpu.memory_space<hbm>> -> memref<200x256xf32, #tpu.memory_space<hbm>>
      %dma_wait3A_1575 = arith.constant 0 : i32
      %dma_wait3A_1576 = tpu.memref_slice %arg3[%add3A_1571, %multiple_of3A_1570, %dma_wait3A_1575] : memref<256x1000x256xf32, #tpu.memory_space<hbm>> -> memref<1x200x256xf32, #tpu.memory_space<hbm>>
      %dma_wait3A_1577 = tpu.memref_squeeze %dma_wait3A_1576 : memref<1x200x256xf32, #tpu.memory_space<hbm>> -> memref<200x256xf32, #tpu.memory_space<hbm>>
      tpu.wait_dma2 semaphore(%arg8 : memref<!tpu.dma_semaphore, #tpu.memory_space<semaphore_mem>>) src(%arg6 : memref<200x256xf32, #tpu.memory_space<vmem>>) dst(%dma_wait3A_1577 : memref<200x256xf32, #tpu.memory_space<hbm>>)
      %sub3A_1578 = arith.constant 1 : i32
      %sub3A_1579 = arith.subi %mul3A_735, %sub3A_1578 : i32
      %jit3A_1580 = arith.constant 5 : i32
      %div3A_1581 = arith.divsi %sub3A_1579, %jit3A_1580 : i32
      %sign3A_1582 = arith.constant 0 : i32
      %sign3A_1583 = arith.cmpi sgt, %sub3A_1579, %sign3A_1582 : i32
      %sign3A_1584 = arith.extui %sign3A_1583 : i1 to i32
      %sign3A_1585 = arith.constant 0 : i32
      %sign3A_1586 = arith.cmpi slt, %sub3A_1579, %sign3A_1585 : i32
      %sign3A_1587 = arith.extui %sign3A_1586 : i1 to i32
      %sign3A_1588 = arith.subi %sign3A_1584, %sign3A_1587 : i32
      %sign3A_1589 = arith.constant 0 : i32
      %sign3A_1590 = arith.cmpi sgt, %jit3A_1580, %sign3A_1589 : i32
      %sign3A_1591 = arith.extui %sign3A_1590 : i1 to i32
      %sign3A_1592 = arith.constant 0 : i32
      %sign3A_1593 = arith.cmpi slt, %jit3A_1580, %sign3A_1592 : i32
      %sign3A_1594 = arith.extui %sign3A_1593 : i1 to i32
      %sign3A_1595 = arith.subi %sign3A_1591, %sign3A_1594 : i32
      %ne3A_1596 = arith.cmpi ne, %sign3A_1588, %sign3A_1595 : i32
      %rem3A_1597 = arith.remsi %sub3A_1579, %jit3A_1580 : i32
      %ne3A_1598 = arith.constant 0 : i32
      %ne3A_1599 = arith.cmpi ne, %rem3A_1597, %ne3A_1598 : i32
      %and3A_1600 = arith.andi %ne3A_1596, %ne3A_1599 : i1
      %sub3A_1601 = arith.constant 1 : i32
      %sub3A_1602 = arith.subi %div3A_1581, %sub3A_1601 : i32
      %select_n3A_1603 = arith.select %and3A_1600, %sub3A_1602, %div3A_1581 : i32
      %jit3A_1604 = arith.constant 5 : i32
      %eq3A_1605 = arith.constant 0 : i32
      %eq3A_1606 = arith.cmpi eq, %jit3A_1604, %eq3A_1605 : i32
      %jit3A_1607 = arith.constant 1 : i32
      %select_n3A_1608 = arith.select %eq3A_1606, %jit3A_1607, %jit3A_1604 : i32
      %rem3A_1609 = arith.remsi %sub3A_1579, %select_n3A_1608 : i32
      %ne3A_1610 = arith.constant 0 : i32
      %ne3A_1611 = arith.cmpi ne, %rem3A_1609, %ne3A_1610 : i32
      %lt3A_1612 = arith.constant 0 : i32
      %lt3A_1613 = arith.cmpi slt, %rem3A_1609, %lt3A_1612 : i32
      %lt3A_1614 = arith.constant 0 : i32
      %lt3A_1615 = arith.cmpi slt, %select_n3A_1608, %lt3A_1614 : i32
      %ne3A_1616 = arith.xori %lt3A_1613, %lt3A_1615 : i1
      %and3A_1617 = arith.andi %ne3A_1616, %ne3A_1611 : i1
      %add3A_1618 = arith.addi %rem3A_1609, %select_n3A_1608 : i32
      %select_n3A_1619 = arith.select %and3A_1617, %add3A_1618, %rem3A_1609 : i32
      %mul3A_1620 = arith.constant 200 : i32
      %mul3A_1621 = arith.muli %select_n3A_1619, %mul3A_1620 : i32
      %get3A_1622 = arith.index_cast %select_n3A_1603 : i32 to index
      %get3A_1623 = arith.constant 0 : index
      %get3A_1624 = tpu.vector_load %arg4[%get3A_1622, %get3A_1623] {strides = array<i32>} : memref<8x256xf32, #tpu.memory_space<vmem>>, vector<16xf32>,
      %div3A_1625 = arith.constant 1.000000e-03 : f32
      %div3A_1626 = vector.broadcast %div3A_1625 : f32 to vector<16xf32>
      %div3A_1627 = arith.divf %get3A_1624, %div3A_1626 : vector<16xf32>
      %convert_element_type3A_1628 = arith.fptosi %div3A_1627 : vector<16xf32> to vector<16xi32>
      %sub3A_1629 = vector.broadcast %mul3A_1621 : i32 to vector<16xi32>
      %sub3A_1630 = arith.subi %convert_element_type3A_1628, %sub3A_1629 : vector<16xi32>
      %ge3A_1631 = arith.constant 0 : i32
      %ge3A_1632 = vector.broadcast %ge3A_1631 : i32 to vector<16xi32>
      %ge3A_1633 = arith.cmpi sge, %sub3A_1630, %ge3A_1632 : vector<16xi32>
      %lt3A_1634 = arith.constant 200 : i32
      %lt3A_1635 = vector.broadcast %lt3A_1634 : i32 to vector<16xi32>
      %lt3A_1636 = arith.cmpi slt, %sub3A_1630, %lt3A_1635 : vector<16xi32>
      %and3A_1637 = arith.andi %ge3A_1633, %lt3A_1636 : vector<16xi1>
      %add3A_1638 = arith.constant 0 : i32
      %add3A_1639 = vector.broadcast %add3A_1638 : i32 to vector<16xi32>
      %add3A_1640 = arith.addi %iota3A, %add3A_1639 : vector<16xi32>
      tpu.vector_store_idx %arg6[%sub3A_1630, %add3A_1640], %broadcast_in_dim3A_8 masked %and3A_1637 : memref<200x256xf32, #tpu.memory_space<vmem>>[vector<16xi32>, vector<16xi32>], vector<16xf32>, vector<16xi1>
      %get3A_1641 = arith.index_cast %select_n3A_1603 : i32 to index
      %get3A_1642 = arith.constant 16 : index
      %get3A_1643 = tpu.vector_load %arg4[%get3A_1641, %get3A_1642] {strides = array<i32>} : memref<8x256xf32, #tpu.memory_space<vmem>>, vector<16xf32>,
      %div3A_1644 = arith.constant 1.000000e-03 : f32
      %div3A_1645 = vector.broadcast %div3A_1644 : f32 to vector<16xf32>
      %div3A_1646 = arith.divf %get3A_1643, %div3A_1645 : vector<16xf32>
      %convert_element_type3A_1647 = arith.fptosi %div3A_1646 : vector<16xf32> to vector<16xi32>
      %sub3A_1648 = vector.broadcast %mul3A_1621 : i32 to vector<16xi32>
      %sub3A_1649 = arith.subi %convert_element_type3A_1647, %sub3A_1648 : vector<16xi32>
      %ge3A_1650 = arith.constant 0 : i32
      %ge3A_1651 = vector.broadcast %ge3A_1650 : i32 to vector<16xi32>
      %ge3A_1652 = arith.cmpi sge, %sub3A_1649, %ge3A_1651 : vector<16xi32>
      %lt3A_1653 = arith.constant 200 : i32
      %lt3A_1654 = vector.broadcast %lt3A_1653 : i32 to vector<16xi32>
      %lt3A_1655 = arith.cmpi slt, %sub3A_1649, %lt3A_1654 : vector<16xi32>
      %and3A_1656 = arith.andi %ge3A_1652, %lt3A_1655 : vector<16xi1>
      %add3A_1657 = arith.constant 16 : i32
      %add3A_1658 = vector.broadcast %add3A_1657 : i32 to vector<16xi32>
      %add3A_1659 = arith.addi %iota3A, %add3A_1658 : vector<16xi32>
      tpu.vector_store_idx %arg6[%sub3A_1649, %add3A_1659], %broadcast_in_dim3A_8 masked %and3A_1656 : memref<200x256xf32, #tpu.memory_space<vmem>>[vector<16xi32>, vector<16xi32>], vector<16xf32>, vector<16xi1>
      %get3A_1660 = arith.index_cast %select_n3A_1603 : i32 to index
      %get3A_1661 = arith.constant 32 : index
      %get3A_1662 = tpu.vector_load %arg4[%get3A_1660, %get3A_1661] {strides = array<i32>} : memref<8x256xf32, #tpu.memory_space<vmem>>, vector<16xf32>,
      %div3A_1663 = arith.constant 1.000000e-03 : f32
      %div3A_1664 = vector.broadcast %div3A_1663 : f32 to vector<16xf32>
      %div3A_1665 = arith.divf %get3A_1662, %div3A_1664 : vector<16xf32>
      %convert_element_type3A_1666 = arith.fptosi %div3A_1665 : vector<16xf32> to vector<16xi32>
      %sub3A_1667 = vector.broadcast %mul3A_1621 : i32 to vector<16xi32>
      %sub3A_1668 = arith.subi %convert_element_type3A_1666, %sub3A_1667 : vector<16xi32>
      %ge3A_1669 = arith.constant 0 : i32
      %ge3A_1670 = vector.broadcast %ge3A_1669 : i32 to vector<16xi32>
      %ge3A_1671 = arith.cmpi sge, %sub3A_1668, %ge3A_1670 : vector<16xi32>
      %lt3A_1672 = arith.constant 200 : i32
      %lt3A_1673 = vector.broadcast %lt3A_1672 : i32 to vector<16xi32>
      %lt3A_1674 = arith.cmpi slt, %sub3A_1668, %lt3A_1673 : vector<16xi32>
      %and3A_1675 = arith.andi %ge3A_1671, %lt3A_1674 : vector<16xi1>
      %add3A_1676 = arith.constant 32 : i32
      %add3A_1677 = vector.broadcast %add3A_1676 : i32 to vector<16xi32>
      %add3A_1678 = arith.addi %iota3A, %add3A_1677 : vector<16xi32>
      tpu.vector_store_idx %arg6[%sub3A_1668, %add3A_1678], %broadcast_in_dim3A_8 masked %and3A_1675 : memref<200x256xf32, #tpu.memory_space<vmem>>[vector<16xi32>, vector<16xi32>], vector<16xf32>, vector<16xi1>
      %get3A_1679 = arith.index_cast %select_n3A_1603 : i32 to index
      %get3A_1680 = arith.constant 48 : index
      %get3A_1681 = tpu.vector_load %arg4[%get3A_1679, %get3A_1680] {strides = array<i32>} : memref<8x256xf32, #tpu.memory_space<vmem>>, vector<16xf32>,
      %div3A_1682 = arith.constant 1.000000e-03 : f32
      %div3A_1683 = vector.broadcast %div3A_1682 : f32 to vector<16xf32>
      %div3A_1684 = arith.divf %get3A_1681, %div3A_1683 : vector<16xf32>
      %convert_element_type3A_1685 = arith.fptosi %div3A_1684 : vector<16xf32> to vector<16xi32>
      %sub3A_1686 = vector.broadcast %mul3A_1621 : i32 to vector<16xi32>
      %sub3A_1687 = arith.subi %convert_element_type3A_1685, %sub3A_1686 : vector<16xi32>
      %ge3A_1688 = arith.constant 0 : i32
      %ge3A_1689 = vector.broadcast %ge3A_1688 : i32 to vector<16xi32>
      %ge3A_1690 = arith.cmpi sge, %sub3A_1687, %ge3A_1689 : vector<16xi32>
      %lt3A_1691 = arith.constant 200 : i32
      %lt3A_1692 = vector.broadcast %lt3A_1691 : i32 to vector<16xi32>
      %lt3A_1693 = arith.cmpi slt, %sub3A_1687, %lt3A_1692 : vector<16xi32>
      %and3A_1694 = arith.andi %ge3A_1690, %lt3A_1693 : vector<16xi1>
      %add3A_1695 = arith.constant 48 : i32
      %add3A_1696 = vector.broadcast %add3A_1695 : i32 to vector<16xi32>
      %add3A_1697 = arith.addi %iota3A, %add3A_1696 : vector<16xi32>
      tpu.vector_store_idx %arg6[%sub3A_1687, %add3A_1697], %broadcast_in_dim3A_8 masked %and3A_1694 : memref<200x256xf32, #tpu.memory_space<vmem>>[vector<16xi32>, vector<16xi32>], vector<16xf32>, vector<16xi1>
      %get3A_1698 = arith.index_cast %select_n3A_1603 : i32 to index
      %get3A_1699 = arith.constant 64 : index
      %get3A_1700 = tpu.vector_load %arg4[%get3A_1698, %get3A_1699] {strides = array<i32>} : memref<8x256xf32, #tpu.memory_space<vmem>>, vector<16xf32>,
      %div3A_1701 = arith.constant 1.000000e-03 : f32
      %div3A_1702 = vector.broadcast %div3A_1701 : f32 to vector<16xf32>
      %div3A_1703 = arith.divf %get3A_1700, %div3A_1702 : vector<16xf32>
      %convert_element_type3A_1704 = arith.fptosi %div3A_1703 : vector<16xf32> to vector<16xi32>
      %sub3A_1705 = vector.broadcast %mul3A_1621 : i32 to vector<16xi32>
      %sub3A_1706 = arith.subi %convert_element_type3A_1704, %sub3A_1705 : vector<16xi32>
      %ge3A_1707 = arith.constant 0 : i32
      %ge3A_1708 = vector.broadcast %ge3A_1707 : i32 to vector<16xi32>
      %ge3A_1709 = arith.cmpi sge, %sub3A_1706, %ge3A_1708 : vector<16xi32>
      %lt3A_1710 = arith.constant 200 : i32
      %lt3A_1711 = vector.broadcast %lt3A_1710 : i32 to vector<16xi32>
      %lt3A_1712 = arith.cmpi slt, %sub3A_1706, %lt3A_1711 : vector<16xi32>
      %and3A_1713 = arith.andi %ge3A_1709, %lt3A_1712 : vector<16xi1>
      %add3A_1714 = arith.constant 64 : i32
      %add3A_1715 = vector.broadcast %add3A_1714 : i32 to vector<16xi32>
      %add3A_1716 = arith.addi %iota3A, %add3A_1715 : vector<16xi32>
      tpu.vector_store_idx %arg6[%sub3A_1706, %add3A_1716], %broadcast_in_dim3A_8 masked %and3A_1713 : memref<200x256xf32, #tpu.memory_space<vmem>>[vector<16xi32>, vector<16xi32>], vector<16xf32>, vector<16xi1>
      %get3A_1717 = arith.index_cast %select_n3A_1603 : i32 to index
      %get3A_1718 = arith.constant 80 : index
      %get3A_1719 = tpu.vector_load %arg4[%get3A_1717, %get3A_1718] {strides = array<i32>} : memref<8x256xf32, #tpu.memory_space<vmem>>, vector<16xf32>,
      %div3A_1720 = arith.constant 1.000000e-03 : f32
      %div3A_1721 = vector.broadcast %div3A_1720 : f32 to vector<16xf32>
      %div3A_1722 = arith.divf %get3A_1719, %div3A_1721 : vector<16xf32>
      %convert_element_type3A_1723 = arith.fptosi %div3A_1722 : vector<16xf32> to vector<16xi32>
      %sub3A_1724 = vector.broadcast %mul3A_1621 : i32 to vector<16xi32>
      %sub3A_1725 = arith.subi %convert_element_type3A_1723, %sub3A_1724 : vector<16xi32>
      %ge3A_1726 = arith.constant 0 : i32
      %ge3A_1727 = vector.broadcast %ge3A_1726 : i32 to vector<16xi32>
      %ge3A_1728 = arith.cmpi sge, %sub3A_1725, %ge3A_1727 : vector<16xi32>
      %lt3A_1729 = arith.constant 200 : i32
      %lt3A_1730 = vector.broadcast %lt3A_1729 : i32 to vector<16xi32>
      %lt3A_1731 = arith.cmpi slt, %sub3A_1725, %lt3A_1730 : vector<16xi32>
      %and3A_1732 = arith.andi %ge3A_1728, %lt3A_1731 : vector<16xi1>
      %add3A_1733 = arith.constant 80 : i32
      %add3A_1734 = vector.broadcast %add3A_1733 : i32 to vector<16xi32>
      %add3A_1735 = arith.addi %iota3A, %add3A_1734 : vector<16xi32>
      tpu.vector_store_idx %arg6[%sub3A_1725, %add3A_1735], %broadcast_in_dim3A_8 masked %and3A_1732 : memref<200x256xf32, #tpu.memory_space<vmem>>[vector<16xi32>, vector<16xi32>], vector<16xf32>, vector<16xi1>
      %get3A_1736 = arith.index_cast %select_n3A_1603 : i32 to index
      %get3A_1737 = arith.constant 96 : index
      %get3A_1738 = tpu.vector_load %arg4[%get3A_1736, %get3A_1737] {strides = array<i32>} : memref<8x256xf32, #tpu.memory_space<vmem>>, vector<16xf32>,
      %div3A_1739 = arith.constant 1.000000e-03 : f32
      %div3A_1740 = vector.broadcast %div3A_1739 : f32 to vector<16xf32>
      %div3A_1741 = arith.divf %get3A_1738, %div3A_1740 : vector<16xf32>
      %convert_element_type3A_1742 = arith.fptosi %div3A_1741 : vector<16xf32> to vector<16xi32>
      %sub3A_1743 = vector.broadcast %mul3A_1621 : i32 to vector<16xi32>
      %sub3A_1744 = arith.subi %convert_element_type3A_1742, %sub3A_1743 : vector<16xi32>
      %ge3A_1745 = arith.constant 0 : i32
      %ge3A_1746 = vector.broadcast %ge3A_1745 : i32 to vector<16xi32>
      %ge3A_1747 = arith.cmpi sge, %sub3A_1744, %ge3A_1746 : vector<16xi32>
      %lt3A_1748 = arith.constant 200 : i32
      %lt3A_1749 = vector.broadcast %lt3A_1748 : i32 to vector<16xi32>
      %lt3A_1750 = arith.cmpi slt, %sub3A_1744, %lt3A_1749 : vector<16xi32>
      %and3A_1751 = arith.andi %ge3A_1747, %lt3A_1750 : vector<16xi1>
      %add3A_1752 = arith.constant 96 : i32
      %add3A_1753 = vector.broadcast %add3A_1752 : i32 to vector<16xi32>
      %add3A_1754 = arith.addi %iota3A, %add3A_1753 : vector<16xi32>
      tpu.vector_store_idx %arg6[%sub3A_1744, %add3A_1754], %broadcast_in_dim3A_8 masked %and3A_1751 : memref<200x256xf32, #tpu.memory_space<vmem>>[vector<16xi32>, vector<16xi32>], vector<16xf32>, vector<16xi1>
      %get3A_1755 = arith.index_cast %select_n3A_1603 : i32 to index
      %get3A_1756 = arith.constant 112 : index
      %get3A_1757 = tpu.vector_load %arg4[%get3A_1755, %get3A_1756] {strides = array<i32>} : memref<8x256xf32, #tpu.memory_space<vmem>>, vector<16xf32>,
      %div3A_1758 = arith.constant 1.000000e-03 : f32
      %div3A_1759 = vector.broadcast %div3A_1758 : f32 to vector<16xf32>
      %div3A_1760 = arith.divf %get3A_1757, %div3A_1759 : vector<16xf32>
      %convert_element_type3A_1761 = arith.fptosi %div3A_1760 : vector<16xf32> to vector<16xi32>
      %sub3A_1762 = vector.broadcast %mul3A_1621 : i32 to vector<16xi32>
      %sub3A_1763 = arith.subi %convert_element_type3A_1761, %sub3A_1762 : vector<16xi32>
      %ge3A_1764 = arith.constant 0 : i32
      %ge3A_1765 = vector.broadcast %ge3A_1764 : i32 to vector<16xi32>
      %ge3A_1766 = arith.cmpi sge, %sub3A_1763, %ge3A_1765 : vector<16xi32>
      %lt3A_1767 = arith.constant 200 : i32
      %lt3A_1768 = vector.broadcast %lt3A_1767 : i32 to vector<16xi32>
      %lt3A_1769 = arith.cmpi slt, %sub3A_1763, %lt3A_1768 : vector<16xi32>
      %and3A_1770 = arith.andi %ge3A_1766, %lt3A_1769 : vector<16xi1>
      %add3A_1771 = arith.constant 112 : i32
      %add3A_1772 = vector.broadcast %add3A_1771 : i32 to vector<16xi32>
      %add3A_1773 = arith.addi %iota3A, %add3A_1772 : vector<16xi32>
      tpu.vector_store_idx %arg6[%sub3A_1763, %add3A_1773], %broadcast_in_dim3A_8 masked %and3A_1770 : memref<200x256xf32, #tpu.memory_space<vmem>>[vector<16xi32>, vector<16xi32>], vector<16xf32>, vector<16xi1>
      %get3A_1774 = arith.index_cast %select_n3A_1603 : i32 to index
      %get3A_1775 = arith.constant 128 : index
      %get3A_1776 = tpu.vector_load %arg4[%get3A_1774, %get3A_1775] {strides = array<i32>} : memref<8x256xf32, #tpu.memory_space<vmem>>, vector<16xf32>,
      %div3A_1777 = arith.constant 1.000000e-03 : f32
      %div3A_1778 = vector.broadcast %div3A_1777 : f32 to vector<16xf32>
      %div3A_1779 = arith.divf %get3A_1776, %div3A_1778 : vector<16xf32>
      %convert_element_type3A_1780 = arith.fptosi %div3A_1779 : vector<16xf32> to vector<16xi32>
      %sub3A_1781 = vector.broadcast %mul3A_1621 : i32 to vector<16xi32>
      %sub3A_1782 = arith.subi %convert_element_type3A_1780, %sub3A_1781 : vector<16xi32>
      %ge3A_1783 = arith.constant 0 : i32
      %ge3A_1784 = vector.broadcast %ge3A_1783 : i32 to vector<16xi32>
      %ge3A_1785 = arith.cmpi sge, %sub3A_1782, %ge3A_1784 : vector<16xi32>
      %lt3A_1786 = arith.constant 200 : i32
      %lt3A_1787 = vector.broadcast %lt3A_1786 : i32 to vector<16xi32>
      %lt3A_1788 = arith.cmpi slt, %sub3A_1782, %lt3A_1787 : vector<16xi32>
      %and3A_1789 = arith.andi %ge3A_1785, %lt3A_1788 : vector<16xi1>
      %add3A_1790 = arith.constant 128 : i32
      %add3A_1791 = vector.broadcast %add3A_1790 : i32 to vector<16xi32>
      %add3A_1792 = arith.addi %iota3A, %add3A_1791 : vector<16xi32>
      tpu.vector_store_idx %arg6[%sub3A_1782, %add3A_1792], %broadcast_in_dim3A_8 masked %and3A_1789 : memref<200x256xf32, #tpu.memory_space<vmem>>[vector<16xi32>, vector<16xi32>], vector<16xf32>, vector<16xi1>
      %get3A_1793 = arith.index_cast %select_n3A_1603 : i32 to index
      %get3A_1794 = arith.constant 144 : index
      %get3A_1795 = tpu.vector_load %arg4[%get3A_1793, %get3A_1794] {strides = array<i32>} : memref<8x256xf32, #tpu.memory_space<vmem>>, vector<16xf32>,
      %div3A_1796 = arith.constant 1.000000e-03 : f32
      %div3A_1797 = vector.broadcast %div3A_1796 : f32 to vector<16xf32>
      %div3A_1798 = arith.divf %get3A_1795, %div3A_1797 : vector<16xf32>
      %convert_element_type3A_1799 = arith.fptosi %div3A_1798 : vector<16xf32> to vector<16xi32>
      %sub3A_1800 = vector.broadcast %mul3A_1621 : i32 to vector<16xi32>
      %sub3A_1801 = arith.subi %convert_element_type3A_1799, %sub3A_1800 : vector<16xi32>
      %ge3A_1802 = arith.constant 0 : i32
      %ge3A_1803 = vector.broadcast %ge3A_1802 : i32 to vector<16xi32>
      %ge3A_1804 = arith.cmpi sge, %sub3A_1801, %ge3A_1803 : vector<16xi32>
      %lt3A_1805 = arith.constant 200 : i32
      %lt3A_1806 = vector.broadcast %lt3A_1805 : i32 to vector<16xi32>
      %lt3A_1807 = arith.cmpi slt, %sub3A_1801, %lt3A_1806 : vector<16xi32>
      %and3A_1808 = arith.andi %ge3A_1804, %lt3A_1807 : vector<16xi1>
      %add3A_1809 = arith.constant 144 : i32
      %add3A_1810 = vector.broadcast %add3A_1809 : i32 to vector<16xi32>
      %add3A_1811 = arith.addi %iota3A, %add3A_1810 : vector<16xi32>
      tpu.vector_store_idx %arg6[%sub3A_1801, %add3A_1811], %broadcast_in_dim3A_8 masked %and3A_1808 : memref<200x256xf32, #tpu.memory_space<vmem>>[vector<16xi32>, vector<16xi32>], vector<16xf32>, vector<16xi1>
      %get3A_1812 = arith.index_cast %select_n3A_1603 : i32 to index
      %get3A_1813 = arith.constant 160 : index
      %get3A_1814 = tpu.vector_load %arg4[%get3A_1812, %get3A_1813] {strides = array<i32>} : memref<8x256xf32, #tpu.memory_space<vmem>>, vector<16xf32>,
      %div3A_1815 = arith.constant 1.000000e-03 : f32
      %div3A_1816 = vector.broadcast %div3A_1815 : f32 to vector<16xf32>
      %div3A_1817 = arith.divf %get3A_1814, %div3A_1816 : vector<16xf32>
      %convert_element_type3A_1818 = arith.fptosi %div3A_1817 : vector<16xf32> to vector<16xi32>
      %sub3A_1819 = vector.broadcast %mul3A_1621 : i32 to vector<16xi32>
      %sub3A_1820 = arith.subi %convert_element_type3A_1818, %sub3A_1819 : vector<16xi32>
      %ge3A_1821 = arith.constant 0 : i32
      %ge3A_1822 = vector.broadcast %ge3A_1821 : i32 to vector<16xi32>
      %ge3A_1823 = arith.cmpi sge, %sub3A_1820, %ge3A_1822 : vector<16xi32>
      %lt3A_1824 = arith.constant 200 : i32
      %lt3A_1825 = vector.broadcast %lt3A_1824 : i32 to vector<16xi32>
      %lt3A_1826 = arith.cmpi slt, %sub3A_1820, %lt3A_1825 : vector<16xi32>
      %and3A_1827 = arith.andi %ge3A_1823, %lt3A_1826 : vector<16xi1>
      %add3A_1828 = arith.constant 160 : i32
      %add3A_1829 = vector.broadcast %add3A_1828 : i32 to vector<16xi32>
      %add3A_1830 = arith.addi %iota3A, %add3A_1829 : vector<16xi32>
      tpu.vector_store_idx %arg6[%sub3A_1820, %add3A_1830], %broadcast_in_dim3A_8 masked %and3A_1827 : memref<200x256xf32, #tpu.memory_space<vmem>>[vector<16xi32>, vector<16xi32>], vector<16xf32>, vector<16xi1>
      %get3A_1831 = arith.index_cast %select_n3A_1603 : i32 to index
      %get3A_1832 = arith.constant 176 : index
      %get3A_1833 = tpu.vector_load %arg4[%get3A_1831, %get3A_1832] {strides = array<i32>} : memref<8x256xf32, #tpu.memory_space<vmem>>, vector<16xf32>,
      %div3A_1834 = arith.constant 1.000000e-03 : f32
      %div3A_1835 = vector.broadcast %div3A_1834 : f32 to vector<16xf32>
      %div3A_1836 = arith.divf %get3A_1833, %div3A_1835 : vector<16xf32>
      %convert_element_type3A_1837 = arith.fptosi %div3A_1836 : vector<16xf32> to vector<16xi32>
      %sub3A_1838 = vector.broadcast %mul3A_1621 : i32 to vector<16xi32>
      %sub3A_1839 = arith.subi %convert_element_type3A_1837, %sub3A_1838 : vector<16xi32>
      %ge3A_1840 = arith.constant 0 : i32
      %ge3A_1841 = vector.broadcast %ge3A_1840 : i32 to vector<16xi32>
      %ge3A_1842 = arith.cmpi sge, %sub3A_1839, %ge3A_1841 : vector<16xi32>
      %lt3A_1843 = arith.constant 200 : i32
      %lt3A_1844 = vector.broadcast %lt3A_1843 : i32 to vector<16xi32>
      %lt3A_1845 = arith.cmpi slt, %sub3A_1839, %lt3A_1844 : vector<16xi32>
      %and3A_1846 = arith.andi %ge3A_1842, %lt3A_1845 : vector<16xi1>
      %add3A_1847 = arith.constant 176 : i32
      %add3A_1848 = vector.broadcast %add3A_1847 : i32 to vector<16xi32>
      %add3A_1849 = arith.addi %iota3A, %add3A_1848 : vector<16xi32>
      tpu.vector_store_idx %arg6[%sub3A_1839, %add3A_1849], %broadcast_in_dim3A_8 masked %and3A_1846 : memref<200x256xf32, #tpu.memory_space<vmem>>[vector<16xi32>, vector<16xi32>], vector<16xf32>, vector<16xi1>
      %get3A_1850 = arith.index_cast %select_n3A_1603 : i32 to index
      %get3A_1851 = arith.constant 192 : index
      %get3A_1852 = tpu.vector_load %arg4[%get3A_1850, %get3A_1851] {strides = array<i32>} : memref<8x256xf32, #tpu.memory_space<vmem>>, vector<16xf32>,
      %div3A_1853 = arith.constant 1.000000e-03 : f32
      %div3A_1854 = vector.broadcast %div3A_1853 : f32 to vector<16xf32>
      %div3A_1855 = arith.divf %get3A_1852, %div3A_1854 : vector<16xf32>
      %convert_element_type3A_1856 = arith.fptosi %div3A_1855 : vector<16xf32> to vector<16xi32>
      %sub3A_1857 = vector.broadcast %mul3A_1621 : i32 to vector<16xi32>
      %sub3A_1858 = arith.subi %convert_element_type3A_1856, %sub3A_1857 : vector<16xi32>
      %ge3A_1859 = arith.constant 0 : i32
      %ge3A_1860 = vector.broadcast %ge3A_1859 : i32 to vector<16xi32>
      %ge3A_1861 = arith.cmpi sge, %sub3A_1858, %ge3A_1860 : vector<16xi32>
      %lt3A_1862 = arith.constant 200 : i32
      %lt3A_1863 = vector.broadcast %lt3A_1862 : i32 to vector<16xi32>
      %lt3A_1864 = arith.cmpi slt, %sub3A_1858, %lt3A_1863 : vector<16xi32>
      %and3A_1865 = arith.andi %ge3A_1861, %lt3A_1864 : vector<16xi1>
      %add3A_1866 = arith.constant 192 : i32
      %add3A_1867 = vector.broadcast %add3A_1866 : i32 to vector<16xi32>
      %add3A_1868 = arith.addi %iota3A, %add3A_1867 : vector<16xi32>
      tpu.vector_store_idx %arg6[%sub3A_1858, %add3A_1868], %broadcast_in_dim3A_8 masked %and3A_1865 : memref<200x256xf32, #tpu.memory_space<vmem>>[vector<16xi32>, vector<16xi32>], vector<16xf32>, vector<16xi1>
      %get3A_1869 = arith.index_cast %select_n3A_1603 : i32 to index
      %get3A_1870 = arith.constant 208 : index
      %get3A_1871 = tpu.vector_load %arg4[%get3A_1869, %get3A_1870] {strides = array<i32>} : memref<8x256xf32, #tpu.memory_space<vmem>>, vector<16xf32>,
      %div3A_1872 = arith.constant 1.000000e-03 : f32
      %div3A_1873 = vector.broadcast %div3A_1872 : f32 to vector<16xf32>
      %div3A_1874 = arith.divf %get3A_1871, %div3A_1873 : vector<16xf32>
      %convert_element_type3A_1875 = arith.fptosi %div3A_1874 : vector<16xf32> to vector<16xi32>
      %sub3A_1876 = vector.broadcast %mul3A_1621 : i32 to vector<16xi32>
      %sub3A_1877 = arith.subi %convert_element_type3A_1875, %sub3A_1876 : vector<16xi32>
      %ge3A_1878 = arith.constant 0 : i32
      %ge3A_1879 = vector.broadcast %ge3A_1878 : i32 to vector<16xi32>
      %ge3A_1880 = arith.cmpi sge, %sub3A_1877, %ge3A_1879 : vector<16xi32>
      %lt3A_1881 = arith.constant 200 : i32
      %lt3A_1882 = vector.broadcast %lt3A_1881 : i32 to vector<16xi32>
      %lt3A_1883 = arith.cmpi slt, %sub3A_1877, %lt3A_1882 : vector<16xi32>
      %and3A_1884 = arith.andi %ge3A_1880, %lt3A_1883 : vector<16xi1>
      %add3A_1885 = arith.constant 208 : i32
      %add3A_1886 = vector.broadcast %add3A_1885 : i32 to vector<16xi32>
      %add3A_1887 = arith.addi %iota3A, %add3A_1886 : vector<16xi32>
      tpu.vector_store_idx %arg6[%sub3A_1877, %add3A_1887], %broadcast_in_dim3A_8 masked %and3A_1884 : memref<200x256xf32, #tpu.memory_space<vmem>>[vector<16xi32>, vector<16xi32>], vector<16xf32>, vector<16xi1>
      %get3A_1888 = arith.index_cast %select_n3A_1603 : i32 to index
      %get3A_1889 = arith.constant 224 : index
      %get3A_1890 = tpu.vector_load %arg4[%get3A_1888, %get3A_1889] {strides = array<i32>} : memref<8x256xf32, #tpu.memory_space<vmem>>, vector<16xf32>,
      %div3A_1891 = arith.constant 1.000000e-03 : f32
      %div3A_1892 = vector.broadcast %div3A_1891 : f32 to vector<16xf32>
      %div3A_1893 = arith.divf %get3A_1890, %div3A_1892 : vector<16xf32>
      %convert_element_type3A_1894 = arith.fptosi %div3A_1893 : vector<16xf32> to vector<16xi32>
      %sub3A_1895 = vector.broadcast %mul3A_1621 : i32 to vector<16xi32>
      %sub3A_1896 = arith.subi %convert_element_type3A_1894, %sub3A_1895 : vector<16xi32>
      %ge3A_1897 = arith.constant 0 : i32
      %ge3A_1898 = vector.broadcast %ge3A_1897 : i32 to vector<16xi32>
      %ge3A_1899 = arith.cmpi sge, %sub3A_1896, %ge3A_1898 : vector<16xi32>
      %lt3A_1900 = arith.constant 200 : i32
      %lt3A_1901 = vector.broadcast %lt3A_1900 : i32 to vector<16xi32>
      %lt3A_1902 = arith.cmpi slt, %sub3A_1896, %lt3A_1901 : vector<16xi32>
      %and3A_1903 = arith.andi %ge3A_1899, %lt3A_1902 : vector<16xi1>
      %add3A_1904 = arith.constant 224 : i32
      %add3A_1905 = vector.broadcast %add3A_1904 : i32 to vector<16xi32>
      %add3A_1906 = arith.addi %iota3A, %add3A_1905 : vector<16xi32>
      tpu.vector_store_idx %arg6[%sub3A_1896, %add3A_1906], %broadcast_in_dim3A_8 masked %and3A_1903 : memref<200x256xf32, #tpu.memory_space<vmem>>[vector<16xi32>, vector<16xi32>], vector<16xf32>, vector<16xi1>
      %get3A_1907 = arith.index_cast %select_n3A_1603 : i32 to index
      %get3A_1908 = arith.constant 240 : index
      %get3A_1909 = tpu.vector_load %arg4[%get3A_1907, %get3A_1908] {strides = array<i32>} : memref<8x256xf32, #tpu.memory_space<vmem>>, vector<16xf32>,
      %div3A_1910 = arith.constant 1.000000e-03 : f32
      %div3A_1911 = vector.broadcast %div3A_1910 : f32 to vector<16xf32>
      %div3A_1912 = arith.divf %get3A_1909, %div3A_1911 : vector<16xf32>
      %convert_element_type3A_1913 = arith.fptosi %div3A_1912 : vector<16xf32> to vector<16xi32>
      %sub3A_1914 = vector.broadcast %mul3A_1621 : i32 to vector<16xi32>
      %sub3A_1915 = arith.subi %convert_element_type3A_1913, %sub3A_1914 : vector<16xi32>
      %ge3A_1916 = arith.constant 0 : i32
      %ge3A_1917 = vector.broadcast %ge3A_1916 : i32 to vector<16xi32>
      %ge3A_1918 = arith.cmpi sge, %sub3A_1915, %ge3A_1917 : vector<16xi32>
      %lt3A_1919 = arith.constant 200 : i32
      %lt3A_1920 = vector.broadcast %lt3A_1919 : i32 to vector<16xi32>
      %lt3A_1921 = arith.cmpi slt, %sub3A_1915, %lt3A_1920 : vector<16xi32>
      %and3A_1922 = arith.andi %ge3A_1918, %lt3A_1921 : vector<16xi1>
      %add3A_1923 = arith.constant 240 : i32
      %add3A_1924 = vector.broadcast %add3A_1923 : i32 to vector<16xi32>
      %add3A_1925 = arith.addi %iota3A, %add3A_1924 : vector<16xi32>
      tpu.vector_store_idx %arg6[%sub3A_1915, %add3A_1925], %broadcast_in_dim3A_8 masked %and3A_1922 : memref<200x256xf32, #tpu.memory_space<vmem>>[vector<16xi32>, vector<16xi32>], vector<16xf32>, vector<16xi1>
      %add3A_1926 = arith.constant 1 : i32
      %add3A_1927 = arith.addi %mul3A_735, %add3A_1926 : i32
      %jit3A_1928 = arith.constant 5 : i32
      %div3A_1929 = arith.divsi %add3A_1927, %jit3A_1928 : i32
      %sign3A_1930 = arith.constant 0 : i32
      %sign3A_1931 = arith.cmpi sgt, %add3A_1927, %sign3A_1930 : i32
      %sign3A_1932 = arith.extui %sign3A_1931 : i1 to i32
      %sign3A_1933 = arith.constant 0 : i32
      %sign3A_1934 = arith.cmpi slt, %add3A_1927, %sign3A_1933 : i32
      %sign3A_1935 = arith.extui %sign3A_1934 : i1 to i32
      %sign3A_1936 = arith.subi %sign3A_1932, %sign3A_1935 : i32
      %sign3A_1937 = arith.constant 0 : i32
      %sign3A_1938 = arith.cmpi sgt, %jit3A_1928, %sign3A_1937 : i32
      %sign3A_1939 = arith.extui %sign3A_1938 : i1 to i32
      %sign3A_1940 = arith.constant 0 : i32
      %sign3A_1941 = arith.cmpi slt, %jit3A_1928, %sign3A_1940 : i32
      %sign3A_1942 = arith.extui %sign3A_1941 : i1 to i32
      %sign3A_1943 = arith.subi %sign3A_1939, %sign3A_1942 : i32
      %ne3A_1944 = arith.cmpi ne, %sign3A_1936, %sign3A_1943 : i32
      %rem3A_1945 = arith.remsi %add3A_1927, %jit3A_1928 : i32
      %ne3A_1946 = arith.constant 0 : i32
      %ne3A_1947 = arith.cmpi ne, %rem3A_1945, %ne3A_1946 : i32
      %and3A_1948 = arith.andi %ne3A_1944, %ne3A_1947 : i1
      %sub3A_1949 = arith.constant 1 : i32
      %sub3A_1950 = arith.subi %div3A_1929, %sub3A_1949 : i32
      %select_n3A_1951 = arith.select %and3A_1948, %sub3A_1950, %div3A_1929 : i32
      %jit3A_1952 = arith.constant 5 : i32
      %eq3A_1953 = arith.constant 0 : i32
      %eq3A_1954 = arith.cmpi eq, %jit3A_1952, %eq3A_1953 : i32
      %jit3A_1955 = arith.constant 1 : i32
      %select_n3A_1956 = arith.select %eq3A_1954, %jit3A_1955, %jit3A_1952 : i32
      %rem3A_1957 = arith.remsi %add3A_1927, %select_n3A_1956 : i32
      %ne3A_1958 = arith.constant 0 : i32
      %ne3A_1959 = arith.cmpi ne, %rem3A_1957, %ne3A_1958 : i32
      %lt3A_1960 = arith.constant 0 : i32
      %lt3A_1961 = arith.cmpi slt, %rem3A_1957, %lt3A_1960 : i32
      %lt3A_1962 = arith.constant 0 : i32
      %lt3A_1963 = arith.cmpi slt, %select_n3A_1956, %lt3A_1962 : i32
      %ne3A_1964 = arith.xori %lt3A_1961, %lt3A_1963 : i1
      %and3A_1965 = arith.andi %ne3A_1964, %ne3A_1959 : i1
      %add3A_1966 = arith.addi %rem3A_1957, %select_n3A_1956 : i32
      %select_n3A_1967 = arith.select %and3A_1965, %add3A_1966, %rem3A_1957 : i32
      %mul3A_1968 = arith.constant 200 : i32
      %mul3A_1969 = arith.muli %select_n3A_1967, %mul3A_1968 : i32
      %get3A_1970 = arith.index_cast %select_n3A_1951 : i32 to index
      %get3A_1971 = arith.constant 0 : index
      %get3A_1972 = tpu.vector_load %arg4[%get3A_1970, %get3A_1971] {strides = array<i32>} : memref<8x256xf32, #tpu.memory_space<vmem>>, vector<16xf32>,
      %div3A_1973 = arith.constant 1.000000e-03 : f32
      %div3A_1974 = vector.broadcast %div3A_1973 : f32 to vector<16xf32>
      %div3A_1975 = arith.divf %get3A_1972, %div3A_1974 : vector<16xf32>
      %convert_element_type3A_1976 = arith.fptosi %div3A_1975 : vector<16xf32> to vector<16xi32>
      %sub3A_1977 = vector.broadcast %mul3A_1969 : i32 to vector<16xi32>
      %sub3A_1978 = arith.subi %convert_element_type3A_1976, %sub3A_1977 : vector<16xi32>
      %ge3A_1979 = arith.constant 0 : i32
      %ge3A_1980 = vector.broadcast %ge3A_1979 : i32 to vector<16xi32>
      %ge3A_1981 = arith.cmpi sge, %sub3A_1978, %ge3A_1980 : vector<16xi32>
      %lt3A_1982 = arith.constant 200 : i32
      %lt3A_1983 = vector.broadcast %lt3A_1982 : i32 to vector<16xi32>
      %lt3A_1984 = arith.cmpi slt, %sub3A_1978, %lt3A_1983 : vector<16xi32>
      %and3A_1985 = arith.andi %ge3A_1981, %lt3A_1984 : vector<16xi1>
      %add3A_1986 = arith.constant 0 : i32
      %add3A_1987 = vector.broadcast %add3A_1986 : i32 to vector<16xi32>
      %add3A_1988 = arith.addi %iota3A, %add3A_1987 : vector<16xi32>
      tpu.vector_store_idx %arg6[%sub3A_1978, %add3A_1988], %broadcast_in_dim3A_6 masked %and3A_1985 : memref<200x256xf32, #tpu.memory_space<vmem>>[vector<16xi32>, vector<16xi32>], vector<16xf32>, vector<16xi1>
      %get3A_1989 = arith.index_cast %select_n3A_1951 : i32 to index
      %get3A_1990 = arith.constant 16 : index
      %get3A_1991 = tpu.vector_load %arg4[%get3A_1989, %get3A_1990] {strides = array<i32>} : memref<8x256xf32, #tpu.memory_space<vmem>>, vector<16xf32>,
      %div3A_1992 = arith.constant 1.000000e-03 : f32
      %div3A_1993 = vector.broadcast %div3A_1992 : f32 to vector<16xf32>
      %div3A_1994 = arith.divf %get3A_1991, %div3A_1993 : vector<16xf32>
      %convert_element_type3A_1995 = arith.fptosi %div3A_1994 : vector<16xf32> to vector<16xi32>
      %sub3A_1996 = vector.broadcast %mul3A_1969 : i32 to vector<16xi32>
      %sub3A_1997 = arith.subi %convert_element_type3A_1995, %sub3A_1996 : vector<16xi32>
      %ge3A_1998 = arith.constant 0 : i32
      %ge3A_1999 = vector.broadcast %ge3A_1998 : i32 to vector<16xi32>
      %ge3A_2000 = arith.cmpi sge, %sub3A_1997, %ge3A_1999 : vector<16xi32>
      %lt3A_2001 = arith.constant 200 : i32
      %lt3A_2002 = vector.broadcast %lt3A_2001 : i32 to vector<16xi32>
      %lt3A_2003 = arith.cmpi slt, %sub3A_1997, %lt3A_2002 : vector<16xi32>
      %and3A_2004 = arith.andi %ge3A_2000, %lt3A_2003 : vector<16xi1>
      %add3A_2005 = arith.constant 16 : i32
      %add3A_2006 = vector.broadcast %add3A_2005 : i32 to vector<16xi32>
      %add3A_2007 = arith.addi %iota3A, %add3A_2006 : vector<16xi32>
      tpu.vector_store_idx %arg6[%sub3A_1997, %add3A_2007], %broadcast_in_dim3A_6 masked %and3A_2004 : memref<200x256xf32, #tpu.memory_space<vmem>>[vector<16xi32>, vector<16xi32>], vector<16xf32>, vector<16xi1>
      %get3A_2008 = arith.index_cast %select_n3A_1951 : i32 to index
      %get3A_2009 = arith.constant 32 : index
      %get3A_2010 = tpu.vector_load %arg4[%get3A_2008, %get3A_2009] {strides = array<i32>} : memref<8x256xf32, #tpu.memory_space<vmem>>, vector<16xf32>,
      %div3A_2011 = arith.constant 1.000000e-03 : f32
      %div3A_2012 = vector.broadcast %div3A_2011 : f32 to vector<16xf32>
      %div3A_2013 = arith.divf %get3A_2010, %div3A_2012 : vector<16xf32>
      %convert_element_type3A_2014 = arith.fptosi %div3A_2013 : vector<16xf32> to vector<16xi32>
      %sub3A_2015 = vector.broadcast %mul3A_1969 : i32 to vector<16xi32>
      %sub3A_2016 = arith.subi %convert_element_type3A_2014, %sub3A_2015 : vector<16xi32>
      %ge3A_2017 = arith.constant 0 : i32
      %ge3A_2018 = vector.broadcast %ge3A_2017 : i32 to vector<16xi32>
      %ge3A_2019 = arith.cmpi sge, %sub3A_2016, %ge3A_2018 : vector<16xi32>
      %lt3A_2020 = arith.constant 200 : i32
      %lt3A_2021 = vector.broadcast %lt3A_2020 : i32 to vector<16xi32>
      %lt3A_2022 = arith.cmpi slt, %sub3A_2016, %lt3A_2021 : vector<16xi32>
      %and3A_2023 = arith.andi %ge3A_2019, %lt3A_2022 : vector<16xi1>
      %add3A_2024 = arith.constant 32 : i32
      %add3A_2025 = vector.broadcast %add3A_2024 : i32 to vector<16xi32>
      %add3A_2026 = arith.addi %iota3A, %add3A_2025 : vector<16xi32>
      tpu.vector_store_idx %arg6[%sub3A_2016, %add3A_2026], %broadcast_in_dim3A_6 masked %and3A_2023 : memref<200x256xf32, #tpu.memory_space<vmem>>[vector<16xi32>, vector<16xi32>], vector<16xf32>, vector<16xi1>
      %get3A_2027 = arith.index_cast %select_n3A_1951 : i32 to index
      %get3A_2028 = arith.constant 48 : index
      %get3A_2029 = tpu.vector_load %arg4[%get3A_2027, %get3A_2028] {strides = array<i32>} : memref<8x256xf32, #tpu.memory_space<vmem>>, vector<16xf32>,
      %div3A_2030 = arith.constant 1.000000e-03 : f32
      %div3A_2031 = vector.broadcast %div3A_2030 : f32 to vector<16xf32>
      %div3A_2032 = arith.divf %get3A_2029, %div3A_2031 : vector<16xf32>
      %convert_element_type3A_2033 = arith.fptosi %div3A_2032 : vector<16xf32> to vector<16xi32>
      %sub3A_2034 = vector.broadcast %mul3A_1969 : i32 to vector<16xi32>
      %sub3A_2035 = arith.subi %convert_element_type3A_2033, %sub3A_2034 : vector<16xi32>
      %ge3A_2036 = arith.constant 0 : i32
      %ge3A_2037 = vector.broadcast %ge3A_2036 : i32 to vector<16xi32>
      %ge3A_2038 = arith.cmpi sge, %sub3A_2035, %ge3A_2037 : vector<16xi32>
      %lt3A_2039 = arith.constant 200 : i32
      %lt3A_2040 = vector.broadcast %lt3A_2039 : i32 to vector<16xi32>
      %lt3A_2041 = arith.cmpi slt, %sub3A_2035, %lt3A_2040 : vector<16xi32>
      %and3A_2042 = arith.andi %ge3A_2038, %lt3A_2041 : vector<16xi1>
      %add3A_2043 = arith.constant 48 : i32
      %add3A_2044 = vector.broadcast %add3A_2043 : i32 to vector<16xi32>
      %add3A_2045 = arith.addi %iota3A, %add3A_2044 : vector<16xi32>
      tpu.vector_store_idx %arg6[%sub3A_2035, %add3A_2045], %broadcast_in_dim3A_6 masked %and3A_2042 : memref<200x256xf32, #tpu.memory_space<vmem>>[vector<16xi32>, vector<16xi32>], vector<16xf32>, vector<16xi1>
      %get3A_2046 = arith.index_cast %select_n3A_1951 : i32 to index
      %get3A_2047 = arith.constant 64 : index
      %get3A_2048 = tpu.vector_load %arg4[%get3A_2046, %get3A_2047] {strides = array<i32>} : memref<8x256xf32, #tpu.memory_space<vmem>>, vector<16xf32>,
      %div3A_2049 = arith.constant 1.000000e-03 : f32
      %div3A_2050 = vector.broadcast %div3A_2049 : f32 to vector<16xf32>
      %div3A_2051 = arith.divf %get3A_2048, %div3A_2050 : vector<16xf32>
      %convert_element_type3A_2052 = arith.fptosi %div3A_2051 : vector<16xf32> to vector<16xi32>
      %sub3A_2053 = vector.broadcast %mul3A_1969 : i32 to vector<16xi32>
      %sub3A_2054 = arith.subi %convert_element_type3A_2052, %sub3A_2053 : vector<16xi32>
      %ge3A_2055 = arith.constant 0 : i32
      %ge3A_2056 = vector.broadcast %ge3A_2055 : i32 to vector<16xi32>
      %ge3A_2057 = arith.cmpi sge, %sub3A_2054, %ge3A_2056 : vector<16xi32>
      %lt3A_2058 = arith.constant 200 : i32
      %lt3A_2059 = vector.broadcast %lt3A_2058 : i32 to vector<16xi32>
      %lt3A_2060 = arith.cmpi slt, %sub3A_2054, %lt3A_2059 : vector<16xi32>
      %and3A_2061 = arith.andi %ge3A_2057, %lt3A_2060 : vector<16xi1>
      %add3A_2062 = arith.constant 64 : i32
      %add3A_2063 = vector.broadcast %add3A_2062 : i32 to vector<16xi32>
      %add3A_2064 = arith.addi %iota3A, %add3A_2063 : vector<16xi32>
      tpu.vector_store_idx %arg6[%sub3A_2054, %add3A_2064], %broadcast_in_dim3A_6 masked %and3A_2061 : memref<200x256xf32, #tpu.memory_space<vmem>>[vector<16xi32>, vector<16xi32>], vector<16xf32>, vector<16xi1>
      %get3A_2065 = arith.index_cast %select_n3A_1951 : i32 to index
      %get3A_2066 = arith.constant 80 : index
      %get3A_2067 = tpu.vector_load %arg4[%get3A_2065, %get3A_2066] {strides = array<i32>} : memref<8x256xf32, #tpu.memory_space<vmem>>, vector<16xf32>,
      %div3A_2068 = arith.constant 1.000000e-03 : f32
      %div3A_2069 = vector.broadcast %div3A_2068 : f32 to vector<16xf32>
      %div3A_2070 = arith.divf %get3A_2067, %div3A_2069 : vector<16xf32>
      %convert_element_type3A_2071 = arith.fptosi %div3A_2070 : vector<16xf32> to vector<16xi32>
      %sub3A_2072 = vector.broadcast %mul3A_1969 : i32 to vector<16xi32>
      %sub3A_2073 = arith.subi %convert_element_type3A_2071, %sub3A_2072 : vector<16xi32>
      %ge3A_2074 = arith.constant 0 : i32
      %ge3A_2075 = vector.broadcast %ge3A_2074 : i32 to vector<16xi32>
      %ge3A_2076 = arith.cmpi sge, %sub3A_2073, %ge3A_2075 : vector<16xi32>
      %lt3A_2077 = arith.constant 200 : i32
      %lt3A_2078 = vector.broadcast %lt3A_2077 : i32 to vector<16xi32>
      %lt3A_2079 = arith.cmpi slt, %sub3A_2073, %lt3A_2078 : vector<16xi32>
      %and3A_2080 = arith.andi %ge3A_2076, %lt3A_2079 : vector<16xi1>
      %add3A_2081 = arith.constant 80 : i32
      %add3A_2082 = vector.broadcast %add3A_2081 : i32 to vector<16xi32>
      %add3A_2083 = arith.addi %iota3A, %add3A_2082 : vector<16xi32>
      tpu.vector_store_idx %arg6[%sub3A_2073, %add3A_2083], %broadcast_in_dim3A_6 masked %and3A_2080 : memref<200x256xf32, #tpu.memory_space<vmem>>[vector<16xi32>, vector<16xi32>], vector<16xf32>, vector<16xi1>
      %get3A_2084 = arith.index_cast %select_n3A_1951 : i32 to index
      %get3A_2085 = arith.constant 96 : index
      %get3A_2086 = tpu.vector_load %arg4[%get3A_2084, %get3A_2085] {strides = array<i32>} : memref<8x256xf32, #tpu.memory_space<vmem>>, vector<16xf32>,
      %div3A_2087 = arith.constant 1.000000e-03 : f32
      %div3A_2088 = vector.broadcast %div3A_2087 : f32 to vector<16xf32>
      %div3A_2089 = arith.divf %get3A_2086, %div3A_2088 : vector<16xf32>
      %convert_element_type3A_2090 = arith.fptosi %div3A_2089 : vector<16xf32> to vector<16xi32>
      %sub3A_2091 = vector.broadcast %mul3A_1969 : i32 to vector<16xi32>
      %sub3A_2092 = arith.subi %convert_element_type3A_2090, %sub3A_2091 : vector<16xi32>
      %ge3A_2093 = arith.constant 0 : i32
      %ge3A_2094 = vector.broadcast %ge3A_2093 : i32 to vector<16xi32>
      %ge3A_2095 = arith.cmpi sge, %sub3A_2092, %ge3A_2094 : vector<16xi32>
      %lt3A_2096 = arith.constant 200 : i32
      %lt3A_2097 = vector.broadcast %lt3A_2096 : i32 to vector<16xi32>
      %lt3A_2098 = arith.cmpi slt, %sub3A_2092, %lt3A_2097 : vector<16xi32>
      %and3A_2099 = arith.andi %ge3A_2095, %lt3A_2098 : vector<16xi1>
      %add3A_2100 = arith.constant 96 : i32
      %add3A_2101 = vector.broadcast %add3A_2100 : i32 to vector<16xi32>
      %add3A_2102 = arith.addi %iota3A, %add3A_2101 : vector<16xi32>
      tpu.vector_store_idx %arg6[%sub3A_2092, %add3A_2102], %broadcast_in_dim3A_6 masked %and3A_2099 : memref<200x256xf32, #tpu.memory_space<vmem>>[vector<16xi32>, vector<16xi32>], vector<16xf32>, vector<16xi1>
      %get3A_2103 = arith.index_cast %select_n3A_1951 : i32 to index
      %get3A_2104 = arith.constant 112 : index
      %get3A_2105 = tpu.vector_load %arg4[%get3A_2103, %get3A_2104] {strides = array<i32>} : memref<8x256xf32, #tpu.memory_space<vmem>>, vector<16xf32>,
      %div3A_2106 = arith.constant 1.000000e-03 : f32
      %div3A_2107 = vector.broadcast %div3A_2106 : f32 to vector<16xf32>
      %div3A_2108 = arith.divf %get3A_2105, %div3A_2107 : vector<16xf32>
      %convert_element_type3A_2109 = arith.fptosi %div3A_2108 : vector<16xf32> to vector<16xi32>
      %sub3A_2110 = vector.broadcast %mul3A_1969 : i32 to vector<16xi32>
      %sub3A_2111 = arith.subi %convert_element_type3A_2109, %sub3A_2110 : vector<16xi32>
      %ge3A_2112 = arith.constant 0 : i32
      %ge3A_2113 = vector.broadcast %ge3A_2112 : i32 to vector<16xi32>
      %ge3A_2114 = arith.cmpi sge, %sub3A_2111, %ge3A_2113 : vector<16xi32>
      %lt3A_2115 = arith.constant 200 : i32
      %lt3A_2116 = vector.broadcast %lt3A_2115 : i32 to vector<16xi32>
      %lt3A_2117 = arith.cmpi slt, %sub3A_2111, %lt3A_2116 : vector<16xi32>
      %and3A_2118 = arith.andi %ge3A_2114, %lt3A_2117 : vector<16xi1>
      %add3A_2119 = arith.constant 112 : i32
      %add3A_2120 = vector.broadcast %add3A_2119 : i32 to vector<16xi32>
      %add3A_2121 = arith.addi %iota3A, %add3A_2120 : vector<16xi32>
      tpu.vector_store_idx %arg6[%sub3A_2111, %add3A_2121], %broadcast_in_dim3A_6 masked %and3A_2118 : memref<200x256xf32, #tpu.memory_space<vmem>>[vector<16xi32>, vector<16xi32>], vector<16xf32>, vector<16xi1>
      %get3A_2122 = arith.index_cast %select_n3A_1951 : i32 to index
      %get3A_2123 = arith.constant 128 : index
      %get3A_2124 = tpu.vector_load %arg4[%get3A_2122, %get3A_2123] {strides = array<i32>} : memref<8x256xf32, #tpu.memory_space<vmem>>, vector<16xf32>,
      %div3A_2125 = arith.constant 1.000000e-03 : f32
      %div3A_2126 = vector.broadcast %div3A_2125 : f32 to vector<16xf32>
      %div3A_2127 = arith.divf %get3A_2124, %div3A_2126 : vector<16xf32>
      %convert_element_type3A_2128 = arith.fptosi %div3A_2127 : vector<16xf32> to vector<16xi32>
      %sub3A_2129 = vector.broadcast %mul3A_1969 : i32 to vector<16xi32>
      %sub3A_2130 = arith.subi %convert_element_type3A_2128, %sub3A_2129 : vector<16xi32>
      %ge3A_2131 = arith.constant 0 : i32
      %ge3A_2132 = vector.broadcast %ge3A_2131 : i32 to vector<16xi32>
      %ge3A_2133 = arith.cmpi sge, %sub3A_2130, %ge3A_2132 : vector<16xi32>
      %lt3A_2134 = arith.constant 200 : i32
      %lt3A_2135 = vector.broadcast %lt3A_2134 : i32 to vector<16xi32>
      %lt3A_2136 = arith.cmpi slt, %sub3A_2130, %lt3A_2135 : vector<16xi32>
      %and3A_2137 = arith.andi %ge3A_2133, %lt3A_2136 : vector<16xi1>
      %add3A_2138 = arith.constant 128 : i32
      %add3A_2139 = vector.broadcast %add3A_2138 : i32 to vector<16xi32>
      %add3A_2140 = arith.addi %iota3A, %add3A_2139 : vector<16xi32>
      tpu.vector_store_idx %arg6[%sub3A_2130, %add3A_2140], %broadcast_in_dim3A_6 masked %and3A_2137 : memref<200x256xf32, #tpu.memory_space<vmem>>[vector<16xi32>, vector<16xi32>], vector<16xf32>, vector<16xi1>
      %get3A_2141 = arith.index_cast %select_n3A_1951 : i32 to index
      %get3A_2142 = arith.constant 144 : index
      %get3A_2143 = tpu.vector_load %arg4[%get3A_2141, %get3A_2142] {strides = array<i32>} : memref<8x256xf32, #tpu.memory_space<vmem>>, vector<16xf32>,
      %div3A_2144 = arith.constant 1.000000e-03 : f32
      %div3A_2145 = vector.broadcast %div3A_2144 : f32 to vector<16xf32>
      %div3A_2146 = arith.divf %get3A_2143, %div3A_2145 : vector<16xf32>
      %convert_element_type3A_2147 = arith.fptosi %div3A_2146 : vector<16xf32> to vector<16xi32>
      %sub3A_2148 = vector.broadcast %mul3A_1969 : i32 to vector<16xi32>
      %sub3A_2149 = arith.subi %convert_element_type3A_2147, %sub3A_2148 : vector<16xi32>
      %ge3A_2150 = arith.constant 0 : i32
      %ge3A_2151 = vector.broadcast %ge3A_2150 : i32 to vector<16xi32>
      %ge3A_2152 = arith.cmpi sge, %sub3A_2149, %ge3A_2151 : vector<16xi32>
      %lt3A_2153 = arith.constant 200 : i32
      %lt3A_2154 = vector.broadcast %lt3A_2153 : i32 to vector<16xi32>
      %lt3A_2155 = arith.cmpi slt, %sub3A_2149, %lt3A_2154 : vector<16xi32>
      %and3A_2156 = arith.andi %ge3A_2152, %lt3A_2155 : vector<16xi1>
      %add3A_2157 = arith.constant 144 : i32
      %add3A_2158 = vector.broadcast %add3A_2157 : i32 to vector<16xi32>
      %add3A_2159 = arith.addi %iota3A, %add3A_2158 : vector<16xi32>
      tpu.vector_store_idx %arg6[%sub3A_2149, %add3A_2159], %broadcast_in_dim3A_6 masked %and3A_2156 : memref<200x256xf32, #tpu.memory_space<vmem>>[vector<16xi32>, vector<16xi32>], vector<16xf32>, vector<16xi1>
      %get3A_2160 = arith.index_cast %select_n3A_1951 : i32 to index
      %get3A_2161 = arith.constant 160 : index
      %get3A_2162 = tpu.vector_load %arg4[%get3A_2160, %get3A_2161] {strides = array<i32>} : memref<8x256xf32, #tpu.memory_space<vmem>>, vector<16xf32>,
      %div3A_2163 = arith.constant 1.000000e-03 : f32
      %div3A_2164 = vector.broadcast %div3A_2163 : f32 to vector<16xf32>
      %div3A_2165 = arith.divf %get3A_2162, %div3A_2164 : vector<16xf32>
      %convert_element_type3A_2166 = arith.fptosi %div3A_2165 : vector<16xf32> to vector<16xi32>
      %sub3A_2167 = vector.broadcast %mul3A_1969 : i32 to vector<16xi32>
      %sub3A_2168 = arith.subi %convert_element_type3A_2166, %sub3A_2167 : vector<16xi32>
      %ge3A_2169 = arith.constant 0 : i32
      %ge3A_2170 = vector.broadcast %ge3A_2169 : i32 to vector<16xi32>
      %ge3A_2171 = arith.cmpi sge, %sub3A_2168, %ge3A_2170 : vector<16xi32>
      %lt3A_2172 = arith.constant 200 : i32
      %lt3A_2173 = vector.broadcast %lt3A_2172 : i32 to vector<16xi32>
      %lt3A_2174 = arith.cmpi slt, %sub3A_2168, %lt3A_2173 : vector<16xi32>
      %and3A_2175 = arith.andi %ge3A_2171, %lt3A_2174 : vector<16xi1>
      %add3A_2176 = arith.constant 160 : i32
      %add3A_2177 = vector.broadcast %add3A_2176 : i32 to vector<16xi32>
      %add3A_2178 = arith.addi %iota3A, %add3A_2177 : vector<16xi32>
      tpu.vector_store_idx %arg6[%sub3A_2168, %add3A_2178], %broadcast_in_dim3A_6 masked %and3A_2175 : memref<200x256xf32, #tpu.memory_space<vmem>>[vector<16xi32>, vector<16xi32>], vector<16xf32>, vector<16xi1>
      %get3A_2179 = arith.index_cast %select_n3A_1951 : i32 to index
      %get3A_2180 = arith.constant 176 : index
      %get3A_2181 = tpu.vector_load %arg4[%get3A_2179, %get3A_2180] {strides = array<i32>} : memref<8x256xf32, #tpu.memory_space<vmem>>, vector<16xf32>,
      %div3A_2182 = arith.constant 1.000000e-03 : f32
      %div3A_2183 = vector.broadcast %div3A_2182 : f32 to vector<16xf32>
      %div3A_2184 = arith.divf %get3A_2181, %div3A_2183 : vector<16xf32>
      %convert_element_type3A_2185 = arith.fptosi %div3A_2184 : vector<16xf32> to vector<16xi32>
      %sub3A_2186 = vector.broadcast %mul3A_1969 : i32 to vector<16xi32>
      %sub3A_2187 = arith.subi %convert_element_type3A_2185, %sub3A_2186 : vector<16xi32>
      %ge3A_2188 = arith.constant 0 : i32
      %ge3A_2189 = vector.broadcast %ge3A_2188 : i32 to vector<16xi32>
      %ge3A_2190 = arith.cmpi sge, %sub3A_2187, %ge3A_2189 : vector<16xi32>
      %lt3A_2191 = arith.constant 200 : i32
      %lt3A_2192 = vector.broadcast %lt3A_2191 : i32 to vector<16xi32>
      %lt3A_2193 = arith.cmpi slt, %sub3A_2187, %lt3A_2192 : vector<16xi32>
      %and3A_2194 = arith.andi %ge3A_2190, %lt3A_2193 : vector<16xi1>
      %add3A_2195 = arith.constant 176 : i32
      %add3A_2196 = vector.broadcast %add3A_2195 : i32 to vector<16xi32>
      %add3A_2197 = arith.addi %iota3A, %add3A_2196 : vector<16xi32>
      tpu.vector_store_idx %arg6[%sub3A_2187, %add3A_2197], %broadcast_in_dim3A_6 masked %and3A_2194 : memref<200x256xf32, #tpu.memory_space<vmem>>[vector<16xi32>, vector<16xi32>], vector<16xf32>, vector<16xi1>
      %get3A_2198 = arith.index_cast %select_n3A_1951 : i32 to index
      %get3A_2199 = arith.constant 192 : index
      %get3A_2200 = tpu.vector_load %arg4[%get3A_2198, %get3A_2199] {strides = array<i32>} : memref<8x256xf32, #tpu.memory_space<vmem>>, vector<16xf32>,
      %div3A_2201 = arith.constant 1.000000e-03 : f32
      %div3A_2202 = vector.broadcast %div3A_2201 : f32 to vector<16xf32>
      %div3A_2203 = arith.divf %get3A_2200, %div3A_2202 : vector<16xf32>
      %convert_element_type3A_2204 = arith.fptosi %div3A_2203 : vector<16xf32> to vector<16xi32>
      %sub3A_2205 = vector.broadcast %mul3A_1969 : i32 to vector<16xi32>
      %sub3A_2206 = arith.subi %convert_element_type3A_2204, %sub3A_2205 : vector<16xi32>
      %ge3A_2207 = arith.constant 0 : i32
      %ge3A_2208 = vector.broadcast %ge3A_2207 : i32 to vector<16xi32>
      %ge3A_2209 = arith.cmpi sge, %sub3A_2206, %ge3A_2208 : vector<16xi32>
      %lt3A_2210 = arith.constant 200 : i32
      %lt3A_2211 = vector.broadcast %lt3A_2210 : i32 to vector<16xi32>
      %lt3A_2212 = arith.cmpi slt, %sub3A_2206, %lt3A_2211 : vector<16xi32>
      %and3A_2213 = arith.andi %ge3A_2209, %lt3A_2212 : vector<16xi1>
      %add3A_2214 = arith.constant 192 : i32
      %add3A_2215 = vector.broadcast %add3A_2214 : i32 to vector<16xi32>
      %add3A_2216 = arith.addi %iota3A, %add3A_2215 : vector<16xi32>
      tpu.vector_store_idx %arg6[%sub3A_2206, %add3A_2216], %broadcast_in_dim3A_6 masked %and3A_2213 : memref<200x256xf32, #tpu.memory_space<vmem>>[vector<16xi32>, vector<16xi32>], vector<16xf32>, vector<16xi1>
      %get3A_2217 = arith.index_cast %select_n3A_1951 : i32 to index
      %get3A_2218 = arith.constant 208 : index
      %get3A_2219 = tpu.vector_load %arg4[%get3A_2217, %get3A_2218] {strides = array<i32>} : memref<8x256xf32, #tpu.memory_space<vmem>>, vector<16xf32>,
      %div3A_2220 = arith.constant 1.000000e-03 : f32
      %div3A_2221 = vector.broadcast %div3A_2220 : f32 to vector<16xf32>
      %div3A_2222 = arith.divf %get3A_2219, %div3A_2221 : vector<16xf32>
      %convert_element_type3A_2223 = arith.fptosi %div3A_2222 : vector<16xf32> to vector<16xi32>
      %sub3A_2224 = vector.broadcast %mul3A_1969 : i32 to vector<16xi32>
      %sub3A_2225 = arith.subi %convert_element_type3A_2223, %sub3A_2224 : vector<16xi32>
      %ge3A_2226 = arith.constant 0 : i32
      %ge3A_2227 = vector.broadcast %ge3A_2226 : i32 to vector<16xi32>
      %ge3A_2228 = arith.cmpi sge, %sub3A_2225, %ge3A_2227 : vector<16xi32>
      %lt3A_2229 = arith.constant 200 : i32
      %lt3A_2230 = vector.broadcast %lt3A_2229 : i32 to vector<16xi32>
      %lt3A_2231 = arith.cmpi slt, %sub3A_2225, %lt3A_2230 : vector<16xi32>
      %and3A_2232 = arith.andi %ge3A_2228, %lt3A_2231 : vector<16xi1>
      %add3A_2233 = arith.constant 208 : i32
      %add3A_2234 = vector.broadcast %add3A_2233 : i32 to vector<16xi32>
      %add3A_2235 = arith.addi %iota3A, %add3A_2234 : vector<16xi32>
      tpu.vector_store_idx %arg6[%sub3A_2225, %add3A_2235], %broadcast_in_dim3A_6 masked %and3A_2232 : memref<200x256xf32, #tpu.memory_space<vmem>>[vector<16xi32>, vector<16xi32>], vector<16xf32>, vector<16xi1>
      %get3A_2236 = arith.index_cast %select_n3A_1951 : i32 to index
      %get3A_2237 = arith.constant 224 : index
      %get3A_2238 = tpu.vector_load %arg4[%get3A_2236, %get3A_2237] {strides = array<i32>} : memref<8x256xf32, #tpu.memory_space<vmem>>, vector<16xf32>,
      %div3A_2239 = arith.constant 1.000000e-03 : f32
      %div3A_2240 = vector.broadcast %div3A_2239 : f32 to vector<16xf32>
      %div3A_2241 = arith.divf %get3A_2238, %div3A_2240 : vector<16xf32>
      %convert_element_type3A_2242 = arith.fptosi %div3A_2241 : vector<16xf32> to vector<16xi32>
      %sub3A_2243 = vector.broadcast %mul3A_1969 : i32 to vector<16xi32>
      %sub3A_2244 = arith.subi %convert_element_type3A_2242, %sub3A_2243 : vector<16xi32>
      %ge3A_2245 = arith.constant 0 : i32
      %ge3A_2246 = vector.broadcast %ge3A_2245 : i32 to vector<16xi32>
      %ge3A_2247 = arith.cmpi sge, %sub3A_2244, %ge3A_2246 : vector<16xi32>
      %lt3A_2248 = arith.constant 200 : i32
      %lt3A_2249 = vector.broadcast %lt3A_2248 : i32 to vector<16xi32>
      %lt3A_2250 = arith.cmpi slt, %sub3A_2244, %lt3A_2249 : vector<16xi32>
      %and3A_2251 = arith.andi %ge3A_2247, %lt3A_2250 : vector<16xi1>
      %add3A_2252 = arith.constant 224 : i32
      %add3A_2253 = vector.broadcast %add3A_2252 : i32 to vector<16xi32>
      %add3A_2254 = arith.addi %iota3A, %add3A_2253 : vector<16xi32>
      tpu.vector_store_idx %arg6[%sub3A_2244, %add3A_2254], %broadcast_in_dim3A_6 masked %and3A_2251 : memref<200x256xf32, #tpu.memory_space<vmem>>[vector<16xi32>, vector<16xi32>], vector<16xf32>, vector<16xi1>
      %get3A_2255 = arith.index_cast %select_n3A_1951 : i32 to index
      %get3A_2256 = arith.constant 240 : index
      %get3A_2257 = tpu.vector_load %arg4[%get3A_2255, %get3A_2256] {strides = array<i32>} : memref<8x256xf32, #tpu.memory_space<vmem>>, vector<16xf32>,
      %div3A_2258 = arith.constant 1.000000e-03 : f32
      %div3A_2259 = vector.broadcast %div3A_2258 : f32 to vector<16xf32>
      %div3A_2260 = arith.divf %get3A_2257, %div3A_2259 : vector<16xf32>
      %convert_element_type3A_2261 = arith.fptosi %div3A_2260 : vector<16xf32> to vector<16xi32>
      %sub3A_2262 = vector.broadcast %mul3A_1969 : i32 to vector<16xi32>
      %sub3A_2263 = arith.subi %convert_element_type3A_2261, %sub3A_2262 : vector<16xi32>
      %ge3A_2264 = arith.constant 0 : i32
      %ge3A_2265 = vector.broadcast %ge3A_2264 : i32 to vector<16xi32>
      %ge3A_2266 = arith.cmpi sge, %sub3A_2263, %ge3A_2265 : vector<16xi32>
      %lt3A_2267 = arith.constant 200 : i32
      %lt3A_2268 = vector.broadcast %lt3A_2267 : i32 to vector<16xi32>
      %lt3A_2269 = arith.cmpi slt, %sub3A_2263, %lt3A_2268 : vector<16xi32>
      %and3A_2270 = arith.andi %ge3A_2266, %lt3A_2269 : vector<16xi1>
      %add3A_2271 = arith.constant 240 : i32
      %add3A_2272 = vector.broadcast %add3A_2271 : i32 to vector<16xi32>
      %add3A_2273 = arith.addi %iota3A, %add3A_2272 : vector<16xi32>
      tpu.vector_store_idx %arg6[%sub3A_2263, %add3A_2273], %broadcast_in_dim3A_6 masked %and3A_2270 : memref<200x256xf32, #tpu.memory_space<vmem>>[vector<16xi32>, vector<16xi32>], vector<16xf32>, vector<16xi1>
      %add3A_2274 = arith.constant 1 : i32
      %add3A_2275 = arith.addi %mul3A_735, %add3A_2274 : i32
      %jit3A_2276 = arith.constant 5 : i32
      %div3A_2277 = arith.divsi %add3A_2275, %jit3A_2276 : i32
      %sign3A_2278 = arith.constant 0 : i32
      %sign3A_2279 = arith.cmpi sgt, %add3A_2275, %sign3A_2278 : i32
      %sign3A_2280 = arith.extui %sign3A_2279 : i1 to i32
      %sign3A_2281 = arith.constant 0 : i32
      %sign3A_2282 = arith.cmpi slt, %add3A_2275, %sign3A_2281 : i32
      %sign3A_2283 = arith.extui %sign3A_2282 : i1 to i32
      %sign3A_2284 = arith.subi %sign3A_2280, %sign3A_2283 : i32
      %sign3A_2285 = arith.constant 0 : i32
      %sign3A_2286 = arith.cmpi sgt, %jit3A_2276, %sign3A_2285 : i32
      %sign3A_2287 = arith.extui %sign3A_2286 : i1 to i32
      %sign3A_2288 = arith.constant 0 : i32
      %sign3A_2289 = arith.cmpi slt, %jit3A_2276, %sign3A_2288 : i32
      %sign3A_2290 = arith.extui %sign3A_2289 : i1 to i32
      %sign3A_2291 = arith.subi %sign3A_2287, %sign3A_2290 : i32
      %ne3A_2292 = arith.cmpi ne, %sign3A_2284, %sign3A_2291 : i32
      %rem3A_2293 = arith.remsi %add3A_2275, %jit3A_2276 : i32
      %ne3A_2294 = arith.constant 0 : i32
      %ne3A_2295 = arith.cmpi ne, %rem3A_2293, %ne3A_2294 : i32
      %and3A_2296 = arith.andi %ne3A_2292, %ne3A_2295 : i1
      %sub3A_2297 = arith.constant 1 : i32
      %sub3A_2298 = arith.subi %div3A_2277, %sub3A_2297 : i32
      %select_n3A_2299 = arith.select %and3A_2296, %sub3A_2298, %div3A_2277 : i32
      %jit3A_2300 = arith.constant 5 : i32
      %eq3A_2301 = arith.constant 0 : i32
      %eq3A_2302 = arith.cmpi eq, %jit3A_2300, %eq3A_2301 : i32
      %jit3A_2303 = arith.constant 1 : i32
      %select_n3A_2304 = arith.select %eq3A_2302, %jit3A_2303, %jit3A_2300 : i32
      %rem3A_2305 = arith.remsi %add3A_2275, %select_n3A_2304 : i32
      %ne3A_2306 = arith.constant 0 : i32
      %ne3A_2307 = arith.cmpi ne, %rem3A_2305, %ne3A_2306 : i32
      %lt3A_2308 = arith.constant 0 : i32
      %lt3A_2309 = arith.cmpi slt, %rem3A_2305, %lt3A_2308 : i32
      %lt3A_2310 = arith.constant 0 : i32
      %lt3A_2311 = arith.cmpi slt, %select_n3A_2304, %lt3A_2310 : i32
      %ne3A_2312 = arith.xori %lt3A_2309, %lt3A_2311 : i1
      %and3A_2313 = arith.andi %ne3A_2312, %ne3A_2307 : i1
      %add3A_2314 = arith.addi %rem3A_2305, %select_n3A_2304 : i32
      %select_n3A_2315 = arith.select %and3A_2313, %add3A_2314, %rem3A_2305 : i32
      %mul3A_2316 = arith.constant 200 : i32
      %mul3A_2317 = arith.muli %select_n3A_2315, %mul3A_2316 : i32
      %multiple_of3A_2318 = tpu.assume_multiple %mul3A_2317, 200 : i32
      %add3A_2319 = arith.addi %mul3A_2, %select_n3A_2299 : i32
      %dma_start3A_2320 = arith.constant 0 : i32
      %dma_start3A_2321 = tpu.memref_slice %arg3[%add3A_2319, %multiple_of3A_2318, %dma_start3A_2320] : memref<256x1000x256xf32, #tpu.memory_space<hbm>> -> memref<1x200x256xf32, #tpu.memory_space<hbm>>
      %dma_start3A_2322 = tpu.memref_squeeze %dma_start3A_2321 : memref<1x200x256xf32, #tpu.memory_space<hbm>> -> memref<200x256xf32, #tpu.memory_space<hbm>>
      %dma_start3A_2323 = arith.constant 0 : i32
      %dma_start3A_2324 = tpu.memref_slice %arg3[%add3A_2319, %multiple_of3A_2318, %dma_start3A_2323] : memref<256x1000x256xf32, #tpu.memory_space<hbm>> -> memref<1x200x256xf32, #tpu.memory_space<hbm>>
      %dma_start3A_2325 = tpu.memref_squeeze %dma_start3A_2324 : memref<1x200x256xf32, #tpu.memory_space<hbm>> -> memref<200x256xf32, #tpu.memory_space<hbm>>
      tpu.enqueue_dma source(%arg6 : memref<200x256xf32, #tpu.memory_space<vmem>>) target(%dma_start3A_2325 : memref<200x256xf32, #tpu.memory_space<hbm>>) target_semaphore(%arg8 : memref<!tpu.dma_semaphore, #tpu.memory_space<semaphore_mem>>)
    }
    %scan3A_712 = arith.constant 19 : i32
    %multiple_of3A_713 = arith.constant 600 : i32
    %multiple_of3A_714 = tpu.assume_multiple %multiple_of3A_713, 200 : i32
    %add3A_715 = arith.constant 7 : i32
    %add3A_716 = arith.addi %mul3A_2, %add3A_715 : i32
    %dma_wait3A_717 = arith.constant 0 : i32
    %dma_wait3A_718 = tpu.memref_slice %arg3[%add3A_716, %multiple_of3A_714, %dma_wait3A_717] : memref<256x1000x256xf32, #tpu.memory_space<hbm>> -> memref<1x200x256xf32, #tpu.memory_space<hbm>>
    %dma_wait3A_719 = tpu.memref_squeeze %dma_wait3A_718 : memref<1x200x256xf32, #tpu.memory_space<hbm>> -> memref<200x256xf32, #tpu.memory_space<hbm>>
    %dma_wait3A_720 = arith.constant 0 : i32
    %dma_wait3A_721 = tpu.memref_slice %arg3[%add3A_716, %multiple_of3A_714, %dma_wait3A_720] : memref<256x1000x256xf32, #tpu.memory_space<hbm>> -> memref<1x200x256xf32, #tpu.memory_space<hbm>>
    %dma_wait3A_722 = tpu.memref_squeeze %dma_wait3A_721 : memref<1x200x256xf32, #tpu.memory_space<hbm>> -> memref<200x256xf32, #tpu.memory_space<hbm>>
    tpu.wait_dma2 semaphore(%arg7 : memref<!tpu.dma_semaphore, #tpu.memory_space<semaphore_mem>>) src(%arg5 : memref<200x256xf32, #tpu.memory_space<vmem>>) dst(%dma_wait3A_722 : memref<200x256xf32, #tpu.memory_space<hbm>>)
    %multiple_of3A_723 = arith.constant 800 : i32
    %multiple_of3A_724 = tpu.assume_multiple %multiple_of3A_723, 200 : i32
    %add3A_725 = arith.constant 7 : i32
    %add3A_726 = arith.addi %mul3A_2, %add3A_725 : i32
    %dma_wait3A_727 = arith.constant 0 : i32
    %dma_wait3A_728 = tpu.memref_slice %arg3[%add3A_726, %multiple_of3A_724, %dma_wait3A_727] : memref<256x1000x256xf32, #tpu.memory_space<hbm>> -> memref<1x200x256xf32, #tpu.memory_space<hbm>>
    %dma_wait3A_729 = tpu.memref_squeeze %dma_wait3A_728 : memref<1x200x256xf32, #tpu.memory_space<hbm>> -> memref<200x256xf32, #tpu.memory_space<hbm>>
    %dma_wait3A_730 = arith.constant 0 : i32
    %dma_wait3A_731 = tpu.memref_slice %arg3[%add3A_726, %multiple_of3A_724, %dma_wait3A_730] : memref<256x1000x256xf32, #tpu.memory_space<hbm>> -> memref<1x200x256xf32, #tpu.memory_space<hbm>>
    %dma_wait3A_732 = tpu.memref_squeeze %dma_wait3A_731 : memref<1x200x256xf32, #tpu.memory_space<hbm>> -> memref<200x256xf32, #tpu.memory_space<hbm>>
    tpu.wait_dma2 semaphore(%arg8 : memref<!tpu.dma_semaphore, #tpu.memory_space<semaphore_mem>>) src(%arg6 : memref<200x256xf32, #tpu.memory_space<vmem>>) dst(%dma_wait3A_732 : memref<200x256xf32, #tpu.memory_space<hbm>>)
    return
  }
}

</mosaic_0001>

<sc_bundles>
// kernel: kernel.3.cloned.1.call-start
scs
__scs_entry_jumppad:
0x0: {  	(pc) =	sbr.rel $0x88, $3  }
0x1: {  	(tag) =	ssettag $0x0;
	lr =	simm.s32 $0x1  }
0x2: {  	[smem:$0x3FA0] =	sst lr;
	_ =	strace $0xD0000000  }
0x3: {  	_ = 	snop  }
0x4: {  	_ = 	snop  }
0x5: {  	_ = 	snop  }
0x6: {  	_ = 	snop  }
0x7: {  	_ = 	snop  }
__scs_overlays_trampoline_lowered:
0x8: {  	[smem:$0x3FAF] =	sst s0  }
0x9: {  	[smem:$0x3FB0] =	sst s1  }
0xa: {  	[smem:$0x3FB1] =	sst s2  }
0xb: {  	[smem:$0x3FB2] =	sst s3  }
0xc: {  	[smem:$0x3FB3] =	sst s4  }
0xd: {  	[smem:$0x3FB4] =	sst s5  }
0xe: {  	[smem:$0x3FB5] =	sst s6  }
0xf: {  	[smem:$0x3FB6] =	sst s7  }
0x10: {  	[smem:$0x3FB7] =	sst s8  }
0x11: {  	[smem:$0x3FB8] =	sst s9;
	s0 =	simm.s32 @!p0 $0x0  }
0x12: {  	s1 =	sld [smem:$0x3F9E];
	s0 =	simm.s32 @p0 $0x1  }
0x13: {  	[smem:$0x3FB9] =	sst s0;
	s0 =	simm.s32 @!p1 $0x0  }
0x14: {  	s2 =	sld [smem:$0x3F9D];
	s0 =	simm.s32 @p1 $0x1  }
0x15: {  	[smem:$0x3FBA] =	sst s0;
	s0 =	simm.s32 @!p2 $0x0  }
0x16: {  	s3 =	sld [smem:$0x3FDB];
	s0 =	simm.s32 @p2 $0x1  }
0x17: {  	s4 =	simm.s32 $0x1BF5;
	[smem:$0x3FBC] =	sst s0  }
0x18: {  	s0 =	sld [smem:$0x3F9F];
	_ =	swait.ge [sflag:s4], $0x0  }
0x19: {  	s7 =	sld [smem:$0x3FA0]  }
0x1a: {  	s8 =	sadd.s32 $0xFFFFE003, lr  }
0x1b: {  	s9 =	sadd.s32 $0xFFFFFEF7, lr;
	s5 =	simm.s32 $0xFFFFFFFF;
	p2 =	slt.u32 s8, $0xFFFFF086  }
0x1c: {  	p1 =	slt.u32 s9, $0xF7A;
	s5 =	simm.s32 @!p2 $0x0  }
0x1d: {  	s5 =	simm.s32 @p1 $0x1;
	p0 =	seq.s32 s7, s2  }
0x1e: {  	s7 =	smul.u32 @!p0 $0xF7A, s2;
	p2 =	seq.s32 @!p0 s5, $0x0  }
0x1f: {  	s9 =	smul.u32 $0xF7A, s1;
	s8 =	simm.s32 @!p0 $0x1BF5;
	p2 =	por !p2, p0  }
0x20: {  	[sflag:s8] =	ssyncset.s32 @!p0 $0xFFFFF086;
	s6 =	sadd.s32 @!p0 s3, s7;
	s7 =	simm.s32 @!p0 $0x108  }
0x21: {  	s3 =	sadd.s32 s3, s9;
	s6 =	sadd.s32 @!p0 $0x88, s6;
	s7 =	simm.s32 @p2 $0x1082  }
0x22: {  	[simem:s7], [sflag:s8] =	dma.local @!p0 [hbm:s6], $0xF7A  }
0x23: {  	s9 =	sor.u32 $0xD0000000, s2;
	s6 =	simm.s32 $0x108;
	_ =	swait.ge @!p0 [sflag:s8], $0x0  }
0x24: {  	s3 =	sadd.s32 $0x88, s3;
	s6 =	simm.s32 @!p1 $0x1082;
	[sflag:s4] =	ssyncset.s32 $0xFFFFF086  }
0x25: {  	[simem:s6], [sflag:s4] =	dma.local [hbm:s3], $0xF7A  }
0x26: {  	[smem:$0x3FA0] =	sst s1;
	(tag) =	ssettag s2;
	_ =	strace s9  }
0x27: {  	s1 =	sld [smem:$0x3FB0]  }
0x28: {  	s2 =	sld [smem:$0x3FB1]  }
0x29: {  	s4 =	sld [smem:$0x3FB3]  }
0x2a: {  	p0 =	seq.s32 s5, $0x0;
	s5 =	sld [smem:$0x3FB4]  }
0x2b: {  	s6 =	sld [smem:$0x3FB5]  }
0x2c: {  	s7 =	sld [smem:$0x3FB6]  }
0x2d: {  	s3 =	simm.s32 $0x108;
	s8 =	sld [smem:$0x3FB7]  }
0x2e: {  	s3 =	simm.s32 @!p0 $0x1082;
	s9 =	sld [smem:$0x3FB8]  }
0x2f: {  	lr =	sadd.s32 s0, s3;
	s0 =	sld [smem:$0x3FAF]  }
0x30: {  	s3 =	sld [smem:$0x3FB2]  }
0x31: {  	[smem:$0x3FBB] =	sst s10  }
0x32: {  	s10 =	sld [smem:$0x3FB9];
	_ =	sdelay $0x3  }
0x33: {  	p0 =	seq.s32 s10, $0x1;
	s10 =	sld [smem:$0x3FBB];
	_ =	sdelay $0x3  }
0x34: {  	[smem:$0x3FBB] =	sst s10  }
0x35: {  	s10 =	sld [smem:$0x3FBA];
	_ =	sdelay $0x3  }
0x36: {  	p1 =	seq.s32 s10, $0x1;
	s10 =	sld [smem:$0x3FBB];
	_ =	sdelay $0x3  }
0x37: {  	[smem:$0x3FBB] =	sst s10  }
0x38: {  	s10 =	sld [smem:$0x3FBC]  }
0x39: {  	_ = 	snop;
	(pc) =	sbr.ind lr, $3  }
0x3a: {  	_ = 	snop  }
0x3b: {  	_ = 	snop  }
0x3c: {  	p2 =	seq.s32 s10, $0x1;
	s10 =	sld [smem:$0x3FBB]  }
0x3d: {  	_ =	shalt  }
0x3e: {  	_ =	shalt  }
0x3f: {  	_ =	shalt  }
0x40: {  	_ =	shalt  }
0x41: {  	_ =	shalt  }
0x42: {  	_ =	shalt  }
0x43: {  	_ =	shalt  }
0x44: {  	_ =	shalt  }
0x45: {  	_ =	shalt  }
0x46: {  	_ =	shalt  }
0x47: {  	_ =	shalt  }
0x48: {  	_ =	shalt  }
0x49: {  	_ =	shalt  }
0x4a: {  	_ =	shalt  }
0x4b: {  	_ =	shalt  }
0x4c: {  	_ =	shalt  }
0x4d: {  	_ =	shalt  }
0x4e: {  	_ =	shalt  }
0x4f: {  	_ =	shalt  }
0x50: {  	_ =	shalt  }
0x51: {  	_ =	shalt  }
0x52: {  	_ =	shalt  }
0x53: {  	_ =	shalt  }
0x54: {  	_ =	shalt  }
0x55: {  	_ =	shalt  }
0x56: {  	_ =	shalt  }
0x57: {  	_ =	shalt  }
0x58: {  	_ =	shalt  }
0x59: {  	_ =	shalt  }
0x5a: {  	_ =	shalt  }
0x5b: {  	_ =	shalt  }
0x5c: {  	_ =	shalt  }
0x5d: {  	_ =	shalt  }
0x5e: {  	_ =	shalt  }
0x5f: {  	_ =	shalt  }
0x60: {  	_ =	shalt  }
0x61: {  	_ =	shalt  }
0x62: {  	_ =	shalt  }
0x63: {  	_ =	shalt  }
0x64: {  	_ =	shalt  }
0x65: {  	_ =	shalt  }
0x66: {  	_ =	shalt  }
0x67: {  	_ =	shalt  }
0x68: {  	_ =	shalt  }
0x69: {  	_ =	shalt  }
0x6a: {  	_ =	shalt  }
0x6b: {  	_ =	shalt  }
0x6c: {  	_ =	shalt  }
0x6d: {  	_ =	shalt  }
0x6e: {  	_ =	shalt  }
0x6f: {  	_ =	shalt  }
0x70: {  	_ =	shalt  }
0x71: {  	_ =	shalt  }
0x72: {  	_ =	shalt  }
0x73: {  	_ =	shalt  }
0x74: {  	_ =	shalt  }
0x75: {  	_ =	shalt  }
0x76: {  	_ =	shalt  }
0x77: {  	_ =	shalt  }
0x78: {  	_ =	shalt  }
0x79: {  	_ =	shalt  }
0x7a: {  	_ =	shalt  }
0x7b: {  	_ =	shalt  }
0x7c: {  	_ =	shalt  }
0x7d: {  	_ =	shalt  }
0x7e: {  	_ =	shalt  }
0x7f: {  	_ =	shalt  }
0x80: {  	_ =	shalt  }
0x81: {  	_ =	shalt  }
0x82: {  	_ =	shalt  }
0x83: {  	_ =	shalt  }
0x84: {  	_ =	shalt  }
0x85: {  	_ =	shalt  }
0x86: {  	_ =	shalt  }
0x87: {  	_ =	shalt  }
.Lfunc_end0:
.L_simem_size_0:
called_computation_lowered:
.L_overlay_start_0:
0x88: {  	s2 =	sld [smem:$0x3FD9]  }
0x89: {  	s3 =	sld [smem:$0x3FFE];
	_ =	sdelay $0x1  }
0x8a: {  	s1 =	srdreg.scid  }
0x8b: {  	s0 =	sand.u32 $0x1, s1  }
0x8c: {  	s18 =	sshll.u32 s0, $0xA;
	s2 =	sadd.s32 s3, s2  }
0x8d: {  	s2 =	sadd.s32 s2, s18  }
0x8e: {  	[smem:$0x3FC7] =	sst s2  }
0x8f: {  	_ = 	snop  }
0x90: {  	s2 =	sld [smem:$0x3FC9]  }
0x91: {  	s19 =	sld [smem:$0x3FD0];
	(tm) =	ssettm $0x1  }
0x92: {  	s4 =	sld [smem:$0x3FFB];
	_ =	sdelay $0x3  }
0x93: {  	_ =	strace s4  }
0x94: {  	s4 =	sld [smem:$0x3FFC];
	_ =	sdelay $0x3  }
0x95: {  	_ =	strace s4  }
0x96: {  	s4 =	sld [smem:$0x3FFD];
	_ =	sdelay $0x3  }
0x97: {  	_ =	strace s4  }
0x98: {  	_ =	strace $0x8FFFFFFF  }
0x99: {  	s20 =	sld [smem:$0x3FDB];
	_ =	sdelay $0x1  }
0x9a: {  	s5 =	simm.s32 $_scs_section_size  }
0x9b: {  	s6 =	simm.s32 $_size__tile_overlayer_lowered;
	s7 =	simm.s32 $_tile_overlayer_lowered  }
0x9c: {  	s23 =	simm.s32 $0x1BFF;
	s22 =	sshll.u32 s7, $0x1;
	s4 =	sadd.s32 s5, s20  }
0x9d: {  	s8 =	simm.s32 $0x0;
	s21 =	sshll.u32 s6, $0x1;
	s6 =	sadd.s32 s22, s4  }
0x9e: {  	[timem:s8], [sflag:s23] =	dma.local [hbm:s6], s21  }
0x9f: {  	_ =	swait.ge [sflag:s23], s21  }
0xa0: {  	s5 =	ssub.s32 $0x0, s21;
	[sflag:s23] =	ssyncset.done $0x0  }
0xa1: {  	[sflag:s23] =	ssyncadd.s32 s5;
	_ =	sdelay $0x1  }
0xa2: {  	s24 =	simm.s32 $0x1B8B  }
0xa3: {  	_ =	swait.ge [sflag:s24], $0x1  }
0xa4: {  	[sflag:s24] =	ssyncset.done $0x0  }
0xa5: {  	s25 =	simm.s32 $0x1B8E;
	[sflag:s24] =	ssyncadd.s32 $0xFFFFFFFF  }
0xa6: {  	s26 =	simm.s32 $execute0_lowered;
	[smem:$0x3FD2] =	sst s25  }
0xa7: {  	s5 =	sshll.u32 s26, $0x1;
	_ =	strace $0x80000046;
	[dreg:$0x1] =	wrdreg $0xFFFFFFFF  }
0xa8: {  	s28 =	simm.s32 $_size_execute0_lowered;
	s4 =	sadd.s32 s4, s5;
	[dreg:$0x0] =	wrdreg $0x0  }
0xa9: {  	s5 =	sshll.u32 s28, $0x1;
	[dreg:$0x2] =	wrdreg s4  }
0xaa: {  	[dreg:$0x3] =	wrdreg s5  }
0xab: {  	[dreg:$0x4] =	wrdreg $0xC0  }
0xac: {  	_ =	task [dreg:s8], $0x5FFFF  }
0xad: {  	[dreg:$0x1] =	wrdreg $0xFFFFFFFF  }
0xae: {  	[dreg:$0x0] =	wrdreg $0x60  }
0xaf: {  	[dreg:$0x2] =	wrdreg s2  }
0xb0: {  	[dreg:$0x3] =	wrdreg s19  }
0xb1: {  	[dreg:$0x4] =	wrdreg $0x9  }
0xb2: {  	_ =	task.clear_ibuf [dreg:s8], $0x5FFFF;
	_ =	strace $0x90000046  }
0xb3: {  	s29 =	simm.s32 $0x9;
	_ =	strace $0x80000048  }
0xb4: {  	_ =	swait.ge [sflag:s29], $0x1  }
0xb5: {  	[sflag:s29] =	ssyncadd.s32 $0xFFFFFFFF  }
0xb6: {  	_ =	strace $0x90000048  }
0xb7: {  	_ =	sfence  }
0xb8: {  	s30 =	sld [smem:$0x0];
	_ =	sdelay $0x2  }
0xb9: {  	s31 =	sshll.u32 s1, $0xD;
	s1 =	sshrl.u32 s1, $0x2  }
0xba: {  	s3 =	sand.u32 $0x4000, s31;
	s1 =	sadd.s32 s1, s30  }
0xbb: {  	s0 =	sor.u32 s3, s0;
	s1 =	sshll.u32 s1, $0x11  }
0xbc: {  	s0 =	sor.u32 s1, s0  }
0xbd: {  	s0 =	sadd.s32 $0x8F2B, s0  }
0xbe: {  	[sflag:s0] =	ssyncadd.remote.s32 $0x1  }
0xbf: {  	_ =	sfence.sel $0xFFFF  }
0xc0: {  	[dreg:$0x0] =	wrdreg $0xFFFFFFFF;
	(pc) =	sbr.abs _section_cstart, $3  }
0xc1: {  	[dreg:$0x1] =	wrdreg $0xFFFFFFFF  }
0xc2: {  	_ =	task.clear_ibuf [dreg:s8], $0x2FFFF;
	_ =	strace $0x9FFFFFFF  }
0xc3: {  	(tm) =	ssettm $0x7FFFFFFF  }
tec
execute0_lowered:
.L_overlay_start_1:
0x0: {  	(tag) =	ssettag $0x1  }
0x1: {  	s6 =	rddreg [dreg:$0x0]  }
0x2: {  	s1 =	rddreg [dreg:$0x1];
	s2 =	simm.s32 $0x0  }
0x3: {  	[smem:$0x7FF] =	sst s2  }
0x4: {  	s0 =	rddreg [dreg:$0x2];
	v0 =	vimm.f32 $1.000000050e-03;
	_ =	strace $0x80000047  }
0x5: {  	(erf) = vrcp.f32 v0  }
0x6: {  	s4 =	srdreg.scid;
	v1 =	vlaneseq.u32;
	v2 =	vimm.f32 $1.000000000e+00  }
0x7: {  	s3 =	stileid.u32;
	s5 =	sand.u32 $0x1, s4;
	v3 =	vor.u32 $0x10, v1;
	v4 =	vor.u32 $0x20, v1;
	v5 =	vor.u32 $0x30, v1  }
0x8: {  	s29 =	sshll.u32 s3, $0x4;
	v6 =	vor.u32 $0x40, v1;
	v7 =	vor.u32 $0x50, v1;
	v8 =	vor.u32 $0x60, v1;
	s7 =	sshll.u32 s5, $0x3  }
0x9: {  	v9 =	vor.u32 $0x70, v1;
	v10 =	vor.u32 $0x400, v1;
	v11 =	vor.u32 $0x410, v1;
	s4 =	sor.u32 s7, s29  }
0xa: {  	s10 =	simm.s32 $0x800;
	s11 =	simm.s32 $0xD000;
	v12 =	vor.u32 $0x420, v1;
	v13 =	vor.u32 $0x430, v1;
	v14 =	vor.u32 $0x440, v1;
	s7 =	smul.u32 $0x3E800, s4  }
0xb: {  	s12 =	simm.s32 $0x2;
	s13 =	simm.s32 $0x0;
	v15 =	vor.u32 $0x450, v1;
	v16 =	vor.u32 $0x460, v1;
	v17 =	vor.u32 $0x470, v1;
	s8 =	ssub.s32 $0x2, s5  }
0xc: {  	v18 =	vor.u32 $0xFFFF3C00, v1;
	v19 =	vor.u32 $0xFFFF3C10, v1;
	v20 =	vor.u32 $0xFFFF3C20, v1;
	s31 =	sshrl.u32 s8, $0x1;
	s9 =	sshll.u32 s4, $0x5;
	s30 =	sshrl.u32 s7, $0x3  }
0xd: {  	v21 =	vor.u32 $0xFFFF3C30, v1;
	v22 =	vor.u32 $0xFFFF3C40, v1;
	v24 =	vor.u32 $0xFFFF3C50, v1;
	s8 =	ssub.s32 s8, s31;
	s6 =	sadd.s32 s6, s9;
	s5 =	sadd.s32 s1, s30  }
0xe: {  	v25 =	vor.u32 $0xFFFF3C60, v1;
	v26 =	vor.u32 $0xFFFF3C70, v1;
	v0 =	vimm.f32 $0.0e+00;
	s8 =	smax.u32 s8, $0x1;
	s9 =	simm.s32 $0x1;
	s7 =	sadd.s32 $0x1900, s5;
	v23 =	vpop (erf)  }
.LBB2_1:
0xf: {  	[tilespmem:s2], [sflag:$0x1] =	stream.linear.gather [hbm4b:s6+s2], $0x800, $0x38;
	[tilespmem:$0x19800] =	vst v63  }
0x10: {  	s14 =	sand.u32 $0xF800, s2;
	s15 =	sand.u32 $0x380, s2  }
0x11: {  	s14 =	sor.u32 s15, s14  }
0x12: {  	[tilespmem:s14+$0xC70] =	vst v0  }
0x13: {  	[tilespmem:s14+$0x800] =	vst v0  }
0x14: {  	[tilespmem:s14+$0x810] =	vst v0  }
0x15: {  	[tilespmem:s14+$0x820] =	vst v0  }
0x16: {  	[tilespmem:s14+$0x830] =	vst v0  }
0x17: {  	[tilespmem:s14+$0x840] =	vst v0  }
0x18: {  	[tilespmem:s14+$0x850] =	vst v0  }
0x19: {  	[tilespmem:s14+$0x860] =	vst v0  }
0x1a: {  	[tilespmem:s14+$0x870] =	vst v0  }
0x1b: {  	[tilespmem:s14+$0xC00] =	vst v0  }
0x1c: {  	[tilespmem:s14+$0xC10] =	vst v0  }
0x1d: {  	[tilespmem:s14+$0xC20] =	vst v0  }
0x1e: {  	[tilespmem:s14+$0xC30] =	vst v0  }
0x1f: {  	s16 =	simm.s32 $0x100;
	s15 =	simm.s32 $0x80;
	[tilespmem:s14+$0xC40] =	vst v0  }
0x20: {  	s17 =	sand.u32 $0xF800, s16;
	s16 =	simm.s32 $0x200;
	s18 =	sand.u32 $0x380, s15;
	[tilespmem:s14+$0xC50] =	vst v0  }
.LBB2_2:
0x21: {  	p0 =	sne.s32 s16, $0xC700;
	[tilespmem:s14+$0xC60] =	vst v0;
	s14 =	sor.u32 s18, s17  }
0x22: {  	[tilespmem:s14+$0xC70] =	vst v0  }
0x23: {  	[tilespmem:s14+$0x800] =	vst v0  }
0x24: {  	[tilespmem:s14+$0x810] =	vst v0  }
0x25: {  	[tilespmem:s14+$0x820] =	vst v0  }
0x26: {  	[tilespmem:s14+$0x830] =	vst v0  }
0x27: {  	[tilespmem:s14+$0x840] =	vst v0  }
0x28: {  	[tilespmem:s14+$0x850] =	vst v0  }
0x29: {  	[tilespmem:s14+$0x860] =	vst v0  }
0x2a: {  	[tilespmem:s14+$0x870] =	vst v0  }
0x2b: {  	[tilespmem:s14+$0xC00] =	vst v0  }
.Ltmp0:
0x2c: {  	[tilespmem:s14+$0xC10] =	vst v0;
	(pc) =	sbr.rel @p0 .LBB2_2-.Ltmp0, $4  }
0x2d: {  	[tilespmem:s14+$0xC20] =	vst v0  }
0x2e: {  	[tilespmem:s14+$0xC30] =	vst v0  }
0x2f: {  	s15 =	sadd.s32 $0x80, s15;
	[tilespmem:s14+$0xC40] =	vst v0  }
0x30: {  	s17 =	sand.u32 $0xF800, s16;
	s16 =	sadd.s32 $0x100, s16;
	s18 =	sand.u32 $0x380, s15;
	[tilespmem:s14+$0xC50] =	vst v0  }
0x31: {  	s15 =	sor.u32 s18, s17;
	[tilespmem:s14+$0xC60] =	vst v0  }
0x32: {  	[tilespmem:s15+$0xC70] =	vst v0  }
0x33: {  	[tilespmem:s15+$0x800] =	vst v0  }
0x34: {  	[tilespmem:s15+$0x810] =	vst v0  }
0x35: {  	[tilespmem:s15+$0x820] =	vst v0  }
0x36: {  	[tilespmem:s15+$0x830] =	vst v0  }
0x37: {  	[tilespmem:s15+$0x840] =	vst v0  }
0x38: {  	[tilespmem:s15+$0x850] =	vst v0  }
0x39: {  	[tilespmem:s15+$0x860] =	vst v0  }
0x3a: {  	[tilespmem:s15+$0x870] =	vst v0  }
0x3b: {  	[tilespmem:s15+$0xC00] =	vst v0  }
0x3c: {  	[tilespmem:s15+$0xC10] =	vst v0  }
0x3d: {  	[tilespmem:s15+$0xC20] =	vst v0  }
0x3e: {  	[tilespmem:s15+$0xC30] =	vst v0  }
0x3f: {  	[tilespmem:s15+$0xC40] =	vst v0  }
0x40: {  	[tilespmem:s15+$0xC50] =	vst v0  }
0x41: {  	[tilespmem:s15+$0xC60] =	vst v0  }
0x42: {  	_ =	swait.ge [sflag:s9], $0x800  }
0x43: {  	[sflag:s9] =	ssyncset.done $0x0  }
0x44: {  	[sflag:s9] =	ssyncadd.s32 $0xFFFFF800  }
0x45: {  	v27 =	vld [tilespmem:$0x0];
	_ =	sdelay $0x4  }
0x46: {  	v27 =	vmul.f32 v27, v23;
	_ =	sdelay $0x1  }
0x47: {  	v27 =	vtrunc.f32 v27  }
0x48: {  	v27 =	vcvt.f32.s32 v27;
	_ =	sdelay $0x1  }
0x49: {  	v28 =	vshll.u32 v27, $0x8;
	v29 =	vshll.u32 v27, $0x7  }
0x4a: {  	v28 =	vand.u32 $0xFFFFF800, v28;
	v29 =	vand.u32 $0x380, v29  }
0x4b: {  	vm0 =	vlt.u32 v27, $0xC8;
	v27 =	vor.u32 v28, v29  }
0x4c: {  	v27 =	vor.u32 v1, v27;
	_ =	sdelay $0x4  }
0x4d: {  	[tilespmem:v27+s10+$0x0] =	vst.idx.msk vm0, v2  }
0x4e: {  	v27 =	vld [tilespmem:$0x10];
	_ =	sdelay $0x4  }
0x4f: {  	v27 =	vmul.f32 v27, v23;
	_ =	sdelay $0x1  }
0x50: {  	v27 =	vtrunc.f32 v27  }
0x51: {  	v27 =	vcvt.f32.s32 v27;
	_ =	sdelay $0x1  }
0x52: {  	v34 =	vshll.u32 v27, $0x8;
	v35 =	vshll.u32 v27, $0x7  }
0x53: {  	v28 =	vand.u32 $0xFFFFF800, v34;
	v29 =	vand.u32 $0x380, v35  }
0x54: {  	vm13 =	vlt.u32 v27, $0xC8;
	v27 =	vor.u32 v28, v29  }
0x55: {  	v27 =	vor.u32 v3, v27;
	_ =	sdelay $0x4  }
0x56: {  	[tilespmem:v27+s10+$0x0] =	vst.idx.msk vm13, v2  }
0x57: {  	v27 =	vld [tilespmem:$0x20];
	_ =	sdelay $0x4  }
0x58: {  	v27 =	vmul.f32 v27, v23;
	_ =	sdelay $0x1  }
0x59: {  	v27 =	vtrunc.f32 v27  }
0x5a: {  	v27 =	vcvt.f32.s32 v27;
	_ =	sdelay $0x1  }
0x5b: {  	v36 =	vshll.u32 v27, $0x8;
	v37 =	vshll.u32 v27, $0x7  }
0x5c: {  	v28 =	vand.u32 $0xFFFFF800, v36;
	v29 =	vand.u32 $0x380, v37  }
0x5d: {  	vm14 =	vlt.u32 v27, $0xC8;
	v27 =	vor.u32 v28, v29  }
0x5e: {  	v27 =	vor.u32 v4, v27;
	_ =	sdelay $0x4  }
0x5f: {  	[tilespmem:v27+s10+$0x0] =	vst.idx.msk vm14, v2  }
0x60: {  	v27 =	vld [tilespmem:$0x30];
	_ =	sdelay $0x4  }
0x61: {  	v27 =	vmul.f32 v27, v23;
	_ =	sdelay $0x1  }
0x62: {  	v27 =	vtrunc.f32 v27  }
0x63: {  	v27 =	vcvt.f32.s32 v27;
	_ =	sdelay $0x1  }
0x64: {  	v38 =	vshll.u32 v27, $0x8;
	v39 =	vshll.u32 v27, $0x7  }
0x65: {  	v28 =	vand.u32 $0xFFFFF800, v38;
	v29 =	vand.u32 $0x380, v39  }
0x66: {  	vm15 =	vlt.u32 v27, $0xC8;
	v27 =	vor.u32 v28, v29  }
0x67: {  	v27 =	vor.u32 v5, v27;
	_ =	sdelay $0x4  }
0x68: {  	[tilespmem:v27+s10+$0x0] =	vst.idx.msk vm15, v2  }
0x69: {  	v27 =	vld [tilespmem:$0x40];
	_ =	sdelay $0x4  }
0x6a: {  	v27 =	vmul.f32 v27, v23;
	_ =	sdelay $0x1  }
0x6b: {  	v27 =	vtrunc.f32 v27  }
0x6c: {  	v27 =	vcvt.f32.s32 v27;
	_ =	sdelay $0x1  }
0x6d: {  	v40 =	vshll.u32 v27, $0x8;
	v41 =	vshll.u32 v27, $0x7  }
0x6e: {  	v28 =	vand.u32 $0xFFFFF800, v40;
	v29 =	vand.u32 $0x380, v41  }
0x6f: {  	vm4 =	vlt.u32 v27, $0xC8;
	v27 =	vor.u32 v28, v29  }
0x70: {  	v27 =	vor.u32 v6, v27;
	_ =	sdelay $0x4  }
0x71: {  	[tilespmem:v27+s10+$0x0] =	vst.idx.msk vm4, v2  }
0x72: {  	v27 =	vld [tilespmem:$0x50];
	_ =	sdelay $0x4  }
0x73: {  	v27 =	vmul.f32 v27, v23;
	_ =	sdelay $0x1  }
0x74: {  	v27 =	vtrunc.f32 v27  }
0x75: {  	v27 =	vcvt.f32.s32 v27;
	_ =	sdelay $0x1  }
0x76: {  	v42 =	vshll.u32 v27, $0x8;
	v43 =	vshll.u32 v27, $0x7  }
0x77: {  	v28 =	vand.u32 $0xFFFFF800, v42;
	v29 =	vand.u32 $0x380, v43  }
0x78: {  	vm5 =	vlt.u32 v27, $0xC8;
	v27 =	vor.u32 v28, v29  }
0x79: {  	v27 =	vor.u32 v7, v27;
	_ =	sdelay $0x4  }
0x7a: {  	[tilespmem:v27+s10+$0x0] =	vst.idx.msk vm5, v2  }
0x7b: {  	v27 =	vld [tilespmem:$0x60];
	_ =	sdelay $0x4  }
0x7c: {  	v27 =	vmul.f32 v27, v23;
	_ =	sdelay $0x1  }
0x7d: {  	v27 =	vtrunc.f32 v27  }
0x7e: {  	v27 =	vcvt.f32.s32 v27;
	_ =	sdelay $0x1  }
0x7f: {  	v44 =	vshll.u32 v27, $0x8;
	v45 =	vshll.u32 v27, $0x7  }
0x80: {  	v28 =	vand.u32 $0xFFFFF800, v44;
	v29 =	vand.u32 $0x380, v45  }
0x81: {  	vm6 =	vlt.u32 v27, $0xC8;
	v27 =	vor.u32 v28, v29  }
0x82: {  	v27 =	vor.u32 v8, v27;
	_ =	sdelay $0x4  }
0x83: {  	[tilespmem:v27+s10+$0x0] =	vst.idx.msk vm6, v2  }
0x84: {  	v27 =	vld [tilespmem:$0x70];
	_ =	sdelay $0x4  }
0x85: {  	v27 =	vmul.f32 v27, v23;
	_ =	sdelay $0x1  }
0x86: {  	v27 =	vtrunc.f32 v27  }
0x87: {  	v27 =	vcvt.f32.s32 v27;
	_ =	sdelay $0x1  }
0x88: {  	v46 =	vshll.u32 v27, $0x8;
	v47 =	vshll.u32 v27, $0x7  }
0x89: {  	v28 =	vand.u32 $0xFFFFF800, v46;
	v29 =	vand.u32 $0x380, v47  }
0x8a: {  	vm7 =	vlt.u32 v27, $0xC8;
	v27 =	vor.u32 v28, v29  }
0x8b: {  	v27 =	vor.u32 v9, v27;
	_ =	sdelay $0x4  }
0x8c: {  	[tilespmem:v27+s10+$0x0] =	vst.idx.msk vm7, v2  }
0x8d: {  	v27 =	vld [tilespmem:$0x400];
	_ =	sdelay $0x4  }
0x8e: {  	v27 =	vmul.f32 v27, v23;
	_ =	sdelay $0x1  }
0x8f: {  	v27 =	vtrunc.f32 v27  }
0x90: {  	v27 =	vcvt.f32.s32 v27;
	_ =	sdelay $0x1  }
0x91: {  	v48 =	vshll.u32 v27, $0x8;
	v49 =	vshll.u32 v27, $0x7  }
0x92: {  	v28 =	vand.u32 $0xFFFFF800, v48;
	v29 =	vand.u32 $0x380, v49  }
0x93: {  	vm8 =	vlt.u32 v27, $0xC8;
	v27 =	vor.u32 v29, v28  }
0x94: {  	v27 =	vor.u32 v10, v27;
	_ =	sdelay $0x4  }
0x95: {  	[tilespmem:v27+s10+$0x0] =	vst.idx.msk vm8, v2  }
0x96: {  	v27 =	vld [tilespmem:$0x410];
	_ =	sdelay $0x4  }
0x97: {  	v27 =	vmul.f32 v27, v23;
	_ =	sdelay $0x1  }
0x98: {  	v27 =	vtrunc.f32 v27  }
0x99: {  	v27 =	vcvt.f32.s32 v27;
	_ =	sdelay $0x1  }
0x9a: {  	v50 =	vshll.u32 v27, $0x8;
	v51 =	vshll.u32 v27, $0x7  }
0x9b: {  	v28 =	vand.u32 $0xFFFFF800, v50;
	v29 =	vand.u32 $0x380, v51  }
0x9c: {  	vm9 =	vlt.u32 v27, $0xC8;
	v27 =	vor.u32 v29, v28  }
0x9d: {  	v27 =	vor.u32 v11, v27;
	_ =	sdelay $0x4  }
0x9e: {  	[tilespmem:v27+s10+$0x0] =	vst.idx.msk vm9, v2  }
0x9f: {  	v27 =	vld [tilespmem:$0x420];
	_ =	sdelay $0x4  }
0xa0: {  	v27 =	vmul.f32 v27, v23;
	_ =	sdelay $0x1  }
0xa1: {  	v27 =	vtrunc.f32 v27  }
0xa2: {  	v27 =	vcvt.f32.s32 v27;
	_ =	sdelay $0x1  }
0xa3: {  	v52 =	vshll.u32 v27, $0x8;
	v53 =	vshll.u32 v27, $0x7  }
0xa4: {  	v28 =	vand.u32 $0xFFFFF800, v52;
	v29 =	vand.u32 $0x380, v53  }
0xa5: {  	vm10 =	vlt.u32 v27, $0xC8;
	v27 =	vor.u32 v29, v28  }
0xa6: {  	v27 =	vor.u32 v12, v27;
	_ =	sdelay $0x4  }
0xa7: {  	[tilespmem:v27+s10+$0x0] =	vst.idx.msk vm10, v2  }
0xa8: {  	v27 =	vld [tilespmem:$0x430];
	_ =	sdelay $0x4  }
0xa9: {  	v27 =	vmul.f32 v27, v23;
	_ =	sdelay $0x1  }
0xaa: {  	v27 =	vtrunc.f32 v27  }
0xab: {  	v27 =	vcvt.f32.s32 v27;
	_ =	sdelay $0x1  }
0xac: {  	v54 =	vshll.u32 v27, $0x8;
	v55 =	vshll.u32 v27, $0x7  }
0xad: {  	v28 =	vand.u32 $0xFFFFF800, v54;
	v29 =	vand.u32 $0x380, v55  }
0xae: {  	vm11 =	vlt.u32 v27, $0xC8;
	v27 =	vor.u32 v29, v28  }
0xaf: {  	v27 =	vor.u32 v13, v27;
	_ =	sdelay $0x4  }
0xb0: {  	[tilespmem:v27+s10+$0x0] =	vst.idx.msk vm11, v2  }
0xb1: {  	v27 =	vld [tilespmem:$0x440];
	_ =	sdelay $0x4  }
0xb2: {  	v27 =	vmul.f32 v27, v23;
	_ =	sdelay $0x1  }
0xb3: {  	v27 =	vtrunc.f32 v27  }
0xb4: {  	v27 =	vcvt.f32.s32 v27;
	_ =	sdelay $0x1  }
0xb5: {  	v56 =	vshll.u32 v27, $0x8;
	v57 =	vshll.u32 v27, $0x7  }
0xb6: {  	v28 =	vand.u32 $0xFFFFF800, v56;
	v29 =	vand.u32 $0x380, v57  }
0xb7: {  	vm12 =	vlt.u32 v27, $0xC8;
	v27 =	vor.u32 v29, v28  }
0xb8: {  	v27 =	vor.u32 v14, v27;
	_ =	sdelay $0x4  }
0xb9: {  	[tilespmem:v27+s10+$0x0] =	vst.idx.msk vm12, v2  }
0xba: {  	v27 =	vld [tilespmem:$0x450];
	_ =	sdelay $0x4  }
0xbb: {  	v27 =	vmul.f32 v27, v23;
	_ =	sdelay $0x1  }
0xbc: {  	v27 =	vtrunc.f32 v27  }
0xbd: {  	v27 =	vcvt.f32.s32 v27;
	_ =	sdelay $0x1  }
0xbe: {  	v58 =	vshll.u32 v27, $0x8;
	v59 =	vshll.u32 v27, $0x7  }
0xbf: {  	v28 =	vand.u32 $0xFFFFF800, v58;
	v29 =	vand.u32 $0x380, v59  }
0xc0: {  	vm13 =	vlt.u32 v27, $0xC8;
	v27 =	vor.u32 v29, v28  }
0xc1: {  	v27 =	vor.u32 v15, v27;
	_ =	sdelay $0x4  }
0xc2: {  	[tilespmem:v27+s10+$0x0] =	vst.idx.msk vm13, v2  }
0xc3: {  	v27 =	vld [tilespmem:$0x460];
	_ =	sdelay $0x4  }
0xc4: {  	v27 =	vmul.f32 v27, v23;
	_ =	sdelay $0x1  }
0xc5: {  	v27 =	vtrunc.f32 v27  }
0xc6: {  	v27 =	vcvt.f32.s32 v27;
	_ =	sdelay $0x1  }
0xc7: {  	v60 =	vshll.u32 v27, $0x8;
	v61 =	vshll.u32 v27, $0x7  }
0xc8: {  	v28 =	vand.u32 $0xFFFFF800, v60;
	v29 =	vand.u32 $0x380, v61  }
0xc9: {  	vm14 =	vlt.u32 v27, $0xC8;
	v27 =	vor.u32 v29, v28  }
0xca: {  	v27 =	vor.u32 v16, v27;
	_ =	sdelay $0x4  }
0xcb: {  	[tilespmem:v27+s10+$0x0] =	vst.idx.msk vm14, v2  }
0xcc: {  	v27 =	vld [tilespmem:$0x470];
	_ =	sdelay $0x4  }
0xcd: {  	v27 =	vmul.f32 v27, v23;
	_ =	sdelay $0x1  }
0xce: {  	v27 =	vtrunc.f32 v27  }
0xcf: {  	v27 =	vcvt.f32.s32 v27;
	_ =	sdelay $0x1  }
0xd0: {  	v62 =	vshll.u32 v27, $0x8;
	v63 =	vshll.u32 v27, $0x7  }
0xd1: {  	v28 =	vand.u32 $0xFFFFF800, v62;
	v29 =	vand.u32 $0x380, v63  }
0xd2: {  	vm15 =	vlt.u32 v27, $0xC8;
	v27 =	vor.u32 v29, v28  }
0xd3: {  	v27 =	vor.u32 v17, v27;
	_ =	sdelay $0x2  }
0xd4: {  	s30 =	simm.s32 $0x0  }
0xd5: {  	s31 =	sand.u32 $0xF800, s30;
	s14 =	sand.u32 $0x380, s30  }
0xd6: {  	s14 =	sor.u32 s14, s31;
	[tilespmem:v27+s10+$0x0] =	vst.idx.msk vm15, v2  }
0xd7: {  	[hbm4b:s5+s30] =	stream.linear.scatter [tilespmem:s10], [sflag:$0x1], $0xC800, $0x38;
	[tilespmem:$0x19800] =	vst v63  }
0xd8: {  	[tilespmem:s14+$0xD470] =	vst v0  }
0xd9: {  	[tilespmem:s14+$0xD000] =	vst v0  }
0xda: {  	[tilespmem:s14+$0xD010] =	vst v0  }
0xdb: {  	[tilespmem:s14+$0xD020] =	vst v0  }
0xdc: {  	[tilespmem:s14+$0xD030] =	vst v0  }
0xdd: {  	[tilespmem:s14+$0xD040] =	vst v0  }
0xde: {  	[tilespmem:s14+$0xD050] =	vst v0  }
0xdf: {  	[tilespmem:s14+$0xD060] =	vst v0  }
0xe0: {  	[tilespmem:s14+$0xD070] =	vst v0  }
0xe1: {  	[tilespmem:s14+$0xD400] =	vst v0  }
0xe2: {  	[tilespmem:s14+$0xD410] =	vst v0  }
0xe3: {  	[tilespmem:s14+$0xD420] =	vst v0  }
0xe4: {  	[tilespmem:s14+$0xD430] =	vst v0  }
0xe5: {  	s16 =	simm.s32 $0x100;
	s15 =	simm.s32 $0x80;
	[tilespmem:s14+$0xD440] =	vst v0  }
0xe6: {  	s17 =	sand.u32 $0xF800, s16;
	s16 =	simm.s32 $0x200;
	s18 =	sand.u32 $0x380, s15;
	[tilespmem:s14+$0xD450] =	vst v0  }
.LBB2_4:
0xe7: {  	p0 =	sne.s32 s16, $0xC700;
	[tilespmem:s14+$0xD460] =	vst v0;
	s14 =	sor.u32 s18, s17  }
0xe8: {  	[tilespmem:s14+$0xD470] =	vst v0  }
0xe9: {  	[tilespmem:s14+$0xD000] =	vst v0  }
0xea: {  	[tilespmem:s14+$0xD010] =	vst v0  }
0xeb: {  	[tilespmem:s14+$0xD020] =	vst v0  }
0xec: {  	[tilespmem:s14+$0xD030] =	vst v0  }
0xed: {  	[tilespmem:s14+$0xD040] =	vst v0  }
0xee: {  	[tilespmem:s14+$0xD050] =	vst v0  }
0xef: {  	[tilespmem:s14+$0xD060] =	vst v0  }
0xf0: {  	[tilespmem:s14+$0xD070] =	vst v0  }
0xf1: {  	[tilespmem:s14+$0xD400] =	vst v0  }
.Ltmp1:
0xf2: {  	[tilespmem:s14+$0xD410] =	vst v0;
	(pc) =	sbr.rel @p0 .LBB2_4-.Ltmp1, $4  }
0xf3: {  	[tilespmem:s14+$0xD420] =	vst v0  }
0xf4: {  	[tilespmem:s14+$0xD430] =	vst v0  }
0xf5: {  	s15 =	sadd.s32 $0x80, s15;
	[tilespmem:s14+$0xD440] =	vst v0  }
0xf6: {  	s17 =	sand.u32 $0xF800, s16;
	s16 =	sadd.s32 $0x100, s16;
	s18 =	sand.u32 $0x380, s15;
	[tilespmem:s14+$0xD450] =	vst v0  }
0xf7: {  	s15 =	sor.u32 s18, s17;
	[tilespmem:s14+$0xD460] =	vst v0  }
0xf8: {  	[tilespmem:s15+$0xD470] =	vst v0  }
0xf9: {  	[tilespmem:s15+$0xD000] =	vst v0  }
0xfa: {  	[tilespmem:s15+$0xD010] =	vst v0  }
0xfb: {  	[tilespmem:s15+$0xD020] =	vst v0  }
0xfc: {  	[tilespmem:s15+$0xD030] =	vst v0  }
0xfd: {  	[tilespmem:s15+$0xD040] =	vst v0  }
0xfe: {  	[tilespmem:s15+$0xD050] =	vst v0  }
0xff: {  	[tilespmem:s15+$0xD060] =	vst v0  }
0x100: {  	[tilespmem:s15+$0xD070] =	vst v0  }
0x101: {  	[tilespmem:s15+$0xD400] =	vst v0  }
0x102: {  	[tilespmem:s15+$0xD410] =	vst v0  }
0x103: {  	[tilespmem:s15+$0xD420] =	vst v0  }
0x104: {  	[tilespmem:s15+$0xD430] =	vst v0  }
0x105: {  	[tilespmem:s15+$0xD440] =	vst v0  }
0x106: {  	[tilespmem:s15+$0xD450] =	vst v0  }
0x107: {  	[tilespmem:s15+$0xD460] =	vst v0  }
0x108: {  	v27 =	vld [tilespmem:$0x0];
	_ =	sdelay $0x4  }
0x109: {  	v27 =	vmul.f32 v27, v23;
	_ =	sdelay $0x1  }
0x10a: {  	v27 =	vtrunc.f32 v27  }
0x10b: {  	v27 =	vcvt.f32.s32 v27;
	_ =	sdelay $0x1  }
0x10c: {  	v28 =	vshll.u32 v27, $0x8;
	v29 =	vshll.u32 v27, $0x7  }
0x10d: {  	v28 =	vand.u32 $0xFFFFF800, v28;
	v29 =	vand.u32 $0x380, v29  }
0x10e: {  	v27 =	vadd.s32 $0xFFFFFF38, v27;
	v28 =	vor.u32 v29, v28  }
0x10f: {  	vm0 =	vlt.u32 v27, $0xC8;
	v27 =	vor.u32 v1, v28  }
0x110: {  	v27 =	vadd.s32 $0xFFFF3800, v27;
	_ =	sdelay $0x4  }
0x111: {  	[tilespmem:v27+s11+$0x0] =	vst.idx.msk vm0, v2  }
0x112: {  	v27 =	vld [tilespmem:$0x10];
	_ =	sdelay $0x4  }
0x113: {  	v27 =	vmul.f32 v27, v23;
	_ =	sdelay $0x1  }
0x114: {  	v27 =	vtrunc.f32 v27  }
0x115: {  	v27 =	vcvt.f32.s32 v27;
	_ =	sdelay $0x1  }
0x116: {  	v34 =	vshll.u32 v27, $0x8;
	v35 =	vshll.u32 v27, $0x7  }
0x117: {  	v28 =	vand.u32 $0xFFFFF800, v34;
	v29 =	vand.u32 $0x380, v35  }
0x118: {  	v27 =	vadd.s32 $0xFFFFFF38, v27;
	v28 =	vor.u32 v29, v28  }
0x119: {  	vm13 =	vlt.u32 v27, $0xC8;
	v27 =	vor.u32 v3, v28  }
0x11a: {  	v27 =	vadd.s32 $0xFFFF3800, v27;
	_ =	sdelay $0x4  }
0x11b: {  	[tilespmem:v27+s11+$0x0] =	vst.idx.msk vm13, v2  }
0x11c: {  	v27 =	vld [tilespmem:$0x20];
	_ =	sdelay $0x4  }
0x11d: {  	v27 =	vmul.f32 v27, v23;
	_ =	sdelay $0x1  }
0x11e: {  	v27 =	vtrunc.f32 v27  }
0x11f: {  	v27 =	vcvt.f32.s32 v27;
	_ =	sdelay $0x1  }
0x120: {  	v36 =	vshll.u32 v27, $0x8;
	v37 =	vshll.u32 v27, $0x7  }
0x121: {  	v28 =	vand.u32 $0xFFFFF800, v36;
	v29 =	vand.u32 $0x380, v37  }
0x122: {  	v27 =	vadd.s32 $0xFFFFFF38, v27;
	v28 =	vor.u32 v29, v28  }
0x123: {  	vm14 =	vlt.u32 v27, $0xC8;
	v27 =	vor.u32 v4, v28  }
0x124: {  	v27 =	vadd.s32 $0xFFFF3800, v27;
	_ =	sdelay $0x4  }
0x125: {  	[tilespmem:v27+s11+$0x0] =	vst.idx.msk vm14, v2  }
0x126: {  	v27 =	vld [tilespmem:$0x30];
	_ =	sdelay $0x4  }
0x127: {  	v27 =	vmul.f32 v27, v23;
	_ =	sdelay $0x1  }
0x128: {  	v27 =	vtrunc.f32 v27  }
0x129: {  	v27 =	vcvt.f32.s32 v27;
	_ =	sdelay $0x1  }
0x12a: {  	v38 =	vshll.u32 v27, $0x8;
	v39 =	vshll.u32 v27, $0x7  }
0x12b: {  	v28 =	vand.u32 $0xFFFFF800, v38;
	v29 =	vand.u32 $0x380, v39  }
0x12c: {  	v27 =	vadd.s32 $0xFFFFFF38, v27;
	v28 =	vor.u32 v29, v28  }
0x12d: {  	vm15 =	vlt.u32 v27, $0xC8;
	v27 =	vor.u32 v5, v28  }
0x12e: {  	v27 =	vadd.s32 $0xFFFF3800, v27;
	_ =	sdelay $0x4  }
0x12f: {  	[tilespmem:v27+s11+$0x0] =	vst.idx.msk vm15, v2  }
0x130: {  	v27 =	vld [tilespmem:$0x40];
	_ =	sdelay $0x4  }
0x131: {  	v27 =	vmul.f32 v27, v23;
	_ =	sdelay $0x1  }
0x132: {  	v27 =	vtrunc.f32 v27  }
0x133: {  	v27 =	vcvt.f32.s32 v27;
	_ =	sdelay $0x1  }
0x134: {  	v40 =	vshll.u32 v27, $0x8;
	v41 =	vshll.u32 v27, $0x7  }
0x135: {  	v28 =	vand.u32 $0xFFFFF800, v40;
	v29 =	vand.u32 $0x380, v41  }
0x136: {  	v27 =	vadd.s32 $0xFFFFFF38, v27;
	v28 =	vor.u32 v29, v28  }
0x137: {  	vm4 =	vlt.u32 v27, $0xC8;
	v27 =	vor.u32 v6, v28  }
0x138: {  	v27 =	vadd.s32 $0xFFFF3800, v27;
	_ =	sdelay $0x4  }
0x139: {  	[tilespmem:v27+s11+$0x0] =	vst.idx.msk vm4, v2  }
0x13a: {  	v27 =	vld [tilespmem:$0x50];
	_ =	sdelay $0x4  }
0x13b: {  	v27 =	vmul.f32 v27, v23;
	_ =	sdelay $0x1  }
0x13c: {  	v27 =	vtrunc.f32 v27  }
0x13d: {  	v27 =	vcvt.f32.s32 v27;
	_ =	sdelay $0x1  }
0x13e: {  	v42 =	vshll.u32 v27, $0x8;
	v43 =	vshll.u32 v27, $0x7  }
0x13f: {  	v28 =	vand.u32 $0xFFFFF800, v42;
	v29 =	vand.u32 $0x380, v43  }
0x140: {  	v27 =	vadd.s32 $0xFFFFFF38, v27;
	v28 =	vor.u32 v29, v28  }
0x141: {  	vm5 =	vlt.u32 v27, $0xC8;
	v27 =	vor.u32 v7, v28  }
0x142: {  	v27 =	vadd.s32 $0xFFFF3800, v27;
	_ =	sdelay $0x4  }
0x143: {  	[tilespmem:v27+s11+$0x0] =	vst.idx.msk vm5, v2  }
0x144: {  	v27 =	vld [tilespmem:$0x60];
	_ =	sdelay $0x4  }
0x145: {  	v27 =	vmul.f32 v27, v23;
	_ =	sdelay $0x1  }
0x146: {  	v27 =	vtrunc.f32 v27  }
0x147: {  	v27 =	vcvt.f32.s32 v27;
	_ =	sdelay $0x1  }
0x148: {  	v44 =	vshll.u32 v27, $0x8;
	v45 =	vshll.u32 v27, $0x7  }
0x149: {  	v28 =	vand.u32 $0xFFFFF800, v44;
	v29 =	vand.u32 $0x380, v45  }
0x14a: {  	v27 =	vadd.s32 $0xFFFFFF38, v27;
	v28 =	vor.u32 v29, v28  }
0x14b: {  	vm6 =	vlt.u32 v27, $0xC8;
	v27 =	vor.u32 v8, v28  }
0x14c: {  	v27 =	vadd.s32 $0xFFFF3800, v27;
	_ =	sdelay $0x4  }
0x14d: {  	[tilespmem:v27+s11+$0x0] =	vst.idx.msk vm6, v2  }
0x14e: {  	v27 =	vld [tilespmem:$0x70];
	_ =	sdelay $0x4  }
0x14f: {  	v27 =	vmul.f32 v27, v23;
	_ =	sdelay $0x1  }
0x150: {  	v27 =	vtrunc.f32 v27  }
0x151: {  	v27 =	vcvt.f32.s32 v27;
	_ =	sdelay $0x1  }
0x152: {  	v46 =	vshll.u32 v27, $0x8;
	v47 =	vshll.u32 v27, $0x7  }
0x153: {  	v28 =	vand.u32 $0xFFFFF800, v46;
	v29 =	vand.u32 $0x380, v47  }
0x154: {  	v27 =	vadd.s32 $0xFFFFFF38, v27;
	v28 =	vor.u32 v29, v28  }
0x155: {  	vm7 =	vlt.u32 v27, $0xC8;
	v27 =	vor.u32 v9, v28  }
0x156: {  	v27 =	vadd.s32 $0xFFFF3800, v27;
	_ =	sdelay $0x4  }
0x157: {  	[tilespmem:v27+s11+$0x0] =	vst.idx.msk vm7, v2  }
0x158: {  	v27 =	vld [tilespmem:$0x400];
	_ =	sdelay $0x4  }
0x159: {  	v27 =	vmul.f32 v27, v23;
	_ =	sdelay $0x1  }
0x15a: {  	v27 =	vtrunc.f32 v27  }
0x15b: {  	v27 =	vcvt.f32.s32 v27;
	_ =	sdelay $0x1  }
0x15c: {  	v48 =	vshll.u32 v27, $0x8;
	v49 =	vshll.u32 v27, $0x7  }
0x15d: {  	v27 =	vadd.s32 $0xFFFFFF38, v27;
	v28 =	vand.u32 $0xFFFFF800, v48;
	v29 =	vand.u32 $0x380, v49  }
0x15e: {  	vm8 =	vlt.u32 v27, $0xC8;
	v27 =	vor.u32 v29, v28  }
0x15f: {  	v27 =	vadd.s32 v18, v27;
	_ =	sdelay $0x4  }
0x160: {  	[tilespmem:v27+s11+$0x0] =	vst.idx.msk vm8, v2  }
0x161: {  	v27 =	vld [tilespmem:$0x410];
	_ =	sdelay $0x4  }
0x162: {  	v27 =	vmul.f32 v27, v23;
	_ =	sdelay $0x1  }
0x163: {  	v27 =	vtrunc.f32 v27  }
0x164: {  	v27 =	vcvt.f32.s32 v27;
	_ =	sdelay $0x1  }
0x165: {  	v50 =	vshll.u32 v27, $0x8;
	v51 =	vshll.u32 v27, $0x7  }
0x166: {  	v27 =	vadd.s32 $0xFFFFFF38, v27;
	v28 =	vand.u32 $0xFFFFF800, v50;
	v29 =	vand.u32 $0x380, v51  }
0x167: {  	vm9 =	vlt.u32 v27, $0xC8;
	v27 =	vor.u32 v29, v28  }
0x168: {  	v27 =	vadd.s32 v19, v27;
	_ =	sdelay $0x4  }
0x169: {  	[tilespmem:v27+s11+$0x0] =	vst.idx.msk vm9, v2  }
0x16a: {  	v27 =	vld [tilespmem:$0x420];
	_ =	sdelay $0x4  }
0x16b: {  	v27 =	vmul.f32 v27, v23;
	_ =	sdelay $0x1  }
0x16c: {  	v27 =	vtrunc.f32 v27  }
0x16d: {  	v27 =	vcvt.f32.s32 v27;
	_ =	sdelay $0x1  }
0x16e: {  	v52 =	vshll.u32 v27, $0x8;
	v53 =	vshll.u32 v27, $0x7  }
0x16f: {  	v27 =	vadd.s32 $0xFFFFFF38, v27;
	v28 =	vand.u32 $0xFFFFF800, v52;
	v29 =	vand.u32 $0x380, v53  }
0x170: {  	vm10 =	vlt.u32 v27, $0xC8;
	v27 =	vor.u32 v29, v28  }
0x171: {  	v27 =	vadd.s32 v20, v27;
	_ =	sdelay $0x4  }
0x172: {  	[tilespmem:v27+s11+$0x0] =	vst.idx.msk vm10, v2  }
0x173: {  	v27 =	vld [tilespmem:$0x430];
	_ =	sdelay $0x4  }
0x174: {  	v27 =	vmul.f32 v27, v23;
	_ =	sdelay $0x1  }
0x175: {  	v27 =	vtrunc.f32 v27  }
0x176: {  	v27 =	vcvt.f32.s32 v27;
	_ =	sdelay $0x1  }
0x177: {  	v54 =	vshll.u32 v27, $0x8;
	v55 =	vshll.u32 v27, $0x7  }
0x178: {  	v27 =	vadd.s32 $0xFFFFFF38, v27;
	v28 =	vand.u32 $0xFFFFF800, v54;
	v29 =	vand.u32 $0x380, v55  }
0x179: {  	vm11 =	vlt.u32 v27, $0xC8;
	v27 =	vor.u32 v29, v28  }
0x17a: {  	v27 =	vadd.s32 v21, v27;
	_ =	sdelay $0x4  }
0x17b: {  	[tilespmem:v27+s11+$0x0] =	vst.idx.msk vm11, v2  }
0x17c: {  	v27 =	vld [tilespmem:$0x440];
	_ =	sdelay $0x4  }
0x17d: {  	v27 =	vmul.f32 v27, v23;
	_ =	sdelay $0x1  }
0x17e: {  	v27 =	vtrunc.f32 v27  }
0x17f: {  	v27 =	vcvt.f32.s32 v27;
	_ =	sdelay $0x1  }
0x180: {  	v56 =	vshll.u32 v27, $0x8;
	v57 =	vshll.u32 v27, $0x7  }
0x181: {  	v27 =	vadd.s32 $0xFFFFFF38, v27;
	v28 =	vand.u32 $0xFFFFF800, v56;
	v29 =	vand.u32 $0x380, v57  }
0x182: {  	vm12 =	vlt.u32 v27, $0xC8;
	v27 =	vor.u32 v29, v28  }
0x183: {  	v27 =	vadd.s32 v22, v27;
	_ =	sdelay $0x4  }
0x184: {  	[tilespmem:v27+s11+$0x0] =	vst.idx.msk vm12, v2  }
0x185: {  	v27 =	vld [tilespmem:$0x450];
	_ =	sdelay $0x4  }
0x186: {  	v27 =	vmul.f32 v27, v23;
	_ =	sdelay $0x1  }
0x187: {  	v27 =	vtrunc.f32 v27  }
0x188: {  	v27 =	vcvt.f32.s32 v27;
	_ =	sdelay $0x1  }
0x189: {  	v58 =	vshll.u32 v27, $0x8;
	v59 =	vshll.u32 v27, $0x7  }
0x18a: {  	v27 =	vadd.s32 $0xFFFFFF38, v27;
	v28 =	vand.u32 $0xFFFFF800, v58;
	v29 =	vand.u32 $0x380, v59  }
0x18b: {  	vm13 =	vlt.u32 v27, $0xC8;
	v27 =	vor.u32 v29, v28  }
0x18c: {  	v27 =	vadd.s32 v24, v27;
	_ =	sdelay $0x4  }
0x18d: {  	[tilespmem:v27+s11+$0x0] =	vst.idx.msk vm13, v2  }
0x18e: {  	v27 =	vld [tilespmem:$0x460];
	_ =	sdelay $0x4  }
0x18f: {  	v27 =	vmul.f32 v27, v23;
	_ =	sdelay $0x1  }
0x190: {  	v27 =	vtrunc.f32 v27  }
0x191: {  	v27 =	vcvt.f32.s32 v27;
	_ =	sdelay $0x1  }
0x192: {  	v60 =	vshll.u32 v27, $0x8;
	v61 =	vshll.u32 v27, $0x7  }
0x193: {  	v27 =	vadd.s32 $0xFFFFFF38, v27;
	v28 =	vand.u32 $0xFFFFF800, v60;
	v29 =	vand.u32 $0x380, v61  }
0x194: {  	vm14 =	vlt.u32 v27, $0xC8;
	v27 =	vor.u32 v29, v28  }
0x195: {  	v27 =	vadd.s32 v25, v27;
	_ =	sdelay $0x4  }
0x196: {  	[tilespmem:v27+s11+$0x0] =	vst.idx.msk vm14, v2  }
0x197: {  	v27 =	vld [tilespmem:$0x470];
	_ =	sdelay $0x4  }
0x198: {  	v27 =	vmul.f32 v27, v23;
	_ =	sdelay $0x1  }
0x199: {  	v27 =	vtrunc.f32 v27  }
0x19a: {  	v27 =	vcvt.f32.s32 v27;
	_ =	sdelay $0x1  }
0x19b: {  	v62 =	vshll.u32 v27, $0x8;
	v63 =	vshll.u32 v27, $0x7  }
0x19c: {  	v27 =	vadd.s32 $0xFFFFFF38, v27;
	v28 =	vand.u32 $0xFFFFF800, v62;
	v29 =	vand.u32 $0x380, v63  }
0x19d: {  	vm15 =	vlt.u32 v27, $0xC8;
	v27 =	vor.u32 v29, v28  }
0x19e: {  	v27 =	vadd.s32 v26, v27;
	_ =	sdelay $0x4  }
0x19f: {  	s14 =	simm.s32 $0x1;
	[tilespmem:v27+s11+$0x0] =	vst.idx.msk vm15, v2  }
0x1a0: {  	[hbm4b:s7+s2] =	stream.linear.scatter [tilespmem:s11], [sflag:$0x2], $0xC800, $0x38;
	[tilespmem:$0x19800] =	vst v63  }
.LBB2_6:
0x1a1: {  	s15 =	sshll.u32 s14, $0x1  }
0x1a2: {  	s16 =	sadd.s32 $0xFFFFFFFE, s15  }
0x1a3: {  	s17 =	sshll.u32 s16, $0x18  }
0x1a4: {  	s17 =	sshra.s32 s17, $0x18  }
0x1a5: {  	s17 =	smul.u32 $0x67, s17;
	_ =	sdelay $0x1  }
0x1a6: {  	s18 =	sshrl.u32 s17, $0x1F;
	s17 =	sshra.s32 s17, $0x9  }
0x1a7: {  	s17 =	sadd.s32 s18, s17  }
0x1a8: {  	s18 =	smul.u32 $0xFFFFFFFB, s17;
	_ =	sdelay $0x1  }
0x1a9: {  	s18 =	sadd.s32 s16, s18  }
0x1aa: {  	s16 =	sand.u32 $0xFF, s18  }
0x1ab: {  	p0 =	slt.u32 s14, $0x2;
	p1 =	sne.s32 s16, $0x0  }
0x1ac: {  	p0 =	por !p0, !p1  }
0x1ad: {  	s16 =	simm.s32 $0x1;
	p0 =	por !p0, !p0  }
0x1ae: {  	s16 =	simm.s32 @!p0 $0x0  }
0x1af: {  	s16 =	ssub.s32 s17, s16  }
0x1b0: {  	_ =	swait.ge [sflag:s9], $0xC800;
	s17 =	sshll.u32 s16, $0x8;
	s16 =	sshll.u32 s16, $0x7  }
0x1b1: {  	[sflag:s9] =	ssyncset.done $0x0;
	s17 =	sand.u32 $0xFFFFF800, s17;
	s16 =	sand.u32 $0x380, s16  }
0x1b2: {  	[sflag:s9] =	ssyncadd.s32 $0xFFFF3800;
	s16 =	sor.u32 s16, s17  }
0x1b3: {  	v27 =	vld [tilespmem:s16+$0x0];
	_ =	sdelay $0x2  }
0x1b4: {  	s28 =	sshll.u32 s18, $0x18  }
0x1b5: {  	s17 =	sshra.s32 s28, $0x18  }
0x1b6: {  	p0 =	slt.s32 s17, $0x0;
	s18 =	sadd.s32 $0x5, s17;
	v27 =	vmul.f32 v27, v23  }
0x1b7: {  	s17 =	smov.u32 @p0 s18  }
0x1b8: {  	s17 =	smul.u32 $0xC8, s17;
	v27 =	vtrunc.f32 v27  }
0x1b9: {  	v28 =	vcvt.f32.s32 v27  }
0x1ba: {  	v27 =	vmov s17  }
0x1bb: {  	v29 =	vsub.s32 v28, v27  }
0x1bc: {  	v28 =	vshll.u32 v28, $0x7;
	v30 =	vshll.u32 v29, $0x8  }
0x1bd: {  	v28 =	vand.u32 $0x380, v28;
	v30 =	vand.u32 $0xFFFFF800, v30  }
0x1be: {  	vm0 =	vlt.u32 v29, $0xC8;
	v28 =	vor.u32 v30, v28  }
0x1bf: {  	v28 =	vor.u32 v1, v28;
	_ =	sdelay $0x4  }
0x1c0: {  	[tilespmem:v28+s10+$0x0] =	vst.idx.msk vm0, v0  }
0x1c1: {  	v28 =	vld [tilespmem:s16+$0x10];
	_ =	sdelay $0x4  }
0x1c2: {  	v28 =	vmul.f32 v28, v23;
	_ =	sdelay $0x1  }
0x1c3: {  	v28 =	vtrunc.f32 v28  }
0x1c4: {  	v28 =	vcvt.f32.s32 v28;
	_ =	sdelay $0x1  }
0x1c5: {  	v63 =	vsub.s32 v28, v27  }
0x1c6: {  	v28 =	vshll.u32 v28, $0x7;
	v33 =	vshll.u32 v63, $0x8  }
0x1c7: {  	v28 =	vand.u32 $0x380, v28;
	v30 =	vand.u32 $0xFFFFF800, v33  }
0x1c8: {  	vm13 =	vlt.u32 v63, $0xC8;
	v28 =	vor.u32 v30, v28  }
0x1c9: {  	v28 =	vor.u32 v3, v28;
	_ =	sdelay $0x4  }
0x1ca: {  	[tilespmem:v28+s10+$0x0] =	vst.idx.msk vm13, v0  }
0x1cb: {  	v28 =	vld [tilespmem:s16+$0x20];
	_ =	sdelay $0x4  }
0x1cc: {  	v28 =	vmul.f32 v28, v23;
	_ =	sdelay $0x1  }
0x1cd: {  	v28 =	vtrunc.f32 v28  }
0x1ce: {  	v28 =	vcvt.f32.s32 v28;
	_ =	sdelay $0x1  }
0x1cf: {  	v34 =	vsub.s32 v28, v27  }
0x1d0: {  	v28 =	vshll.u32 v28, $0x7;
	v35 =	vshll.u32 v34, $0x8  }
0x1d1: {  	v28 =	vand.u32 $0x380, v28;
	v30 =	vand.u32 $0xFFFFF800, v35  }
0x1d2: {  	vm14 =	vlt.u32 v34, $0xC8;
	v28 =	vor.u32 v30, v28  }
0x1d3: {  	v28 =	vor.u32 v4, v28;
	_ =	sdelay $0x4  }
0x1d4: {  	[tilespmem:v28+s10+$0x0] =	vst.idx.msk vm14, v0  }
0x1d5: {  	v28 =	vld [tilespmem:s16+$0x30];
	_ =	sdelay $0x4  }
0x1d6: {  	v28 =	vmul.f32 v28, v23;
	_ =	sdelay $0x1  }
0x1d7: {  	v28 =	vtrunc.f32 v28  }
0x1d8: {  	v28 =	vcvt.f32.s32 v28;
	_ =	sdelay $0x1  }
0x1d9: {  	v36 =	vsub.s32 v28, v27  }
0x1da: {  	v28 =	vshll.u32 v28, $0x7;
	v37 =	vshll.u32 v36, $0x8  }
0x1db: {  	v28 =	vand.u32 $0x380, v28;
	v30 =	vand.u32 $0xFFFFF800, v37  }
0x1dc: {  	vm15 =	vlt.u32 v36, $0xC8;
	v28 =	vor.u32 v30, v28  }
0x1dd: {  	v28 =	vor.u32 v5, v28;
	_ =	sdelay $0x4  }
0x1de: {  	[tilespmem:v28+s10+$0x0] =	vst.idx.msk vm15, v0  }
0x1df: {  	v28 =	vld [tilespmem:s16+$0x40];
	_ =	sdelay $0x4  }
0x1e0: {  	v28 =	vmul.f32 v28, v23;
	_ =	sdelay $0x1  }
0x1e1: {  	v28 =	vtrunc.f32 v28  }
0x1e2: {  	v28 =	vcvt.f32.s32 v28;
	_ =	sdelay $0x1  }
0x1e3: {  	v38 =	vsub.s32 v28, v27  }
0x1e4: {  	v28 =	vshll.u32 v28, $0x7;
	v39 =	vshll.u32 v38, $0x8  }
0x1e5: {  	v28 =	vand.u32 $0x380, v28;
	v30 =	vand.u32 $0xFFFFF800, v39  }
0x1e6: {  	vm4 =	vlt.u32 v38, $0xC8;
	v28 =	vor.u32 v30, v28  }
0x1e7: {  	v28 =	vor.u32 v6, v28;
	_ =	sdelay $0x4  }
0x1e8: {  	[tilespmem:v28+s10+$0x0] =	vst.idx.msk vm4, v0  }
0x1e9: {  	v28 =	vld [tilespmem:s16+$0x50];
	_ =	sdelay $0x4  }
0x1ea: {  	v28 =	vmul.f32 v28, v23;
	_ =	sdelay $0x1  }
0x1eb: {  	v28 =	vtrunc.f32 v28  }
0x1ec: {  	v28 =	vcvt.f32.s32 v28;
	_ =	sdelay $0x1  }
0x1ed: {  	v40 =	vsub.s32 v28, v27  }
0x1ee: {  	v28 =	vshll.u32 v28, $0x7;
	v41 =	vshll.u32 v40, $0x8  }
0x1ef: {  	v28 =	vand.u32 $0x380, v28;
	v30 =	vand.u32 $0xFFFFF800, v41  }
0x1f0: {  	vm5 =	vlt.u32 v40, $0xC8;
	v28 =	vor.u32 v30, v28  }
0x1f1: {  	v28 =	vor.u32 v7, v28;
	_ =	sdelay $0x4  }
0x1f2: {  	[tilespmem:v28+s10+$0x0] =	vst.idx.msk vm5, v0  }
0x1f3: {  	v28 =	vld [tilespmem:s16+$0x60];
	_ =	sdelay $0x4  }
0x1f4: {  	v28 =	vmul.f32 v28, v23;
	_ =	sdelay $0x1  }
0x1f5: {  	v28 =	vtrunc.f32 v28  }
0x1f6: {  	v28 =	vcvt.f32.s32 v28;
	_ =	sdelay $0x1  }
0x1f7: {  	v42 =	vsub.s32 v28, v27  }
0x1f8: {  	v28 =	vshll.u32 v28, $0x7;
	v43 =	vshll.u32 v42, $0x8  }
0x1f9: {  	v28 =	vand.u32 $0x380, v28;
	v30 =	vand.u32 $0xFFFFF800, v43  }
0x1fa: {  	vm6 =	vlt.u32 v42, $0xC8;
	v28 =	vor.u32 v30, v28  }
0x1fb: {  	v28 =	vor.u32 v8, v28;
	_ =	sdelay $0x4  }
0x1fc: {  	[tilespmem:v28+s10+$0x0] =	vst.idx.msk vm6, v0  }
0x1fd: {  	v28 =	vld [tilespmem:s16+$0x70];
	_ =	sdelay $0x4  }
0x1fe: {  	v28 =	vmul.f32 v28, v23;
	_ =	sdelay $0x1  }
0x1ff: {  	v28 =	vtrunc.f32 v28  }
0x200: {  	v28 =	vcvt.f32.s32 v28;
	_ =	sdelay $0x1  }
0x201: {  	v44 =	vsub.s32 v28, v27  }
0x202: {  	v28 =	vshll.u32 v28, $0x7;
	v45 =	vshll.u32 v44, $0x8  }
0x203: {  	v28 =	vand.u32 $0x380, v28;
	v30 =	vand.u32 $0xFFFFF800, v45  }
0x204: {  	vm7 =	vlt.u32 v44, $0xC8;
	v28 =	vor.u32 v30, v28  }
0x205: {  	v28 =	vor.u32 v9, v28;
	_ =	sdelay $0x4  }
0x206: {  	[tilespmem:v28+s10+$0x0] =	vst.idx.msk vm7, v0  }
0x207: {  	v28 =	vld [tilespmem:s16+$0x400];
	_ =	sdelay $0x4  }
0x208: {  	v28 =	vmul.f32 v28, v23;
	_ =	sdelay $0x1  }
0x209: {  	v28 =	vtrunc.f32 v28  }
0x20a: {  	v28 =	vcvt.f32.s32 v28;
	_ =	sdelay $0x1  }
0x20b: {  	v46 =	vsub.s32 v28, v27  }
0x20c: {  	v28 =	vshll.u32 v28, $0x7;
	v47 =	vshll.u32 v46, $0x8  }
0x20d: {  	v28 =	vand.u32 $0x380, v28;
	v30 =	vand.u32 $0xFFFFF800, v47  }
0x20e: {  	vm8 =	vlt.u32 v46, $0xC8;
	v28 =	vor.u32 v30, v28  }
0x20f: {  	v28 =	vor.u32 v10, v28;
	_ =	sdelay $0x4  }
0x210: {  	[tilespmem:v28+s10+$0x0] =	vst.idx.msk vm8, v0  }
0x211: {  	v28 =	vld [tilespmem:s16+$0x410];
	_ =	sdelay $0x4  }
0x212: {  	v28 =	vmul.f32 v28, v23;
	_ =	sdelay $0x1  }
0x213: {  	v28 =	vtrunc.f32 v28  }
0x214: {  	v28 =	vcvt.f32.s32 v28;
	_ =	sdelay $0x1  }
0x215: {  	v48 =	vsub.s32 v28, v27  }
0x216: {  	v28 =	vshll.u32 v28, $0x7;
	v49 =	vshll.u32 v48, $0x8  }
0x217: {  	v28 =	vand.u32 $0x380, v28;
	v30 =	vand.u32 $0xFFFFF800, v49  }
0x218: {  	vm9 =	vlt.u32 v48, $0xC8;
	v28 =	vor.u32 v30, v28  }
0x219: {  	v28 =	vor.u32 v11, v28;
	_ =	sdelay $0x4  }
0x21a: {  	[tilespmem:v28+s10+$0x0] =	vst.idx.msk vm9, v0  }
0x21b: {  	v28 =	vld [tilespmem:s16+$0x420];
	_ =	sdelay $0x4  }
0x21c: {  	v28 =	vmul.f32 v28, v23;
	_ =	sdelay $0x1  }
0x21d: {  	v28 =	vtrunc.f32 v28  }
0x21e: {  	v28 =	vcvt.f32.s32 v28;
	_ =	sdelay $0x1  }
0x21f: {  	v50 =	vsub.s32 v28, v27  }
0x220: {  	v28 =	vshll.u32 v28, $0x7;
	v51 =	vshll.u32 v50, $0x8  }
0x221: {  	v28 =	vand.u32 $0x380, v28;
	v30 =	vand.u32 $0xFFFFF800, v51  }
0x222: {  	vm10 =	vlt.u32 v50, $0xC8;
	v28 =	vor.u32 v30, v28  }
0x223: {  	v28 =	vor.u32 v12, v28;
	_ =	sdelay $0x4  }
0x224: {  	[tilespmem:v28+s10+$0x0] =	vst.idx.msk vm10, v0  }
0x225: {  	v28 =	vld [tilespmem:s16+$0x430];
	_ =	sdelay $0x4  }
0x226: {  	v28 =	vmul.f32 v28, v23;
	_ =	sdelay $0x1  }
0x227: {  	v28 =	vtrunc.f32 v28  }
0x228: {  	v28 =	vcvt.f32.s32 v28;
	_ =	sdelay $0x1  }
0x229: {  	v52 =	vsub.s32 v28, v27  }
0x22a: {  	v28 =	vshll.u32 v28, $0x7;
	v53 =	vshll.u32 v52, $0x8  }
0x22b: {  	v28 =	vand.u32 $0x380, v28;
	v30 =	vand.u32 $0xFFFFF800, v53  }
0x22c: {  	vm11 =	vlt.u32 v52, $0xC8;
	v28 =	vor.u32 v30, v28  }
0x22d: {  	v28 =	vor.u32 v13, v28;
	_ =	sdelay $0x4  }
0x22e: {  	[tilespmem:v28+s10+$0x0] =	vst.idx.msk vm11, v0  }
0x22f: {  	v28 =	vld [tilespmem:s16+$0x440];
	_ =	sdelay $0x4  }
0x230: {  	v28 =	vmul.f32 v28, v23;
	_ =	sdelay $0x1  }
0x231: {  	v28 =	vtrunc.f32 v28  }
0x232: {  	v28 =	vcvt.f32.s32 v28;
	_ =	sdelay $0x1  }
0x233: {  	v54 =	vsub.s32 v28, v27  }
0x234: {  	v28 =	vshll.u32 v28, $0x7;
	v55 =	vshll.u32 v54, $0x8  }
0x235: {  	v28 =	vand.u32 $0x380, v28;
	v30 =	vand.u32 $0xFFFFF800, v55  }
0x236: {  	vm12 =	vlt.u32 v54, $0xC8;
	v28 =	vor.u32 v30, v28  }
0x237: {  	v28 =	vor.u32 v14, v28;
	_ =	sdelay $0x4  }
0x238: {  	[tilespmem:v28+s10+$0x0] =	vst.idx.msk vm12, v0  }
0x239: {  	v28 =	vld [tilespmem:s16+$0x450];
	_ =	sdelay $0x4  }
0x23a: {  	v28 =	vmul.f32 v28, v23;
	_ =	sdelay $0x1  }
0x23b: {  	v28 =	vtrunc.f32 v28  }
0x23c: {  	v28 =	vcvt.f32.s32 v28;
	_ =	sdelay $0x1  }
0x23d: {  	v56 =	vsub.s32 v28, v27  }
0x23e: {  	v28 =	vshll.u32 v28, $0x7;
	v57 =	vshll.u32 v56, $0x8  }
0x23f: {  	v28 =	vand.u32 $0x380, v28;
	v30 =	vand.u32 $0xFFFFF800, v57  }
0x240: {  	vm13 =	vlt.u32 v56, $0xC8;
	v28 =	vor.u32 v30, v28  }
0x241: {  	v28 =	vor.u32 v15, v28;
	_ =	sdelay $0x4  }
0x242: {  	[tilespmem:v28+s10+$0x0] =	vst.idx.msk vm13, v0  }
0x243: {  	v28 =	vld [tilespmem:s16+$0x460];
	_ =	sdelay $0x4  }
0x244: {  	v28 =	vmul.f32 v28, v23;
	_ =	sdelay $0x1  }
0x245: {  	v28 =	vtrunc.f32 v28  }
0x246: {  	v28 =	vcvt.f32.s32 v28;
	_ =	sdelay $0x1  }
0x247: {  	v58 =	vsub.s32 v28, v27  }
0x248: {  	v28 =	vshll.u32 v28, $0x7;
	v59 =	vshll.u32 v58, $0x8  }
0x249: {  	v28 =	vand.u32 $0x380, v28;
	v30 =	vand.u32 $0xFFFFF800, v59  }
0x24a: {  	vm14 =	vlt.u32 v58, $0xC8;
	v28 =	vor.u32 v30, v28  }
0x24b: {  	v28 =	vor.u32 v16, v28;
	_ =	sdelay $0x4  }
0x24c: {  	[tilespmem:v28+s10+$0x0] =	vst.idx.msk vm14, v0  }
0x24d: {  	v28 =	vld [tilespmem:s16+$0x470];
	_ =	sdelay $0x4  }
0x24e: {  	v28 =	vmul.f32 v28, v23;
	_ =	sdelay $0x1  }
0x24f: {  	v28 =	vtrunc.f32 v28  }
0x250: {  	v28 =	vcvt.f32.s32 v28;
	_ =	sdelay $0x1  }
0x251: {  	v27 =	vsub.s32 v28, v27  }
0x252: {  	v28 =	vshll.u32 v28, $0x7;
	v60 =	vshll.u32 v27, $0x8  }
0x253: {  	v28 =	vand.u32 $0x380, v28;
	v29 =	vand.u32 $0xFFFFF800, v60  }
0x254: {  	vm15 =	vlt.u32 v27, $0xC8;
	v27 =	vor.u32 v29, v28  }
0x255: {  	s29 =	sand.u32 $0xFE, s15;
	v27 =	vor.u32 v17, v27  }
0x256: {  	s16 =	smul.u32 $0xCD, s29;
	_ =	sdelay $0x1  }
0x257: {  	s30 =	sshrl.u32 s16, $0x2;
	s31 =	sshrl.u32 s16, $0x3  }
0x258: {  	s17 =	sand.u32 $0x800, s30;
	s18 =	sand.u32 $0x380, s31  }
0x259: {  	s18 =	sor.u32 s18, s17;
	[tilespmem:v27+s10+$0x0] =	vst.idx.msk vm15, v0  }
0x25a: {  	v27 =	vld [tilespmem:s18+$0x0];
	_ =	sdelay $0x1  }
0x25b: {  	s16 =	sshrl.u32 s16, $0xA  }
0x25c: {  	s19 =	smul.u32 $0x5, s16;
	_ =	sdelay $0x1  }
0x25d: {  	s17 =	ssub.s32 s15, s19;
	v27 =	vmul.f32 v27, v23  }
0x25e: {  	s17 =	sand.u32 $0xFF, s17  }
0x25f: {  	s19 =	smul.u32 $0xC8, s17;
	v27 =	vtrunc.f32 v27  }
0x260: {  	v61 =	vcvt.f32.s32 v27  }
0x261: {  	v27 =	vmov s19  }
0x262: {  	v62 =	vsub.s32 v61, v27  }
0x263: {  	v28 =	vshll.u32 v61, $0x7;
	v63 =	vshll.u32 v62, $0x8  }
0x264: {  	v28 =	vand.u32 $0x380, v28;
	v30 =	vand.u32 $0xFFFFF800, v63  }
0x265: {  	vm4 =	vlt.u32 v62, $0xC8;
	v28 =	vor.u32 v30, v28  }
0x266: {  	v28 =	vor.u32 v1, v28;
	_ =	sdelay $0x4  }
0x267: {  	[tilespmem:v28+s10+$0x0] =	vst.idx.msk vm4, v2  }
0x268: {  	v28 =	vld [tilespmem:s18+$0x10];
	_ =	sdelay $0x4  }
0x269: {  	v28 =	vmul.f32 v28, v23;
	_ =	sdelay $0x1  }
0x26a: {  	v28 =	vtrunc.f32 v28  }
0x26b: {  	v28 =	vcvt.f32.s32 v28;
	_ =	sdelay $0x1  }
0x26c: {  	v33 =	vsub.s32 v28, v27  }
0x26d: {  	v28 =	vshll.u32 v28, $0x7;
	v34 =	vshll.u32 v33, $0x8  }
0x26e: {  	v28 =	vand.u32 $0x380, v28;
	v30 =	vand.u32 $0xFFFFF800, v34  }
0x26f: {  	vm5 =	vlt.u32 v33, $0xC8;
	v28 =	vor.u32 v30, v28  }
0x270: {  	v28 =	vor.u32 v3, v28;
	_ =	sdelay $0x4  }
0x271: {  	[tilespmem:v28+s10+$0x0] =	vst.idx.msk vm5, v2  }
0x272: {  	v28 =	vld [tilespmem:s18+$0x20];
	_ =	sdelay $0x4  }
0x273: {  	v28 =	vmul.f32 v28, v23;
	_ =	sdelay $0x1  }
0x274: {  	v28 =	vtrunc.f32 v28  }
0x275: {  	v28 =	vcvt.f32.s32 v28;
	_ =	sdelay $0x1  }
0x276: {  	v35 =	vsub.s32 v28, v27  }
0x277: {  	v28 =	vshll.u32 v28, $0x7;
	v36 =	vshll.u32 v35, $0x8  }
0x278: {  	v28 =	vand.u32 $0x380, v28;
	v30 =	vand.u32 $0xFFFFF800, v36  }
0x279: {  	vm6 =	vlt.u32 v35, $0xC8;
	v28 =	vor.u32 v30, v28  }
0x27a: {  	v28 =	vor.u32 v4, v28;
	_ =	sdelay $0x4  }
0x27b: {  	[tilespmem:v28+s10+$0x0] =	vst.idx.msk vm6, v2  }
0x27c: {  	v28 =	vld [tilespmem:s18+$0x30];
	_ =	sdelay $0x4  }
0x27d: {  	v28 =	vmul.f32 v28, v23;
	_ =	sdelay $0x1  }
0x27e: {  	v28 =	vtrunc.f32 v28  }
0x27f: {  	v28 =	vcvt.f32.s32 v28;
	_ =	sdelay $0x1  }
0x280: {  	v37 =	vsub.s32 v28, v27  }
0x281: {  	v28 =	vshll.u32 v28, $0x7;
	v38 =	vshll.u32 v37, $0x8  }
0x282: {  	v28 =	vand.u32 $0x380, v28;
	v30 =	vand.u32 $0xFFFFF800, v38  }
0x283: {  	vm7 =	vlt.u32 v37, $0xC8;
	v28 =	vor.u32 v30, v28  }
0x284: {  	v28 =	vor.u32 v5, v28;
	_ =	sdelay $0x4  }
0x285: {  	[tilespmem:v28+s10+$0x0] =	vst.idx.msk vm7, v2  }
0x286: {  	v28 =	vld [tilespmem:s18+$0x40];
	_ =	sdelay $0x4  }
0x287: {  	v28 =	vmul.f32 v28, v23;
	_ =	sdelay $0x1  }
0x288: {  	v28 =	vtrunc.f32 v28  }
0x289: {  	v28 =	vcvt.f32.s32 v28;
	_ =	sdelay $0x1  }
0x28a: {  	v39 =	vsub.s32 v28, v27  }
0x28b: {  	v28 =	vshll.u32 v28, $0x7;
	v40 =	vshll.u32 v39, $0x8  }
0x28c: {  	v28 =	vand.u32 $0x380, v28;
	v30 =	vand.u32 $0xFFFFF800, v40  }
0x28d: {  	vm8 =	vlt.u32 v39, $0xC8;
	v28 =	vor.u32 v30, v28  }
0x28e: {  	v28 =	vor.u32 v6, v28;
	_ =	sdelay $0x4  }
0x28f: {  	[tilespmem:v28+s10+$0x0] =	vst.idx.msk vm8, v2  }
0x290: {  	v28 =	vld [tilespmem:s18+$0x50];
	_ =	sdelay $0x4  }
0x291: {  	v28 =	vmul.f32 v28, v23;
	_ =	sdelay $0x1  }
0x292: {  	v28 =	vtrunc.f32 v28  }
0x293: {  	v28 =	vcvt.f32.s32 v28;
	_ =	sdelay $0x1  }
0x294: {  	v41 =	vsub.s32 v28, v27  }
0x295: {  	v28 =	vshll.u32 v28, $0x7;
	v42 =	vshll.u32 v41, $0x8  }
0x296: {  	v28 =	vand.u32 $0x380, v28;
	v30 =	vand.u32 $0xFFFFF800, v42  }
0x297: {  	vm9 =	vlt.u32 v41, $0xC8;
	v28 =	vor.u32 v30, v28  }
0x298: {  	v28 =	vor.u32 v7, v28;
	_ =	sdelay $0x4  }
0x299: {  	[tilespmem:v28+s10+$0x0] =	vst.idx.msk vm9, v2  }
0x29a: {  	v28 =	vld [tilespmem:s18+$0x60];
	_ =	sdelay $0x4  }
0x29b: {  	v28 =	vmul.f32 v28, v23;
	_ =	sdelay $0x1  }
0x29c: {  	v28 =	vtrunc.f32 v28  }
0x29d: {  	v28 =	vcvt.f32.s32 v28;
	_ =	sdelay $0x1  }
0x29e: {  	v43 =	vsub.s32 v28, v27  }
0x29f: {  	v28 =	vshll.u32 v28, $0x7;
	v44 =	vshll.u32 v43, $0x8  }
0x2a0: {  	v28 =	vand.u32 $0x380, v28;
	v30 =	vand.u32 $0xFFFFF800, v44  }
0x2a1: {  	vm10 =	vlt.u32 v43, $0xC8;
	v28 =	vor.u32 v30, v28  }
0x2a2: {  	v28 =	vor.u32 v8, v28;
	_ =	sdelay $0x4  }
0x2a3: {  	[tilespmem:v28+s10+$0x0] =	vst.idx.msk vm10, v2  }
0x2a4: {  	v28 =	vld [tilespmem:s18+$0x70];
	_ =	sdelay $0x4  }
0x2a5: {  	v28 =	vmul.f32 v28, v23;
	_ =	sdelay $0x1  }
0x2a6: {  	v28 =	vtrunc.f32 v28  }
0x2a7: {  	v28 =	vcvt.f32.s32 v28;
	_ =	sdelay $0x1  }
0x2a8: {  	v45 =	vsub.s32 v28, v27  }
0x2a9: {  	v28 =	vshll.u32 v28, $0x7;
	v46 =	vshll.u32 v45, $0x8  }
0x2aa: {  	v28 =	vand.u32 $0x380, v28;
	v30 =	vand.u32 $0xFFFFF800, v46  }
0x2ab: {  	vm11 =	vlt.u32 v45, $0xC8;
	v28 =	vor.u32 v30, v28  }
0x2ac: {  	v28 =	vor.u32 v9, v28;
	_ =	sdelay $0x4  }
0x2ad: {  	[tilespmem:v28+s10+$0x0] =	vst.idx.msk vm11, v2  }
0x2ae: {  	v28 =	vld [tilespmem:s18+$0x400];
	_ =	sdelay $0x4  }
0x2af: {  	v28 =	vmul.f32 v28, v23;
	_ =	sdelay $0x1  }
0x2b0: {  	v28 =	vtrunc.f32 v28  }
0x2b1: {  	v28 =	vcvt.f32.s32 v28;
	_ =	sdelay $0x1  }
0x2b2: {  	v47 =	vsub.s32 v28, v27  }
0x2b3: {  	v28 =	vshll.u32 v28, $0x7;
	v48 =	vshll.u32 v47, $0x8  }
0x2b4: {  	v28 =	vand.u32 $0x380, v28;
	v30 =	vand.u32 $0xFFFFF800, v48  }
0x2b5: {  	vm12 =	vlt.u32 v47, $0xC8;
	v28 =	vor.u32 v30, v28  }
0x2b6: {  	v28 =	vor.u32 v10, v28;
	_ =	sdelay $0x4  }
0x2b7: {  	[tilespmem:v28+s10+$0x0] =	vst.idx.msk vm12, v2  }
0x2b8: {  	v28 =	vld [tilespmem:s18+$0x410];
	_ =	sdelay $0x4  }
0x2b9: {  	v28 =	vmul.f32 v28, v23;
	_ =	sdelay $0x1  }
0x2ba: {  	v28 =	vtrunc.f32 v28  }
0x2bb: {  	v28 =	vcvt.f32.s32 v28;
	_ =	sdelay $0x1  }
0x2bc: {  	v49 =	vsub.s32 v28, v27  }
0x2bd: {  	v28 =	vshll.u32 v28, $0x7;
	v50 =	vshll.u32 v49, $0x8  }
0x2be: {  	v28 =	vand.u32 $0x380, v28;
	v30 =	vand.u32 $0xFFFFF800, v50  }
0x2bf: {  	vm13 =	vlt.u32 v49, $0xC8;
	v28 =	vor.u32 v30, v28  }
0x2c0: {  	v28 =	vor.u32 v11, v28;
	_ =	sdelay $0x4  }
0x2c1: {  	[tilespmem:v28+s10+$0x0] =	vst.idx.msk vm13, v2  }
0x2c2: {  	v28 =	vld [tilespmem:s18+$0x420];
	_ =	sdelay $0x4  }
0x2c3: {  	v28 =	vmul.f32 v28, v23;
	_ =	sdelay $0x1  }
0x2c4: {  	v28 =	vtrunc.f32 v28  }
0x2c5: {  	v28 =	vcvt.f32.s32 v28;
	_ =	sdelay $0x1  }
0x2c6: {  	v51 =	vsub.s32 v28, v27  }
0x2c7: {  	v28 =	vshll.u32 v28, $0x7;
	v52 =	vshll.u32 v51, $0x8  }
0x2c8: {  	v28 =	vand.u32 $0x380, v28;
	v30 =	vand.u32 $0xFFFFF800, v52  }
0x2c9: {  	vm14 =	vlt.u32 v51, $0xC8;
	v28 =	vor.u32 v30, v28  }
0x2ca: {  	v28 =	vor.u32 v12, v28;
	_ =	sdelay $0x4  }
0x2cb: {  	[tilespmem:v28+s10+$0x0] =	vst.idx.msk vm14, v2  }
0x2cc: {  	v28 =	vld [tilespmem:s18+$0x430];
	_ =	sdelay $0x4  }
0x2cd: {  	v28 =	vmul.f32 v28, v23;
	_ =	sdelay $0x1  }
0x2ce: {  	v28 =	vtrunc.f32 v28  }
0x2cf: {  	v28 =	vcvt.f32.s32 v28;
	_ =	sdelay $0x1  }
0x2d0: {  	v53 =	vsub.s32 v28, v27  }
0x2d1: {  	v28 =	vshll.u32 v28, $0x7;
	v54 =	vshll.u32 v53, $0x8  }
0x2d2: {  	v28 =	vand.u32 $0x380, v28;
	v30 =	vand.u32 $0xFFFFF800, v54  }
0x2d3: {  	vm15 =	vlt.u32 v53, $0xC8;
	v28 =	vor.u32 v30, v28  }
0x2d4: {  	v28 =	vor.u32 v13, v28;
	_ =	sdelay $0x4  }
0x2d5: {  	[tilespmem:v28+s10+$0x0] =	vst.idx.msk vm15, v2  }
0x2d6: {  	v28 =	vld [tilespmem:s18+$0x440];
	_ =	sdelay $0x4  }
0x2d7: {  	v28 =	vmul.f32 v28, v23;
	_ =	sdelay $0x1  }
0x2d8: {  	v28 =	vtrunc.f32 v28  }
0x2d9: {  	v28 =	vcvt.f32.s32 v28;
	_ =	sdelay $0x1  }
0x2da: {  	v55 =	vsub.s32 v28, v27  }
0x2db: {  	v28 =	vshll.u32 v28, $0x7;
	v56 =	vshll.u32 v55, $0x8  }
0x2dc: {  	v28 =	vand.u32 $0x380, v28;
	v30 =	vand.u32 $0xFFFFF800, v56  }
0x2dd: {  	vm4 =	vlt.u32 v55, $0xC8;
	v28 =	vor.u32 v30, v28  }
0x2de: {  	v28 =	vor.u32 v14, v28;
	_ =	sdelay $0x4  }
0x2df: {  	[tilespmem:v28+s10+$0x0] =	vst.idx.msk vm4, v2  }
0x2e0: {  	v28 =	vld [tilespmem:s18+$0x450];
	_ =	sdelay $0x4  }
0x2e1: {  	v28 =	vmul.f32 v28, v23;
	_ =	sdelay $0x1  }
0x2e2: {  	v28 =	vtrunc.f32 v28  }
0x2e3: {  	v28 =	vcvt.f32.s32 v28;
	_ =	sdelay $0x1  }
0x2e4: {  	v57 =	vsub.s32 v28, v27  }
0x2e5: {  	v28 =	vshll.u32 v28, $0x7;
	v58 =	vshll.u32 v57, $0x8  }
0x2e6: {  	v28 =	vand.u32 $0x380, v28;
	v30 =	vand.u32 $0xFFFFF800, v58  }
0x2e7: {  	vm5 =	vlt.u32 v57, $0xC8;
	v28 =	vor.u32 v30, v28  }
0x2e8: {  	v28 =	vor.u32 v15, v28;
	_ =	sdelay $0x4  }
0x2e9: {  	[tilespmem:v28+s10+$0x0] =	vst.idx.msk vm5, v2  }
0x2ea: {  	v28 =	vld [tilespmem:s18+$0x460];
	_ =	sdelay $0x4  }
0x2eb: {  	v28 =	vmul.f32 v28, v23;
	_ =	sdelay $0x1  }
0x2ec: {  	v28 =	vtrunc.f32 v28  }
0x2ed: {  	v28 =	vcvt.f32.s32 v28;
	_ =	sdelay $0x1  }
0x2ee: {  	v59 =	vsub.s32 v28, v27  }
0x2ef: {  	v28 =	vshll.u32 v28, $0x7;
	v60 =	vshll.u32 v59, $0x8  }
0x2f0: {  	v28 =	vand.u32 $0x380, v28;
	v30 =	vand.u32 $0xFFFFF800, v60  }
0x2f1: {  	vm6 =	vlt.u32 v59, $0xC8;
	v28 =	vor.u32 v30, v28  }
0x2f2: {  	v28 =	vor.u32 v16, v28;
	_ =	sdelay $0x4  }
0x2f3: {  	[tilespmem:v28+s10+$0x0] =	vst.idx.msk vm6, v2  }
0x2f4: {  	v28 =	vld [tilespmem:s18+$0x470];
	_ =	sdelay $0x4  }
0x2f5: {  	v28 =	vmul.f32 v28, v23;
	_ =	sdelay $0x1  }
0x2f6: {  	v28 =	vtrunc.f32 v28  }
0x2f7: {  	v28 =	vcvt.f32.s32 v28;
	_ =	sdelay $0x1  }
0x2f8: {  	v27 =	vsub.s32 v28, v27  }
0x2f9: {  	s16 =	sadd.s32 s16, s4;
	v28 =	vshll.u32 v28, $0x7;
	v61 =	vshll.u32 v27, $0x8  }
0x2fa: {  	s16 =	smul.u32 $0x3E800, s16;
	v28 =	vand.u32 $0x380, v28;
	v29 =	vand.u32 $0xFFFFF800, v61  }
0x2fb: {  	s20 =	sadd.s32 $0xFFFFFFFF, s15;
	s17 =	smul.u32 $0xC800, s17;
	vm7 =	vlt.u32 v27, $0xC8;
	v27 =	vor.u32 v29, v28  }
0x2fc: {  	s22 =	sshll.u32 s20, $0x18;
	v27 =	vor.u32 v17, v27  }
0x2fd: {  	s21 =	sadd.s32 s17, s16;
	s16 =	sshra.s32 s22, $0x18  }
0x2fe: {  	s16 =	smul.u32 $0x67, s16;
	_ =	sdelay $0x1  }
0x2ff: {  	s15 =	sshrl.u32 s21, $0x3;
	s23 =	sshrl.u32 s16, $0x1F;
	s16 =	sshra.s32 s16, $0x9  }
0x300: {  	s15 =	sadd.s32 s1, s15;
	s16 =	sadd.s32 s23, s16;
	[tilespmem:v27+s10+$0x0] =	vst.idx.msk vm7, v2  }
0x301: {  	[hbm4b:s15+s2] =	stream.linear.scatter [tilespmem:s10], [sflag:$0x1], $0xC800, $0x38;
	[tilespmem:$0x19800] =	vst v63  }
0x302: {  	s24 =	sshll.u32 s16, $0x7;
	s15 =	sshll.u32 s16, $0x8;
	_ =	swait.ge [sflag:s12], $0xC800  }
0x303: {  	s17 =	sand.u32 $0x380, s24;
	s15 =	sand.u32 $0x7FFFF800, s15;
	[sflag:s12] =	ssyncset.done $0x0  }
0x304: {  	s15 =	sor.u32 s17, s15;
	[sflag:s12] =	ssyncadd.s32 $0xFFFF3800  }
0x305: {  	s16 =	smul.u32 $0xFFFFFFFB, s16;
	v27 =	vld [tilespmem:s15+$0x0];
	_ =	sdelay $0x1  }
0x306: {  	s16 =	sadd.s32 s20, s16  }
0x307: {  	s16 =	sshll.u32 s16, $0x18  }
0x308: {  	s16 =	sshra.s32 s16, $0x18  }
0x309: {  	p0 =	slt.s32 s16, $0x0;
	s17 =	sadd.s32 $0x5, s16;
	v27 =	vmul.f32 v27, v23  }
0x30a: {  	s16 =	smov.u32 @p0 s17  }
0x30b: {  	s16 =	smul.u32 $0xC8, s16;
	v27 =	vtrunc.f32 v27  }
0x30c: {  	v62 =	vcvt.f32.s32 v27  }
0x30d: {  	v27 =	vmov s16  }
0x30e: {  	v63 =	vsub.s32 v62, v27  }
0x30f: {  	v28 =	vshll.u32 v62, $0x7;
	v33 =	vshll.u32 v63, $0x8  }
0x310: {  	v28 =	vand.u32 $0x380, v28;
	v30 =	vand.u32 $0xFFFFF800, v33  }
0x311: {  	vm8 =	vlt.u32 v63, $0xC8;
	v28 =	vor.u32 v30, v28  }
0x312: {  	v28 =	vor.u32 v1, v28;
	_ =	sdelay $0x4  }
0x313: {  	[tilespmem:v28+s11+$0x0] =	vst.idx.msk vm8, v0  }
0x314: {  	v28 =	vld [tilespmem:s15+$0x10];
	_ =	sdelay $0x4  }
0x315: {  	v28 =	vmul.f32 v28, v23;
	_ =	sdelay $0x1  }
0x316: {  	v28 =	vtrunc.f32 v28  }
0x317: {  	v28 =	vcvt.f32.s32 v28;
	_ =	sdelay $0x1  }
0x318: {  	v34 =	vsub.s32 v28, v27  }
0x319: {  	v28 =	vshll.u32 v28, $0x7;
	v35 =	vshll.u32 v34, $0x8  }
0x31a: {  	v28 =	vand.u32 $0x380, v28;
	v30 =	vand.u32 $0xFFFFF800, v35  }
0x31b: {  	vm9 =	vlt.u32 v34, $0xC8;
	v28 =	vor.u32 v30, v28  }
0x31c: {  	v28 =	vor.u32 v3, v28;
	_ =	sdelay $0x4  }
0x31d: {  	[tilespmem:v28+s11+$0x0] =	vst.idx.msk vm9, v0  }
0x31e: {  	v28 =	vld [tilespmem:s15+$0x20];
	_ =	sdelay $0x4  }
0x31f: {  	v28 =	vmul.f32 v28, v23;
	_ =	sdelay $0x1  }
0x320: {  	v28 =	vtrunc.f32 v28  }
0x321: {  	v28 =	vcvt.f32.s32 v28;
	_ =	sdelay $0x1  }
0x322: {  	v36 =	vsub.s32 v28, v27  }
0x323: {  	v28 =	vshll.u32 v28, $0x7;
	v37 =	vshll.u32 v36, $0x8  }
0x324: {  	v28 =	vand.u32 $0x380, v28;
	v30 =	vand.u32 $0xFFFFF800, v37  }
0x325: {  	vm10 =	vlt.u32 v36, $0xC8;
	v28 =	vor.u32 v30, v28  }
0x326: {  	v28 =	vor.u32 v4, v28;
	_ =	sdelay $0x4  }
0x327: {  	[tilespmem:v28+s11+$0x0] =	vst.idx.msk vm10, v0  }
0x328: {  	v28 =	vld [tilespmem:s15+$0x30];
	_ =	sdelay $0x4  }
0x329: {  	v28 =	vmul.f32 v28, v23;
	_ =	sdelay $0x1  }
0x32a: {  	v28 =	vtrunc.f32 v28  }
0x32b: {  	v28 =	vcvt.f32.s32 v28;
	_ =	sdelay $0x1  }
0x32c: {  	v38 =	vsub.s32 v28, v27  }
0x32d: {  	v28 =	vshll.u32 v28, $0x7;
	v39 =	vshll.u32 v38, $0x8  }
0x32e: {  	v28 =	vand.u32 $0x380, v28;
	v30 =	vand.u32 $0xFFFFF800, v39  }
0x32f: {  	vm11 =	vlt.u32 v38, $0xC8;
	v28 =	vor.u32 v30, v28  }
0x330: {  	v28 =	vor.u32 v5, v28;
	_ =	sdelay $0x4  }
0x331: {  	[tilespmem:v28+s11+$0x0] =	vst.idx.msk vm11, v0  }
0x332: {  	v28 =	vld [tilespmem:s15+$0x40];
	_ =	sdelay $0x4  }
0x333: {  	v28 =	vmul.f32 v28, v23;
	_ =	sdelay $0x1  }
0x334: {  	v28 =	vtrunc.f32 v28  }
0x335: {  	v28 =	vcvt.f32.s32 v28;
	_ =	sdelay $0x1  }
0x336: {  	v40 =	vsub.s32 v28, v27  }
0x337: {  	v28 =	vshll.u32 v28, $0x7;
	v41 =	vshll.u32 v40, $0x8  }
0x338: {  	v28 =	vand.u32 $0x380, v28;
	v30 =	vand.u32 $0xFFFFF800, v41  }
0x339: {  	vm12 =	vlt.u32 v40, $0xC8;
	v28 =	vor.u32 v30, v28  }
0x33a: {  	v28 =	vor.u32 v6, v28;
	_ =	sdelay $0x4  }
0x33b: {  	[tilespmem:v28+s11+$0x0] =	vst.idx.msk vm12, v0  }
0x33c: {  	v28 =	vld [tilespmem:s15+$0x50];
	_ =	sdelay $0x4  }
0x33d: {  	v28 =	vmul.f32 v28, v23;
	_ =	sdelay $0x1  }
0x33e: {  	v28 =	vtrunc.f32 v28  }
0x33f: {  	v28 =	vcvt.f32.s32 v28;
	_ =	sdelay $0x1  }
0x340: {  	v42 =	vsub.s32 v28, v27  }
0x341: {  	v28 =	vshll.u32 v28, $0x7;
	v43 =	vshll.u32 v42, $0x8  }
0x342: {  	v28 =	vand.u32 $0x380, v28;
	v30 =	vand.u32 $0xFFFFF800, v43  }
0x343: {  	vm13 =	vlt.u32 v42, $0xC8;
	v28 =	vor.u32 v30, v28  }
0x344: {  	v28 =	vor.u32 v7, v28;
	_ =	sdelay $0x4  }
0x345: {  	[tilespmem:v28+s11+$0x0] =	vst.idx.msk vm13, v0  }
0x346: {  	v28 =	vld [tilespmem:s15+$0x60];
	_ =	sdelay $0x4  }
0x347: {  	v28 =	vmul.f32 v28, v23;
	_ =	sdelay $0x1  }
0x348: {  	v28 =	vtrunc.f32 v28  }
0x349: {  	v28 =	vcvt.f32.s32 v28;
	_ =	sdelay $0x1  }
0x34a: {  	v44 =	vsub.s32 v28, v27  }
0x34b: {  	v28 =	vshll.u32 v28, $0x7;
	v45 =	vshll.u32 v44, $0x8  }
0x34c: {  	v28 =	vand.u32 $0x380, v28;
	v30 =	vand.u32 $0xFFFFF800, v45  }
0x34d: {  	vm14 =	vlt.u32 v44, $0xC8;
	v28 =	vor.u32 v30, v28  }
0x34e: {  	v28 =	vor.u32 v8, v28;
	_ =	sdelay $0x4  }
0x34f: {  	[tilespmem:v28+s11+$0x0] =	vst.idx.msk vm14, v0  }
0x350: {  	v28 =	vld [tilespmem:s15+$0x70];
	_ =	sdelay $0x4  }
0x351: {  	v28 =	vmul.f32 v28, v23;
	_ =	sdelay $0x1  }
0x352: {  	v28 =	vtrunc.f32 v28  }
0x353: {  	v28 =	vcvt.f32.s32 v28;
	_ =	sdelay $0x1  }
0x354: {  	v46 =	vsub.s32 v28, v27  }
0x355: {  	v28 =	vshll.u32 v28, $0x7;
	v47 =	vshll.u32 v46, $0x8  }
0x356: {  	v28 =	vand.u32 $0x380, v28;
	v30 =	vand.u32 $0xFFFFF800, v47  }
0x357: {  	vm15 =	vlt.u32 v46, $0xC8;
	v28 =	vor.u32 v30, v28  }
0x358: {  	v28 =	vor.u32 v9, v28;
	_ =	sdelay $0x4  }
0x359: {  	[tilespmem:v28+s11+$0x0] =	vst.idx.msk vm15, v0  }
0x35a: {  	v28 =	vld [tilespmem:s15+$0x400];
	_ =	sdelay $0x4  }
0x35b: {  	v28 =	vmul.f32 v28, v23;
	_ =	sdelay $0x1  }
0x35c: {  	v28 =	vtrunc.f32 v28  }
0x35d: {  	v28 =	vcvt.f32.s32 v28;
	_ =	sdelay $0x1  }
0x35e: {  	v48 =	vsub.s32 v28, v27  }
0x35f: {  	v28 =	vshll.u32 v28, $0x7;
	v49 =	vshll.u32 v48, $0x8  }
0x360: {  	v28 =	vand.u32 $0x380, v28;
	v30 =	vand.u32 $0xFFFFF800, v49  }
0x361: {  	vm4 =	vlt.u32 v48, $0xC8;
	v28 =	vor.u32 v30, v28  }
0x362: {  	v28 =	vor.u32 v10, v28;
	_ =	sdelay $0x4  }
0x363: {  	[tilespmem:v28+s11+$0x0] =	vst.idx.msk vm4, v0  }
0x364: {  	v28 =	vld [tilespmem:s15+$0x410];
	_ =	sdelay $0x4  }
0x365: {  	v28 =	vmul.f32 v28, v23;
	_ =	sdelay $0x1  }
0x366: {  	v28 =	vtrunc.f32 v28  }
0x367: {  	v28 =	vcvt.f32.s32 v28;
	_ =	sdelay $0x1  }
0x368: {  	v50 =	vsub.s32 v28, v27  }
0x369: {  	v28 =	vshll.u32 v28, $0x7;
	v51 =	vshll.u32 v50, $0x8  }
0x36a: {  	v28 =	vand.u32 $0x380, v28;
	v30 =	vand.u32 $0xFFFFF800, v51  }
0x36b: {  	vm5 =	vlt.u32 v50, $0xC8;
	v28 =	vor.u32 v30, v28  }
0x36c: {  	v28 =	vor.u32 v11, v28;
	_ =	sdelay $0x4  }
0x36d: {  	[tilespmem:v28+s11+$0x0] =	vst.idx.msk vm5, v0  }
0x36e: {  	v28 =	vld [tilespmem:s15+$0x420];
	_ =	sdelay $0x4  }
0x36f: {  	v28 =	vmul.f32 v28, v23;
	_ =	sdelay $0x1  }
0x370: {  	v28 =	vtrunc.f32 v28  }
0x371: {  	v28 =	vcvt.f32.s32 v28;
	_ =	sdelay $0x1  }
0x372: {  	v52 =	vsub.s32 v28, v27  }
0x373: {  	v28 =	vshll.u32 v28, $0x7;
	v53 =	vshll.u32 v52, $0x8  }
0x374: {  	v28 =	vand.u32 $0x380, v28;
	v30 =	vand.u32 $0xFFFFF800, v53  }
0x375: {  	vm6 =	vlt.u32 v52, $0xC8;
	v28 =	vor.u32 v30, v28  }
0x376: {  	v28 =	vor.u32 v12, v28;
	_ =	sdelay $0x4  }
0x377: {  	[tilespmem:v28+s11+$0x0] =	vst.idx.msk vm6, v0  }
0x378: {  	v28 =	vld [tilespmem:s15+$0x430];
	_ =	sdelay $0x4  }
0x379: {  	v28 =	vmul.f32 v28, v23;
	_ =	sdelay $0x1  }
0x37a: {  	v28 =	vtrunc.f32 v28  }
0x37b: {  	v28 =	vcvt.f32.s32 v28;
	_ =	sdelay $0x1  }
0x37c: {  	v54 =	vsub.s32 v28, v27  }
0x37d: {  	v28 =	vshll.u32 v28, $0x7;
	v55 =	vshll.u32 v54, $0x8  }
0x37e: {  	v28 =	vand.u32 $0x380, v28;
	v30 =	vand.u32 $0xFFFFF800, v55  }
0x37f: {  	vm7 =	vlt.u32 v54, $0xC8;
	v28 =	vor.u32 v30, v28  }
0x380: {  	v28 =	vor.u32 v13, v28;
	_ =	sdelay $0x4  }
0x381: {  	[tilespmem:v28+s11+$0x0] =	vst.idx.msk vm7, v0  }
0x382: {  	v28 =	vld [tilespmem:s15+$0x440];
	_ =	sdelay $0x4  }
0x383: {  	v28 =	vmul.f32 v28, v23;
	_ =	sdelay $0x1  }
0x384: {  	v28 =	vtrunc.f32 v28  }
0x385: {  	v28 =	vcvt.f32.s32 v28;
	_ =	sdelay $0x1  }
0x386: {  	v56 =	vsub.s32 v28, v27  }
0x387: {  	v28 =	vshll.u32 v28, $0x7;
	v57 =	vshll.u32 v56, $0x8  }
0x388: {  	v28 =	vand.u32 $0x380, v28;
	v30 =	vand.u32 $0xFFFFF800, v57  }
0x389: {  	vm8 =	vlt.u32 v56, $0xC8;
	v28 =	vor.u32 v30, v28  }
0x38a: {  	v28 =	vor.u32 v14, v28;
	_ =	sdelay $0x4  }
0x38b: {  	[tilespmem:v28+s11+$0x0] =	vst.idx.msk vm8, v0  }
0x38c: {  	v28 =	vld [tilespmem:s15+$0x450];
	_ =	sdelay $0x4  }
0x38d: {  	v28 =	vmul.f32 v28, v23;
	_ =	sdelay $0x1  }
0x38e: {  	v28 =	vtrunc.f32 v28  }
0x38f: {  	v28 =	vcvt.f32.s32 v28;
	_ =	sdelay $0x1  }
0x390: {  	v58 =	vsub.s32 v28, v27  }
0x391: {  	v28 =	vshll.u32 v28, $0x7;
	v59 =	vshll.u32 v58, $0x8  }
0x392: {  	v28 =	vand.u32 $0x380, v28;
	v30 =	vand.u32 $0xFFFFF800, v59  }
0x393: {  	vm9 =	vlt.u32 v58, $0xC8;
	v28 =	vor.u32 v30, v28  }
0x394: {  	v28 =	vor.u32 v15, v28;
	_ =	sdelay $0x4  }
0x395: {  	[tilespmem:v28+s11+$0x0] =	vst.idx.msk vm9, v0  }
0x396: {  	v28 =	vld [tilespmem:s15+$0x460];
	_ =	sdelay $0x4  }
0x397: {  	v28 =	vmul.f32 v28, v23;
	_ =	sdelay $0x1  }
0x398: {  	v28 =	vtrunc.f32 v28  }
0x399: {  	v28 =	vcvt.f32.s32 v28;
	_ =	sdelay $0x1  }
0x39a: {  	v60 =	vsub.s32 v28, v27  }
0x39b: {  	v28 =	vshll.u32 v28, $0x7;
	v61 =	vshll.u32 v60, $0x8  }
0x39c: {  	v28 =	vand.u32 $0x380, v28;
	v30 =	vand.u32 $0xFFFFF800, v61  }
0x39d: {  	vm10 =	vlt.u32 v60, $0xC8;
	v28 =	vor.u32 v30, v28  }
0x39e: {  	v28 =	vor.u32 v16, v28;
	_ =	sdelay $0x4  }
0x39f: {  	[tilespmem:v28+s11+$0x0] =	vst.idx.msk vm10, v0  }
0x3a0: {  	v28 =	vld [tilespmem:s15+$0x470];
	_ =	sdelay $0x4  }
0x3a1: {  	v28 =	vmul.f32 v28, v23;
	_ =	sdelay $0x1  }
0x3a2: {  	v28 =	vtrunc.f32 v28  }
0x3a3: {  	v28 =	vcvt.f32.s32 v28;
	_ =	sdelay $0x1  }
0x3a4: {  	v27 =	vsub.s32 v28, v27  }
0x3a5: {  	v28 =	vshll.u32 v28, $0x7;
	v62 =	vshll.u32 v27, $0x8  }
0x3a6: {  	v28 =	vand.u32 $0x380, v28;
	v29 =	vand.u32 $0xFFFFF800, v62  }
0x3a7: {  	s25 =	sshllo.u32 s14, $0x1;
	vm11 =	vlt.u32 v27, $0xC8;
	v27 =	vor.u32 v29, v28  }
0x3a8: {  	s26 =	sand.u32 $0xFF, s25;
	v27 =	vor.u32 v17, v27  }
0x3a9: {  	s15 =	smul.u32 $0xCD, s26;
	_ =	sdelay $0x1  }
0x3aa: {  	s28 =	sshrl.u32 s15, $0x2;
	s29 =	sshrl.u32 s15, $0x3  }
0x3ab: {  	s17 =	sand.u32 $0x800, s28;
	s18 =	sand.u32 $0x380, s29  }
0x3ac: {  	s17 =	sor.u32 s18, s17;
	[tilespmem:v27+s11+$0x0] =	vst.idx.msk vm11, v0  }
0x3ad: {  	v27 =	vld [tilespmem:s17+$0x0];
	_ =	sdelay $0x1  }
0x3ae: {  	s15 =	sshrl.u32 s15, $0xA  }
0x3af: {  	s30 =	smul.u32 $0x5, s15;
	_ =	sdelay $0x1  }
0x3b0: {  	s16 =	ssub.s32 s25, s30;
	v27 =	vmul.f32 v27, v23  }
0x3b1: {  	s16 =	sand.u32 $0xFF, s16  }
0x3b2: {  	s31 =	smul.u32 $0xC8, s16;
	v27 =	vtrunc.f32 v27  }
0x3b3: {  	v63 =	vcvt.f32.s32 v27  }
0x3b4: {  	v27 =	vmov s31  }
0x3b5: {  	v33 =	vsub.s32 v63, v27  }
0x3b6: {  	v28 =	vshll.u32 v63, $0x7;
	v34 =	vshll.u32 v33, $0x8  }
0x3b7: {  	v28 =	vand.u32 $0x380, v28;
	v30 =	vand.u32 $0xFFFFF800, v34  }
0x3b8: {  	vm12 =	vlt.u32 v33, $0xC8;
	v28 =	vor.u32 v30, v28  }
0x3b9: {  	v28 =	vor.u32 v1, v28;
	_ =	sdelay $0x4  }
0x3ba: {  	[tilespmem:v28+s11+$0x0] =	vst.idx.msk vm12, v2  }
0x3bb: {  	v28 =	vld [tilespmem:s17+$0x10];
	_ =	sdelay $0x4  }
0x3bc: {  	v28 =	vmul.f32 v28, v23;
	_ =	sdelay $0x1  }
0x3bd: {  	v28 =	vtrunc.f32 v28  }
0x3be: {  	v28 =	vcvt.f32.s32 v28;
	_ =	sdelay $0x1  }
0x3bf: {  	v35 =	vsub.s32 v28, v27  }
0x3c0: {  	v28 =	vshll.u32 v28, $0x7;
	v36 =	vshll.u32 v35, $0x8  }
0x3c1: {  	v28 =	vand.u32 $0x380, v28;
	v30 =	vand.u32 $0xFFFFF800, v36  }
0x3c2: {  	vm13 =	vlt.u32 v35, $0xC8;
	v28 =	vor.u32 v30, v28  }
0x3c3: {  	v28 =	vor.u32 v3, v28;
	_ =	sdelay $0x4  }
0x3c4: {  	[tilespmem:v28+s11+$0x0] =	vst.idx.msk vm13, v2  }
0x3c5: {  	v28 =	vld [tilespmem:s17+$0x20];
	_ =	sdelay $0x4  }
0x3c6: {  	v28 =	vmul.f32 v28, v23;
	_ =	sdelay $0x1  }
0x3c7: {  	v28 =	vtrunc.f32 v28  }
0x3c8: {  	v28 =	vcvt.f32.s32 v28;
	_ =	sdelay $0x1  }
0x3c9: {  	v37 =	vsub.s32 v28, v27  }
0x3ca: {  	v28 =	vshll.u32 v28, $0x7;
	v38 =	vshll.u32 v37, $0x8  }
0x3cb: {  	v28 =	vand.u32 $0x380, v28;
	v30 =	vand.u32 $0xFFFFF800, v38  }
0x3cc: {  	vm14 =	vlt.u32 v37, $0xC8;
	v28 =	vor.u32 v30, v28  }
0x3cd: {  	v28 =	vor.u32 v4, v28;
	_ =	sdelay $0x4  }
0x3ce: {  	[tilespmem:v28+s11+$0x0] =	vst.idx.msk vm14, v2  }
0x3cf: {  	v28 =	vld [tilespmem:s17+$0x30];
	_ =	sdelay $0x4  }
0x3d0: {  	v28 =	vmul.f32 v28, v23;
	_ =	sdelay $0x1  }
0x3d1: {  	v28 =	vtrunc.f32 v28  }
0x3d2: {  	v28 =	vcvt.f32.s32 v28;
	_ =	sdelay $0x1  }
0x3d3: {  	v39 =	vsub.s32 v28, v27  }
0x3d4: {  	v28 =	vshll.u32 v28, $0x7;
	v40 =	vshll.u32 v39, $0x8  }
0x3d5: {  	v28 =	vand.u32 $0x380, v28;
	v30 =	vand.u32 $0xFFFFF800, v40  }
0x3d6: {  	vm15 =	vlt.u32 v39, $0xC8;
	v28 =	vor.u32 v30, v28  }
0x3d7: {  	v28 =	vor.u32 v5, v28;
	_ =	sdelay $0x4  }
0x3d8: {  	[tilespmem:v28+s11+$0x0] =	vst.idx.msk vm15, v2  }
0x3d9: {  	v28 =	vld [tilespmem:s17+$0x40];
	_ =	sdelay $0x4  }
0x3da: {  	v28 =	vmul.f32 v28, v23;
	_ =	sdelay $0x1  }
0x3db: {  	v28 =	vtrunc.f32 v28  }
0x3dc: {  	v28 =	vcvt.f32.s32 v28;
	_ =	sdelay $0x1  }
0x3dd: {  	v41 =	vsub.s32 v28, v27  }
0x3de: {  	v28 =	vshll.u32 v28, $0x7;
	v42 =	vshll.u32 v41, $0x8  }
0x3df: {  	v28 =	vand.u32 $0x380, v28;
	v30 =	vand.u32 $0xFFFFF800, v42  }
0x3e0: {  	vm4 =	vlt.u32 v41, $0xC8;
	v28 =	vor.u32 v30, v28  }
0x3e1: {  	v28 =	vor.u32 v6, v28;
	_ =	sdelay $0x4  }
0x3e2: {  	[tilespmem:v28+s11+$0x0] =	vst.idx.msk vm4, v2  }
0x3e3: {  	v28 =	vld [tilespmem:s17+$0x50];
	_ =	sdelay $0x4  }
0x3e4: {  	v28 =	vmul.f32 v28, v23;
	_ =	sdelay $0x1  }
0x3e5: {  	v28 =	vtrunc.f32 v28  }
0x3e6: {  	v28 =	vcvt.f32.s32 v28;
	_ =	sdelay $0x1  }
0x3e7: {  	v43 =	vsub.s32 v28, v27  }
0x3e8: {  	v28 =	vshll.u32 v28, $0x7;
	v44 =	vshll.u32 v43, $0x8  }
0x3e9: {  	v28 =	vand.u32 $0x380, v28;
	v30 =	vand.u32 $0xFFFFF800, v44  }
0x3ea: {  	vm5 =	vlt.u32 v43, $0xC8;
	v28 =	vor.u32 v30, v28  }
0x3eb: {  	v28 =	vor.u32 v7, v28;
	_ =	sdelay $0x4  }
0x3ec: {  	[tilespmem:v28+s11+$0x0] =	vst.idx.msk vm5, v2  }
0x3ed: {  	v28 =	vld [tilespmem:s17+$0x60];
	_ =	sdelay $0x4  }
0x3ee: {  	v28 =	vmul.f32 v28, v23;
	_ =	sdelay $0x1  }
0x3ef: {  	v28 =	vtrunc.f32 v28  }
0x3f0: {  	v28 =	vcvt.f32.s32 v28;
	_ =	sdelay $0x1  }
0x3f1: {  	v45 =	vsub.s32 v28, v27  }
0x3f2: {  	v28 =	vshll.u32 v28, $0x7;
	v46 =	vshll.u32 v45, $0x8  }
0x3f3: {  	v28 =	vand.u32 $0x380, v28;
	v30 =	vand.u32 $0xFFFFF800, v46  }
0x3f4: {  	vm6 =	vlt.u32 v45, $0xC8;
	v28 =	vor.u32 v30, v28  }
0x3f5: {  	v28 =	vor.u32 v8, v28;
	_ =	sdelay $0x4  }
0x3f6: {  	[tilespmem:v28+s11+$0x0] =	vst.idx.msk vm6, v2  }
0x3f7: {  	v28 =	vld [tilespmem:s17+$0x70];
	_ =	sdelay $0x4  }
0x3f8: {  	v28 =	vmul.f32 v28, v23;
	_ =	sdelay $0x1  }
0x3f9: {  	v28 =	vtrunc.f32 v28  }
0x3fa: {  	v28 =	vcvt.f32.s32 v28;
	_ =	sdelay $0x1  }
0x3fb: {  	v47 =	vsub.s32 v28, v27  }
0x3fc: {  	v28 =	vshll.u32 v28, $0x7;
	v48 =	vshll.u32 v47, $0x8  }
0x3fd: {  	v28 =	vand.u32 $0x380, v28;
	v30 =	vand.u32 $0xFFFFF800, v48  }
0x3fe: {  	vm7 =	vlt.u32 v47, $0xC8;
	v28 =	vor.u32 v30, v28  }
0x3ff: {  	v28 =	vor.u32 v9, v28;
	_ =	sdelay $0x4  }
0x400: {  	[tilespmem:v28+s11+$0x0] =	vst.idx.msk vm7, v2  }
0x401: {  	v28 =	vld [tilespmem:s17+$0x400];
	_ =	sdelay $0x4  }
0x402: {  	v28 =	vmul.f32 v28, v23;
	_ =	sdelay $0x1  }
0x403: {  	v28 =	vtrunc.f32 v28  }
0x404: {  	v28 =	vcvt.f32.s32 v28;
	_ =	sdelay $0x1  }
0x405: {  	v49 =	vsub.s32 v28, v27  }
0x406: {  	v28 =	vshll.u32 v28, $0x7;
	v50 =	vshll.u32 v49, $0x8  }
0x407: {  	v28 =	vand.u32 $0x380, v28;
	v30 =	vand.u32 $0xFFFFF800, v50  }
0x408: {  	vm8 =	vlt.u32 v49, $0xC8;
	v28 =	vor.u32 v30, v28  }
0x409: {  	v28 =	vor.u32 v10, v28;
	_ =	sdelay $0x4  }
0x40a: {  	[tilespmem:v28+s11+$0x0] =	vst.idx.msk vm8, v2  }
0x40b: {  	v28 =	vld [tilespmem:s17+$0x410];
	_ =	sdelay $0x4  }
0x40c: {  	v28 =	vmul.f32 v28, v23;
	_ =	sdelay $0x1  }
0x40d: {  	v28 =	vtrunc.f32 v28  }
0x40e: {  	v28 =	vcvt.f32.s32 v28;
	_ =	sdelay $0x1  }
0x40f: {  	v51 =	vsub.s32 v28, v27  }
0x410: {  	v28 =	vshll.u32 v28, $0x7;
	v52 =	vshll.u32 v51, $0x8  }
0x411: {  	v28 =	vand.u32 $0x380, v28;
	v30 =	vand.u32 $0xFFFFF800, v52  }
0x412: {  	vm9 =	vlt.u32 v51, $0xC8;
	v28 =	vor.u32 v30, v28  }
0x413: {  	v28 =	vor.u32 v11, v28;
	_ =	sdelay $0x4  }
0x414: {  	[tilespmem:v28+s11+$0x0] =	vst.idx.msk vm9, v2  }
0x415: {  	v28 =	vld [tilespmem:s17+$0x420];
	_ =	sdelay $0x4  }
0x416: {  	v28 =	vmul.f32 v28, v23;
	_ =	sdelay $0x1  }
0x417: {  	v28 =	vtrunc.f32 v28  }
0x418: {  	v28 =	vcvt.f32.s32 v28;
	_ =	sdelay $0x1  }
0x419: {  	v53 =	vsub.s32 v28, v27  }
0x41a: {  	v28 =	vshll.u32 v28, $0x7;
	v54 =	vshll.u32 v53, $0x8  }
0x41b: {  	v28 =	vand.u32 $0x380, v28;
	v30 =	vand.u32 $0xFFFFF800, v54  }
0x41c: {  	vm10 =	vlt.u32 v53, $0xC8;
	v28 =	vor.u32 v30, v28  }
0x41d: {  	v28 =	vor.u32 v12, v28;
	_ =	sdelay $0x4  }
0x41e: {  	[tilespmem:v28+s11+$0x0] =	vst.idx.msk vm10, v2  }
0x41f: {  	v28 =	vld [tilespmem:s17+$0x430];
	_ =	sdelay $0x4  }
0x420: {  	v28 =	vmul.f32 v28, v23;
	_ =	sdelay $0x1  }
0x421: {  	v28 =	vtrunc.f32 v28  }
0x422: {  	v28 =	vcvt.f32.s32 v28;
	_ =	sdelay $0x1  }
0x423: {  	v55 =	vsub.s32 v28, v27  }
0x424: {  	v28 =	vshll.u32 v28, $0x7;
	v56 =	vshll.u32 v55, $0x8  }
0x425: {  	v28 =	vand.u32 $0x380, v28;
	v30 =	vand.u32 $0xFFFFF800, v56  }
0x426: {  	vm11 =	vlt.u32 v55, $0xC8;
	v28 =	vor.u32 v30, v28  }
0x427: {  	v28 =	vor.u32 v13, v28;
	_ =	sdelay $0x4  }
0x428: {  	[tilespmem:v28+s11+$0x0] =	vst.idx.msk vm11, v2  }
0x429: {  	v28 =	vld [tilespmem:s17+$0x440];
	_ =	sdelay $0x4  }
0x42a: {  	v28 =	vmul.f32 v28, v23;
	_ =	sdelay $0x1  }
0x42b: {  	v28 =	vtrunc.f32 v28  }
0x42c: {  	v28 =	vcvt.f32.s32 v28;
	_ =	sdelay $0x1  }
0x42d: {  	v57 =	vsub.s32 v28, v27  }
0x42e: {  	v28 =	vshll.u32 v28, $0x7;
	v58 =	vshll.u32 v57, $0x8  }
0x42f: {  	v28 =	vand.u32 $0x380, v28;
	v30 =	vand.u32 $0xFFFFF800, v58  }
0x430: {  	vm12 =	vlt.u32 v57, $0xC8;
	v28 =	vor.u32 v30, v28  }
0x431: {  	v28 =	vor.u32 v14, v28;
	_ =	sdelay $0x4  }
0x432: {  	[tilespmem:v28+s11+$0x0] =	vst.idx.msk vm12, v2  }
0x433: {  	v28 =	vld [tilespmem:s17+$0x450];
	_ =	sdelay $0x4  }
0x434: {  	v28 =	vmul.f32 v28, v23;
	_ =	sdelay $0x1  }
0x435: {  	v28 =	vtrunc.f32 v28  }
0x436: {  	v28 =	vcvt.f32.s32 v28;
	_ =	sdelay $0x1  }
0x437: {  	v59 =	vsub.s32 v28, v27  }
0x438: {  	v28 =	vshll.u32 v28, $0x7;
	v60 =	vshll.u32 v59, $0x8  }
0x439: {  	v28 =	vand.u32 $0x380, v28;
	v30 =	vand.u32 $0xFFFFF800, v60  }
0x43a: {  	vm13 =	vlt.u32 v59, $0xC8;
	v28 =	vor.u32 v30, v28  }
0x43b: {  	v28 =	vor.u32 v15, v28;
	_ =	sdelay $0x4  }
0x43c: {  	[tilespmem:v28+s11+$0x0] =	vst.idx.msk vm13, v2  }
0x43d: {  	v28 =	vld [tilespmem:s17+$0x460];
	_ =	sdelay $0x4  }
0x43e: {  	v28 =	vmul.f32 v28, v23;
	_ =	sdelay $0x1  }
0x43f: {  	v28 =	vtrunc.f32 v28  }
0x440: {  	v28 =	vcvt.f32.s32 v28;
	_ =	sdelay $0x1  }
0x441: {  	v61 =	vsub.s32 v28, v27  }
0x442: {  	v28 =	vshll.u32 v28, $0x7;
	v62 =	vshll.u32 v61, $0x8  }
0x443: {  	v28 =	vand.u32 $0x380, v28;
	v30 =	vand.u32 $0xFFFFF800, v62  }
0x444: {  	vm14 =	vlt.u32 v61, $0xC8;
	v28 =	vor.u32 v30, v28  }
0x445: {  	v28 =	vor.u32 v16, v28;
	_ =	sdelay $0x4  }
0x446: {  	[tilespmem:v28+s11+$0x0] =	vst.idx.msk vm14, v2  }
0x447: {  	v28 =	vld [tilespmem:s17+$0x470];
	_ =	sdelay $0x4  }
0x448: {  	v28 =	vmul.f32 v28, v23;
	_ =	sdelay $0x1  }
0x449: {  	v28 =	vtrunc.f32 v28  }
0x44a: {  	v28 =	vcvt.f32.s32 v28;
	_ =	sdelay $0x1  }
0x44b: {  	v27 =	vsub.s32 v28, v27  }
0x44c: {  	v28 =	vshll.u32 v28, $0x7;
	v63 =	vshll.u32 v27, $0x8  }
0x44d: {  	v28 =	vand.u32 $0x380, v28;
	v29 =	vand.u32 $0xFFFFF800, v63  }
0x44e: {  	s15 =	sadd.s32 s15, s4;
	vm15 =	vlt.u32 v27, $0xC8;
	v27 =	vor.u32 v29, v28  }
0x44f: {  	s15 =	smul.u32 $0x3E800, s15;
	v27 =	vor.u32 v17, v27  }
0x450: {  	p0 =	sne.s32 s14, $0x13;
	s16 =	smul.u32 $0xC800, s16  }
.Ltmp2:
0x451: {  	_ = 	snop;
	(pc) =	sbr.rel @p0 .LBB2_6-.Ltmp2, $4  }
0x452: {  	s15 =	sadd.s32 s16, s15  }
0x453: {  	s15 =	sshrl.u32 s15, $0x3  }
0x454: {  	s14 =	sadd.s32 $0x1, s14;
	s15 =	sadd.s32 s1, s15;
	[tilespmem:v27+s11+$0x0] =	vst.idx.msk vm15, v2  }
0x455: {  	[hbm4b:s15+s2] =	stream.linear.scatter [tilespmem:s11], [sflag:$0x2], $0xC800, $0x38;
	[tilespmem:$0x19800] =	vst v63  }
0x456: {  	s13 =	sadd.s32 $0x1, s13  }
0x457: {  	_ =	swait.ge [sflag:s9], $0xC800;
	p0 =	sne.s32 s13, s8  }
.Ltmp3:
0x458: {  	[sflag:s9] =	ssyncset.done $0x0;
	(pc) =	sbr.rel @p0 .LBB2_1-.Ltmp3, $4  }
0x459: {  	[sflag:s9] =	ssyncadd.s32 $0xFFFF3800  }
0x45a: {  	_ =	swait.ge [sflag:s12], $0xC800  }
0x45b: {  	[sflag:s12] =	ssyncset.done $0x0  }
0x45c: {  	[sflag:s12] =	ssyncadd.s32 $0xFFFF3800  }
0x45d: {  	_ =	sfence.sel $0x180000  }
0x45e: {  	[bflag:$0x0] =	sbarrier.arrive $0xFFFF  }
0x45f: {  	p0 =	sne.s32 s3, $0x0;
	_ =	strace $0x90000047  }
0x460: {  	s0 =	sadd.s32 @!p0 $0x100000, s0;
	[bflag:$0x2] =	sbarrier.arrive $0xFFFF  }
0x461: {  	[sflag:s0] =	ssyncadd.tile.s32 @!p0 $0x1;
	_ =	shalt  }
.Lfunc_end2:
_tile_overlayer_lowered:
.L_overlay_start_2:
0x462: {  	(tag) =	ssettag $0x2  }
0x463: {  	s0 =	rddreg [dreg:$0x0];
	s2 =	stileid.u32  }
0x464: {  	s1 =	rddreg [dreg:$0x1];
	p0 =	sne.s32 s2, $0x0  }
0x465: {  	s3 =	rddreg [dreg:$0x2];
	[bflag:$0x3] =	sbarrier.arrive $0xFFFF;
	s2 =	simm.s32 @!p0 $0x1C03  }
0x466: {  	[timem:s3], [sflag:s2] =	dma.local @!p0 [hbm:s0], s1  }
0x467: {  	s0 =	simm.s32 @!p0 $0x3  }
0x468: {  	_ =	swait.ge @!p0 [sflag:s0], s1  }
0x469: {  	s1 =	ssub.s32 @!p0 $0x0, s1;
	[sflag:s0] =	ssyncset.done @!p0 $0x0  }
0x46a: {  	[sflag:s0] =	ssyncadd.s32 @!p0 s1  }
0x46b: {  	[bflag:$0x3] =	sbarrier.arrive $0xFFFF  }
0x46c: {  	_ =	shalt  }

</sc_bundles>
